<compile_context>
chip_gen: v7x
topology: tpu7x:2x2x1
jax: 0.10.2.dev20260603
libtpu: 0.0.44.dev20260713+nightly
codegen_flags: <defaults>
</compile_context>

<pallas_src>
import jax
import jax.numpy as jnp
from jax import lax
from jax.experimental import pallas as pl
from jax.experimental.pallas import tpu as pltpu
from jax.experimental.pallas import tpu_sc as plsc

N_POINTS = 100000
N_BINS = 512
NC = 2
NS = 16
L = 16

CHUNK1 = 6272
CHUNK1_LAST = N_POINTS - (NS - 1) * CHUNK1
P1_CHUNKS = ((768, 4), (2752, 4), (2752, 4))
P1_CHUNKS_LAST = ((640, 4), (2640, 5), (2640, 5))
HALF1 = CHUNK1 // 2
HALF1_LAST = CHUNK1_LAST // 2
NBP = 576
ACC = 4 * NBP
PLY = NBP
COLCH = ACC // NS


def _rsqrt(x):
    xb = plsc.bitcast(x, jnp.int32)
    y = plsc.bitcast(jnp.int32(0x5F3759DF) - lax.shift_right_logical(xb, 1),
                     jnp.float32)
    hx = x * 0.5
    for _ in range(3):
        y = y * (1.5 - hx * y * y)
    return y


def _floxels_kernel(fx_hbm, fy_hbm, fz_hbm, clus_hbm, out_hbm,
                    fx_v, fy_v, fz_v, clus_v, hist_v, colchunk_v,
                    combchunk_v, out_v, sem_a, sem_b, part_sh, comb_sh):
    c = lax.axis_index("c")
    s = lax.axis_index("s")
    zeros16 = jnp.zeros((L,), jnp.float32)
    ones16 = jnp.ones((L,), jnp.float32)

    def fire(base, npts, lb, sem):
        return [
            pltpu.async_copy(fx_hbm.at[pl.ds(base, npts)],
                             fx_v.at[pl.ds(lb, npts)], sem),
            pltpu.async_copy(fy_hbm.at[pl.ds(base, npts)],
                             fy_v.at[pl.ds(lb, npts)], sem),
            pltpu.async_copy(fz_hbm.at[pl.ds(base, npts)],
                             fz_v.at[pl.ds(lb, npts)], sem),
            pltpu.async_copy(clus_hbm.at[pl.ds(base, npts)],
                             clus_v.at[pl.ds(lb, npts)], sem),
        ]

    def p1_loop(lb, npts, unroll):
        @plsc.parallel_loop(lb, lb + npts, step=L, unroll=unroll)
        def _p1(b):
            cl = clus_v[pl.ds(b, L)]
            plsc.addupdate_scatter(hist_v, [cl], fx_v[pl.ds(b, L)])
            plsc.addupdate_scatter(hist_v, [cl + PLY], fy_v[pl.ds(b, L)])
            plsc.addupdate_scatter(hist_v, [cl + 2 * PLY], fz_v[pl.ds(b, L)])
            plsc.addupdate_scatter(hist_v, [cl + 3 * PLY], ones16)

    def phase1(base, chunks):
        (sz0, u0), (sz1, u1), (sz2, u2) = chunks
        cps0 = fire(base, sz0, 0, sem_a)
        cps1 = fire(base + sz0, sz1, sz0, sem_b)

        @plsc.parallel_loop(0, ACC, step=L, unroll=4)
        def _zero(b):
            hist_v[pl.ds(b, L)] = zeros16

        for cp in cps0:
            cp.wait()
        cps2 = fire(base + sz0 + sz1, sz2, sz0 + sz1, sem_a)
        p1_loop(0, sz0, u0)
        for cp in cps1:
            cp.wait()
        p1_loop(sz0, sz1, u1)
        for cp in cps2:
            cp.wait()
        p1_loop(sz0 + sz1, sz2, u2)

    with jax.named_scope("p1"):
        pl.when(s < NS - 1)(lambda: phase1(s * CHUNK1, P1_CHUNKS))
        pl.when(s == NS - 1)(lambda: phase1((NS - 1) * CHUNK1, P1_CHUNKS_LAST))

    scope2 = jax.named_scope("p2")
    scope2.__enter__()
    pltpu.sync_copy(hist_v, part_sh.at[pl.ds(s * ACC, ACC)])
    plsc.subcore_barrier()
    cps = [
        pltpu.async_copy(part_sh.at[pl.ds(l * ACC + s * COLCH, COLCH)],
                         colchunk_v.at[pl.ds(l * COLCH, COLCH)], sem_a)
        for l in range(NS)
    ]
    for cp in cps:
        cp.wait()

    @plsc.parallel_loop(0, COLCH, step=L)
    def _p2(b):
        acc = colchunk_v[pl.ds(b, L)]
        for l in range(1, NS):
            acc = acc + colchunk_v[pl.ds(l * COLCH + b, L)]
        combchunk_v[pl.ds(b, L)] = acc

    pltpu.sync_copy(combchunk_v, comb_sh.at[pl.ds(s * COLCH, COLCH)])
    plsc.subcore_barrier()
    pltpu.sync_copy(comb_sh, hist_v)
    scope2.__exit__(None, None, None)

    @plsc.parallel_loop(0, PLY, step=L, unroll=4)
    def _p3(b):
        den_r = 1.0 / jnp.maximum(hist_v[pl.ds(3 * PLY + b, L)], 1.0)
        hist_v[pl.ds(b, L)] = hist_v[pl.ds(b, L)] * den_r
        hist_v[pl.ds(PLY + b, L)] = hist_v[pl.ds(PLY + b, L)] * den_r
        hist_v[pl.ds(2 * PLY + b, L)] = hist_v[pl.ds(2 * PLY + b, L)] * den_r

    def phase4(base, lb, npts, unroll):
        @plsc.parallel_loop(0, npts, step=L, unroll=unroll)
        def _p4(b):
            cl = clus_v[pl.ds(lb + b, L)]
            dx = fx_v[pl.ds(lb + b, L)] - plsc.load_gather(hist_v, [cl])
            dy = fy_v[pl.ds(lb + b, L)] - plsc.load_gather(hist_v, [cl + PLY])
            dz = fz_v[pl.ds(lb + b, L)] - plsc.load_gather(hist_v,
                                                           [cl + 2 * PLY])
            ss = dx * dx + dy * dy + dz * dz
            out_v[pl.ds(b, L)] = ss * _rsqrt(jnp.maximum(ss, 1e-30))

        pltpu.sync_copy(out_v.at[pl.ds(0, npts)],
                        out_hbm.at[pl.ds(base + lb, npts)])

    with jax.named_scope("p4"):
        pl.when(s < NS - 1)(lambda: phase4(s * CHUNK1, c * HALF1, HALF1, 4))
        pl.when(s == NS - 1)(lambda: phase4((NS - 1) * CHUNK1,
                                            c * HALF1_LAST, HALF1_LAST, 5))


@jax.jit
def kernel(flow, clusters):
    fx = flow[:, 0]
    fy = flow[:, 1]
    fz = flow[:, 2]

    mesh = plsc.VectorSubcoreMesh(core_axis_name="c", subcore_axis_name="s")
    run = pl.kernel(
        _floxels_kernel,
        mesh=mesh,
        compiler_params=pltpu.CompilerParams(needs_layout_passes=False),
        out_type=jax.ShapeDtypeStruct((N_POINTS,), jnp.float32),
        scratch_types=[
            pltpu.VMEM((CHUNK1,), jnp.float32),
            pltpu.VMEM((CHUNK1,), jnp.float32),
            pltpu.VMEM((CHUNK1,), jnp.float32),
            pltpu.VMEM((CHUNK1,), jnp.int32),
            pltpu.VMEM((ACC,), jnp.float32),
            pltpu.VMEM((NS * COLCH,), jnp.float32),
            pltpu.VMEM((COLCH,), jnp.float32),
            pltpu.VMEM((HALF1,), jnp.float32),
            pltpu.SemaphoreType.DMA,
            pltpu.SemaphoreType.DMA,
            pltpu.VMEM_SHARED((NS * ACC,), jnp.float32),
            pltpu.VMEM_SHARED((ACC,), jnp.float32),
        ],
    )
    return run(fx, fy, fz, clusters)

# --- scband reference (transcript-rebuilt; emitter-appended) ---
"""Pipeline reference for scband-floxels-86337432584228 (READ-ONLY COPY).

The authoritative reference and input builder live on the scoring server;
editing this copy changes nothing except your own understanding.
"""

import jax, jax.numpy as jnp
import numpy as np

def setup_inputs(seed: int = 0) -> dict:
    key = jax.random.key(seed)
    k1, k2 = jax.random.split(key)
    flow = jax.random.normal(k1, (100000, 3), dtype=jnp.float32)
    clusters = jax.random.randint(k2, (100000,), 0, 512, dtype=jnp.int32)
    return {"flow": flow, "clusters": clusters}

def reference(flow, clusters):
    # Faithful translation of Floxels.cluster_loss: per-cluster mean flow via
    # scatter-add, then per-point L2 deviation from the cluster mean.
    n_bins = 512
    cluster_sums = jnp.zeros((n_bins, 3), dtype=flow.dtype).at[clusters].add(flow)
    cluster_counts = jnp.zeros((n_bins, 1), dtype=flow.dtype).at[clusters].add(jnp.ones((flow.shape[0], 1), dtype=flow.dtype))
    cluster_means = cluster_sums / cluster_counts
    mean_expanded = cluster_means[clusters]
    l2_loss_per_point = jnp.linalg.norm(flow - mean_expanded, axis=1)
    return l2_loss_per_point

if __name__ == "__main__":
    import jax
    _d = setup_inputs()
    print(jax.jit(kernel)(*tuple(_d.values())))

</pallas_src>

<mosaic_0001>
#map = affine_map<(d0, d1) -> (0)>
module attributes {stable_mosaic.version = 14 : i64} {
  func.func @_floxels_kernel(%arg0: i32, %arg1: i32, %arg2: memref<100000xf32, #tpu.memory_space<hbm>>, %arg3: memref<100000xf32, #tpu.memory_space<hbm>>, %arg4: memref<100000xf32, #tpu.memory_space<hbm>>, %arg5: memref<100000xi32, #tpu.memory_space<hbm>>, %arg6: memref<100000xf32, #tpu.memory_space<hbm>>, %arg7: memref<6272xf32, #tpu.memory_space<vmem>>, %arg8: memref<6272xf32, #tpu.memory_space<vmem>>, %arg9: memref<6272xf32, #tpu.memory_space<vmem>>, %arg10: memref<6272xi32, #tpu.memory_space<vmem>>, %arg11: memref<2304xf32, #tpu.memory_space<vmem>>, %arg12: memref<2304xf32, #tpu.memory_space<vmem>>, %arg13: memref<144xf32, #tpu.memory_space<vmem>>, %arg14: memref<3136xf32, #tpu.memory_space<vmem>>, %arg15: memref<!tpu.dma_semaphore, #tpu.memory_space<semaphore_mem>>, %arg16: memref<!tpu.dma_semaphore, #tpu.memory_space<semaphore_mem>>, %arg17: memref<36864xf32, #tpu.memory_space<vmem_shared>>, %arg18: memref<2304xf32, #tpu.memory_space<vmem_shared>>) attributes {dimension_semantics = [#tpu.dimension_semantics<core_parallel>, #tpu.dimension_semantics<subcore_parallel>], iteration_bounds = array<i64: 2, 16>, scalar_prefetch = 0 : i64, scratch_operands = 12 : i64, tpu.core_type = #tpu.core_type<sc_vector_subcore>, window_params = [{transform_indices = #map}, {transform_indices = #map}, {transform_indices = #map}, {transform_indices = #map}, {transform_indices = #map}]} {
    %broadcast_in_dim3A = arith.constant 0.000000e+00 : f32
    %broadcast_in_dim3A_0 = vector.broadcast %broadcast_in_dim3A : f32 to vector<16xf32>
    %broadcast_in_dim3A_1 = arith.constant 1.000000e+00 : f32
    %broadcast_in_dim3A_2 = vector.broadcast %broadcast_in_dim3A_1 : f32 to vector<16xf32>
    %lt3A = arith.constant 15 : i32
    "tpu.trace_start"() <{level = 10 : i32, message = "p1"}> : () -> ()
    %lt3A_3 = arith.cmpi slt, %arg1, %lt3A : i32
    %convert_element_type3A = arith.extui %lt3A_3 : i1 to i32
    %cond3A = arith.constant 0 : i32
    %cond3A_4 = arith.cmpi ne, %convert_element_type3A, %cond3A : i32
    scf.if %cond3A_4 {
      %mul3A_281 = arith.constant 6272 : i32
      %mul3A_282 = arith.muli %arg1, %mul3A_281 : i32
      %dma_start3A_283 = arith.constant 0 : i32
      %dma_start3A_284 = tpu.memref_slice %arg7[%dma_start3A_283] : memref<6272xf32, #tpu.memory_space<vmem>> -> memref<768xf32, #tpu.memory_space<vmem>>
      %dma_start3A_285 = tpu.memref_slice %arg2[%mul3A_282] : memref<100000xf32, #tpu.memory_space<hbm>> -> memref<768xf32, #tpu.memory_space<hbm>>
      %dma_start3A_286 = arith.constant 0 : i32
      %dma_start3A_287 = tpu.memref_slice %arg7[%dma_start3A_286] : memref<6272xf32, #tpu.memory_space<vmem>> -> memref<768xf32, #tpu.memory_space<vmem>>
      %dma_start3A_288 = tpu.memref_slice %arg2[%mul3A_282] : memref<100000xf32, #tpu.memory_space<hbm>> -> memref<768xf32, #tpu.memory_space<hbm>>
      tpu.enqueue_dma source(%dma_start3A_288 : memref<768xf32, #tpu.memory_space<hbm>>) target(%dma_start3A_287 : memref<768xf32, #tpu.memory_space<vmem>>) target_semaphore(%arg15 : memref<!tpu.dma_semaphore, #tpu.memory_space<semaphore_mem>>)
      %dma_start3A_289 = arith.constant 0 : i32
      %dma_start3A_290 = tpu.memref_slice %arg8[%dma_start3A_289] : memref<6272xf32, #tpu.memory_space<vmem>> -> memref<768xf32, #tpu.memory_space<vmem>>
      %dma_start3A_291 = tpu.memref_slice %arg3[%mul3A_282] : memref<100000xf32, #tpu.memory_space<hbm>> -> memref<768xf32, #tpu.memory_space<hbm>>
      %dma_start3A_292 = arith.constant 0 : i32
      %dma_start3A_293 = tpu.memref_slice %arg8[%dma_start3A_292] : memref<6272xf32, #tpu.memory_space<vmem>> -> memref<768xf32, #tpu.memory_space<vmem>>
      %dma_start3A_294 = tpu.memref_slice %arg3[%mul3A_282] : memref<100000xf32, #tpu.memory_space<hbm>> -> memref<768xf32, #tpu.memory_space<hbm>>
      tpu.enqueue_dma source(%dma_start3A_294 : memref<768xf32, #tpu.memory_space<hbm>>) target(%dma_start3A_293 : memref<768xf32, #tpu.memory_space<vmem>>) target_semaphore(%arg15 : memref<!tpu.dma_semaphore, #tpu.memory_space<semaphore_mem>>)
      %dma_start3A_295 = arith.constant 0 : i32
      %dma_start3A_296 = tpu.memref_slice %arg9[%dma_start3A_295] : memref<6272xf32, #tpu.memory_space<vmem>> -> memref<768xf32, #tpu.memory_space<vmem>>
      %dma_start3A_297 = tpu.memref_slice %arg4[%mul3A_282] : memref<100000xf32, #tpu.memory_space<hbm>> -> memref<768xf32, #tpu.memory_space<hbm>>
      %dma_start3A_298 = arith.constant 0 : i32
      %dma_start3A_299 = tpu.memref_slice %arg9[%dma_start3A_298] : memref<6272xf32, #tpu.memory_space<vmem>> -> memref<768xf32, #tpu.memory_space<vmem>>
      %dma_start3A_300 = tpu.memref_slice %arg4[%mul3A_282] : memref<100000xf32, #tpu.memory_space<hbm>> -> memref<768xf32, #tpu.memory_space<hbm>>
      tpu.enqueue_dma source(%dma_start3A_300 : memref<768xf32, #tpu.memory_space<hbm>>) target(%dma_start3A_299 : memref<768xf32, #tpu.memory_space<vmem>>) target_semaphore(%arg15 : memref<!tpu.dma_semaphore, #tpu.memory_space<semaphore_mem>>)
      %dma_start3A_301 = arith.constant 0 : i32
      %dma_start3A_302 = tpu.memref_slice %arg10[%dma_start3A_301] : memref<6272xi32, #tpu.memory_space<vmem>> -> memref<768xi32, #tpu.memory_space<vmem>>
      %dma_start3A_303 = tpu.memref_slice %arg5[%mul3A_282] : memref<100000xi32, #tpu.memory_space<hbm>> -> memref<768xi32, #tpu.memory_space<hbm>>
      %dma_start3A_304 = arith.constant 0 : i32
      %dma_start3A_305 = tpu.memref_slice %arg10[%dma_start3A_304] : memref<6272xi32, #tpu.memory_space<vmem>> -> memref<768xi32, #tpu.memory_space<vmem>>
      %dma_start3A_306 = tpu.memref_slice %arg5[%mul3A_282] : memref<100000xi32, #tpu.memory_space<hbm>> -> memref<768xi32, #tpu.memory_space<hbm>>
      tpu.enqueue_dma source(%dma_start3A_306 : memref<768xi32, #tpu.memory_space<hbm>>) target(%dma_start3A_305 : memref<768xi32, #tpu.memory_space<vmem>>) target_semaphore(%arg15 : memref<!tpu.dma_semaphore, #tpu.memory_space<semaphore_mem>>)
      %add3A_307 = arith.constant 768 : i32
      %add3A_308 = arith.addi %mul3A_282, %add3A_307 : i32
      %dma_start3A_309 = arith.constant 768 : i32
      %dma_start3A_310 = tpu.memref_slice %arg7[%dma_start3A_309] : memref<6272xf32, #tpu.memory_space<vmem>> -> memref<2752xf32, #tpu.memory_space<vmem>>
      %dma_start3A_311 = tpu.memref_slice %arg2[%add3A_308] : memref<100000xf32, #tpu.memory_space<hbm>> -> memref<2752xf32, #tpu.memory_space<hbm>>
      %dma_start3A_312 = arith.constant 768 : i32
      %dma_start3A_313 = tpu.memref_slice %arg7[%dma_start3A_312] : memref<6272xf32, #tpu.memory_space<vmem>> -> memref<2752xf32, #tpu.memory_space<vmem>>
      %dma_start3A_314 = tpu.memref_slice %arg2[%add3A_308] : memref<100000xf32, #tpu.memory_space<hbm>> -> memref<2752xf32, #tpu.memory_space<hbm>>
      tpu.enqueue_dma source(%dma_start3A_314 : memref<2752xf32, #tpu.memory_space<hbm>>) target(%dma_start3A_313 : memref<2752xf32, #tpu.memory_space<vmem>>) target_semaphore(%arg16 : memref<!tpu.dma_semaphore, #tpu.memory_space<semaphore_mem>>)
      %dma_start3A_315 = arith.constant 768 : i32
      %dma_start3A_316 = tpu.memref_slice %arg8[%dma_start3A_315] : memref<6272xf32, #tpu.memory_space<vmem>> -> memref<2752xf32, #tpu.memory_space<vmem>>
      %dma_start3A_317 = tpu.memref_slice %arg3[%add3A_308] : memref<100000xf32, #tpu.memory_space<hbm>> -> memref<2752xf32, #tpu.memory_space<hbm>>
      %dma_start3A_318 = arith.constant 768 : i32
      %dma_start3A_319 = tpu.memref_slice %arg8[%dma_start3A_318] : memref<6272xf32, #tpu.memory_space<vmem>> -> memref<2752xf32, #tpu.memory_space<vmem>>
      %dma_start3A_320 = tpu.memref_slice %arg3[%add3A_308] : memref<100000xf32, #tpu.memory_space<hbm>> -> memref<2752xf32, #tpu.memory_space<hbm>>
      tpu.enqueue_dma source(%dma_start3A_320 : memref<2752xf32, #tpu.memory_space<hbm>>) target(%dma_start3A_319 : memref<2752xf32, #tpu.memory_space<vmem>>) target_semaphore(%arg16 : memref<!tpu.dma_semaphore, #tpu.memory_space<semaphore_mem>>)
      %dma_start3A_321 = arith.constant 768 : i32
      %dma_start3A_322 = tpu.memref_slice %arg9[%dma_start3A_321] : memref<6272xf32, #tpu.memory_space<vmem>> -> memref<2752xf32, #tpu.memory_space<vmem>>
      %dma_start3A_323 = tpu.memref_slice %arg4[%add3A_308] : memref<100000xf32, #tpu.memory_space<hbm>> -> memref<2752xf32, #tpu.memory_space<hbm>>
      %dma_start3A_324 = arith.constant 768 : i32
      %dma_start3A_325 = tpu.memref_slice %arg9[%dma_start3A_324] : memref<6272xf32, #tpu.memory_space<vmem>> -> memref<2752xf32, #tpu.memory_space<vmem>>
      %dma_start3A_326 = tpu.memref_slice %arg4[%add3A_308] : memref<100000xf32, #tpu.memory_space<hbm>> -> memref<2752xf32, #tpu.memory_space<hbm>>
      tpu.enqueue_dma source(%dma_start3A_326 : memref<2752xf32, #tpu.memory_space<hbm>>) target(%dma_start3A_325 : memref<2752xf32, #tpu.memory_space<vmem>>) target_semaphore(%arg16 : memref<!tpu.dma_semaphore, #tpu.memory_space<semaphore_mem>>)
      %dma_start3A_327 = arith.constant 768 : i32
      %dma_start3A_328 = tpu.memref_slice %arg10[%dma_start3A_327] : memref<6272xi32, #tpu.memory_space<vmem>> -> memref<2752xi32, #tpu.memory_space<vmem>>
      %dma_start3A_329 = tpu.memref_slice %arg5[%add3A_308] : memref<100000xi32, #tpu.memory_space<hbm>> -> memref<2752xi32, #tpu.memory_space<hbm>>
      %dma_start3A_330 = arith.constant 768 : i32
      %dma_start3A_331 = tpu.memref_slice %arg10[%dma_start3A_330] : memref<6272xi32, #tpu.memory_space<vmem>> -> memref<2752xi32, #tpu.memory_space<vmem>>
      %dma_start3A_332 = tpu.memref_slice %arg5[%add3A_308] : memref<100000xi32, #tpu.memory_space<hbm>> -> memref<2752xi32, #tpu.memory_space<hbm>>
      tpu.enqueue_dma source(%dma_start3A_332 : memref<2752xi32, #tpu.memory_space<hbm>>) target(%dma_start3A_331 : memref<2752xi32, #tpu.memory_space<vmem>>) target_semaphore(%arg16 : memref<!tpu.dma_semaphore, #tpu.memory_space<semaphore_mem>>)
      %parallel_loop3A_333 = arith.constant 0 : i32
      %parallel_loop3A_334 = arith.constant 2304 : i32
      %parallel_loop3A_335 = arith.constant 16 : i32
      scf.for %parallel_loop3A_445 = %parallel_loop3A_333 to %parallel_loop3A_334 step %parallel_loop3A_335  : i32 {
        %parallel_loop3A_446 = arith.index_cast %parallel_loop3A_445 : i32 to index
        %parallel_loop3A_447 = tpu.vector_load %arg11[%parallel_loop3A_446] {strides = array<i32>} : memref<2304xf32, #tpu.memory_space<vmem>>, vector<16xf32>,
        tpu.vector_store %arg11[%parallel_loop3A_446], %broadcast_in_dim3A_0 {strides = array<i32>} : memref<2304xf32, #tpu.memory_space<vmem>>, vector<16xf32>,
      } {sc.loop_unroll_factor = 4 : i64, sc.parallel_access}
      %dma_wait3A_336 = arith.constant 0 : i32
      %dma_wait3A_337 = tpu.memref_slice %arg7[%dma_wait3A_336] : memref<6272xf32, #tpu.memory_space<vmem>> -> memref<768xf32, #tpu.memory_space<vmem>>
      %dma_wait3A_338 = tpu.memref_slice %arg2[%mul3A_282] : memref<100000xf32, #tpu.memory_space<hbm>> -> memref<768xf32, #tpu.memory_space<hbm>>
      %dma_wait3A_339 = arith.constant 0 : i32
      %dma_wait3A_340 = tpu.memref_slice %arg7[%dma_wait3A_339] : memref<6272xf32, #tpu.memory_space<vmem>> -> memref<768xf32, #tpu.memory_space<vmem>>
      %dma_wait3A_341 = tpu.memref_slice %arg2[%mul3A_282] : memref<100000xf32, #tpu.memory_space<hbm>> -> memref<768xf32, #tpu.memory_space<hbm>>
      tpu.wait_dma2 semaphore(%arg15 : memref<!tpu.dma_semaphore, #tpu.memory_space<semaphore_mem>>) src(%dma_wait3A_341 : memref<768xf32, #tpu.memory_space<hbm>>) dst(%dma_wait3A_340 : memref<768xf32, #tpu.memory_space<vmem>>)
      %dma_wait3A_342 = arith.constant 0 : i32
      %dma_wait3A_343 = tpu.memref_slice %arg8[%dma_wait3A_342] : memref<6272xf32, #tpu.memory_space<vmem>> -> memref<768xf32, #tpu.memory_space<vmem>>
      %dma_wait3A_344 = tpu.memref_slice %arg3[%mul3A_282] : memref<100000xf32, #tpu.memory_space<hbm>> -> memref<768xf32, #tpu.memory_space<hbm>>
      %dma_wait3A_345 = arith.constant 0 : i32
      %dma_wait3A_346 = tpu.memref_slice %arg8[%dma_wait3A_345] : memref<6272xf32, #tpu.memory_space<vmem>> -> memref<768xf32, #tpu.memory_space<vmem>>
      %dma_wait3A_347 = tpu.memref_slice %arg3[%mul3A_282] : memref<100000xf32, #tpu.memory_space<hbm>> -> memref<768xf32, #tpu.memory_space<hbm>>
      tpu.wait_dma2 semaphore(%arg15 : memref<!tpu.dma_semaphore, #tpu.memory_space<semaphore_mem>>) src(%dma_wait3A_347 : memref<768xf32, #tpu.memory_space<hbm>>) dst(%dma_wait3A_346 : memref<768xf32, #tpu.memory_space<vmem>>)
      %dma_wait3A_348 = arith.constant 0 : i32
      %dma_wait3A_349 = tpu.memref_slice %arg9[%dma_wait3A_348] : memref<6272xf32, #tpu.memory_space<vmem>> -> memref<768xf32, #tpu.memory_space<vmem>>
      %dma_wait3A_350 = tpu.memref_slice %arg4[%mul3A_282] : memref<100000xf32, #tpu.memory_space<hbm>> -> memref<768xf32, #tpu.memory_space<hbm>>
      %dma_wait3A_351 = arith.constant 0 : i32
      %dma_wait3A_352 = tpu.memref_slice %arg9[%dma_wait3A_351] : memref<6272xf32, #tpu.memory_space<vmem>> -> memref<768xf32, #tpu.memory_space<vmem>>
      %dma_wait3A_353 = tpu.memref_slice %arg4[%mul3A_282] : memref<100000xf32, #tpu.memory_space<hbm>> -> memref<768xf32, #tpu.memory_space<hbm>>
      tpu.wait_dma2 semaphore(%arg15 : memref<!tpu.dma_semaphore, #tpu.memory_space<semaphore_mem>>) src(%dma_wait3A_353 : memref<768xf32, #tpu.memory_space<hbm>>) dst(%dma_wait3A_352 : memref<768xf32, #tpu.memory_space<vmem>>)
      %dma_wait3A_354 = arith.constant 0 : i32
      %dma_wait3A_355 = tpu.memref_slice %arg10[%dma_wait3A_354] : memref<6272xi32, #tpu.memory_space<vmem>> -> memref<768xi32, #tpu.memory_space<vmem>>
      %dma_wait3A_356 = tpu.memref_slice %arg5[%mul3A_282] : memref<100000xi32, #tpu.memory_space<hbm>> -> memref<768xi32, #tpu.memory_space<hbm>>
      %dma_wait3A_357 = arith.constant 0 : i32
      %dma_wait3A_358 = tpu.memref_slice %arg10[%dma_wait3A_357] : memref<6272xi32, #tpu.memory_space<vmem>> -> memref<768xi32, #tpu.memory_space<vmem>>
      %dma_wait3A_359 = tpu.memref_slice %arg5[%mul3A_282] : memref<100000xi32, #tpu.memory_space<hbm>> -> memref<768xi32, #tpu.memory_space<hbm>>
      tpu.wait_dma2 semaphore(%arg15 : memref<!tpu.dma_semaphore, #tpu.memory_space<semaphore_mem>>) src(%dma_wait3A_359 : memref<768xi32, #tpu.memory_space<hbm>>) dst(%dma_wait3A_358 : memref<768xi32, #tpu.memory_space<vmem>>)
      %add3A_360 = arith.constant 768 : i32
      %add3A_361 = arith.addi %mul3A_282, %add3A_360 : i32
      %add3A_362 = arith.constant 2752 : i32
      %add3A_363 = arith.addi %add3A_361, %add3A_362 : i32
      %dma_start3A_364 = arith.constant 3520 : i32
      %dma_start3A_365 = tpu.memref_slice %arg7[%dma_start3A_364] : memref<6272xf32, #tpu.memory_space<vmem>> -> memref<2752xf32, #tpu.memory_space<vmem>>
      %dma_start3A_366 = tpu.memref_slice %arg2[%add3A_363] : memref<100000xf32, #tpu.memory_space<hbm>> -> memref<2752xf32, #tpu.memory_space<hbm>>
      %dma_start3A_367 = arith.constant 3520 : i32
      %dma_start3A_368 = tpu.memref_slice %arg7[%dma_start3A_367] : memref<6272xf32, #tpu.memory_space<vmem>> -> memref<2752xf32, #tpu.memory_space<vmem>>
      %dma_start3A_369 = tpu.memref_slice %arg2[%add3A_363] : memref<100000xf32, #tpu.memory_space<hbm>> -> memref<2752xf32, #tpu.memory_space<hbm>>
      tpu.enqueue_dma source(%dma_start3A_369 : memref<2752xf32, #tpu.memory_space<hbm>>) target(%dma_start3A_368 : memref<2752xf32, #tpu.memory_space<vmem>>) target_semaphore(%arg15 : memref<!tpu.dma_semaphore, #tpu.memory_space<semaphore_mem>>)
      %dma_start3A_370 = arith.constant 3520 : i32
      %dma_start3A_371 = tpu.memref_slice %arg8[%dma_start3A_370] : memref<6272xf32, #tpu.memory_space<vmem>> -> memref<2752xf32, #tpu.memory_space<vmem>>
      %dma_start3A_372 = tpu.memref_slice %arg3[%add3A_363] : memref<100000xf32, #tpu.memory_space<hbm>> -> memref<2752xf32, #tpu.memory_space<hbm>>
      %dma_start3A_373 = arith.constant 3520 : i32
      %dma_start3A_374 = tpu.memref_slice %arg8[%dma_start3A_373] : memref<6272xf32, #tpu.memory_space<vmem>> -> memref<2752xf32, #tpu.memory_space<vmem>>
      %dma_start3A_375 = tpu.memref_slice %arg3[%add3A_363] : memref<100000xf32, #tpu.memory_space<hbm>> -> memref<2752xf32, #tpu.memory_space<hbm>>
      tpu.enqueue_dma source(%dma_start3A_375 : memref<2752xf32, #tpu.memory_space<hbm>>) target(%dma_start3A_374 : memref<2752xf32, #tpu.memory_space<vmem>>) target_semaphore(%arg15 : memref<!tpu.dma_semaphore, #tpu.memory_space<semaphore_mem>>)
      %dma_start3A_376 = arith.constant 3520 : i32
      %dma_start3A_377 = tpu.memref_slice %arg9[%dma_start3A_376] : memref<6272xf32, #tpu.memory_space<vmem>> -> memref<2752xf32, #tpu.memory_space<vmem>>
      %dma_start3A_378 = tpu.memref_slice %arg4[%add3A_363] : memref<100000xf32, #tpu.memory_space<hbm>> -> memref<2752xf32, #tpu.memory_space<hbm>>
      %dma_start3A_379 = arith.constant 3520 : i32
      %dma_start3A_380 = tpu.memref_slice %arg9[%dma_start3A_379] : memref<6272xf32, #tpu.memory_space<vmem>> -> memref<2752xf32, #tpu.memory_space<vmem>>
      %dma_start3A_381 = tpu.memref_slice %arg4[%add3A_363] : memref<100000xf32, #tpu.memory_space<hbm>> -> memref<2752xf32, #tpu.memory_space<hbm>>
      tpu.enqueue_dma source(%dma_start3A_381 : memref<2752xf32, #tpu.memory_space<hbm>>) target(%dma_start3A_380 : memref<2752xf32, #tpu.memory_space<vmem>>) target_semaphore(%arg15 : memref<!tpu.dma_semaphore, #tpu.memory_space<semaphore_mem>>)
      %dma_start3A_382 = arith.constant 3520 : i32
      %dma_start3A_383 = tpu.memref_slice %arg10[%dma_start3A_382] : memref<6272xi32, #tpu.memory_space<vmem>> -> memref<2752xi32, #tpu.memory_space<vmem>>
      %dma_start3A_384 = tpu.memref_slice %arg5[%add3A_363] : memref<100000xi32, #tpu.memory_space<hbm>> -> memref<2752xi32, #tpu.memory_space<hbm>>
      %dma_start3A_385 = arith.constant 3520 : i32
      %dma_start3A_386 = tpu.memref_slice %arg10[%dma_start3A_385] : memref<6272xi32, #tpu.memory_space<vmem>> -> memref<2752xi32, #tpu.memory_space<vmem>>
      %dma_start3A_387 = tpu.memref_slice %arg5[%add3A_363] : memref<100000xi32, #tpu.memory_space<hbm>> -> memref<2752xi32, #tpu.memory_space<hbm>>
      tpu.enqueue_dma source(%dma_start3A_387 : memref<2752xi32, #tpu.memory_space<hbm>>) target(%dma_start3A_386 : memref<2752xi32, #tpu.memory_space<vmem>>) target_semaphore(%arg15 : memref<!tpu.dma_semaphore, #tpu.memory_space<semaphore_mem>>)
      %parallel_loop3A_388 = arith.constant 0 : i32
      %parallel_loop3A_389 = arith.constant 768 : i32
      %parallel_loop3A_390 = arith.constant 16 : i32
      scf.for %parallel_loop3A_445 = %parallel_loop3A_388 to %parallel_loop3A_389 step %parallel_loop3A_390  : i32 {
        %parallel_loop3A_446 = arith.index_cast %parallel_loop3A_445 : i32 to index
        %parallel_loop3A_447 = tpu.vector_load %arg10[%parallel_loop3A_446] {strides = array<i32>} : memref<6272xi32, #tpu.memory_space<vmem>>, vector<16xi32>,
        %parallel_loop3A_448 = arith.index_cast %parallel_loop3A_445 : i32 to index
        %parallel_loop3A_449 = tpu.vector_load %arg7[%parallel_loop3A_448] {strides = array<i32>} : memref<6272xf32, #tpu.memory_space<vmem>>, vector<16xf32>,
        tpu.vector_store_idx %arg11[%parallel_loop3A_447], %parallel_loop3A_449 {add = true} : memref<2304xf32, #tpu.memory_space<vmem>>[vector<16xi32>], vector<16xf32>,
        %parallel_loop3A_450 = arith.constant 576 : i32
        %parallel_loop3A_451 = vector.broadcast %parallel_loop3A_450 : i32 to vector<16xi32>
        %parallel_loop3A_452 = arith.addi %parallel_loop3A_447, %parallel_loop3A_451 : vector<16xi32>
        %parallel_loop3A_453 = arith.index_cast %parallel_loop3A_445 : i32 to index
        %parallel_loop3A_454 = tpu.vector_load %arg8[%parallel_loop3A_453] {strides = array<i32>} : memref<6272xf32, #tpu.memory_space<vmem>>, vector<16xf32>,
        tpu.vector_store_idx %arg11[%parallel_loop3A_452], %parallel_loop3A_454 {add = true} : memref<2304xf32, #tpu.memory_space<vmem>>[vector<16xi32>], vector<16xf32>,
        %parallel_loop3A_455 = arith.constant 1152 : i32
        %parallel_loop3A_456 = vector.broadcast %parallel_loop3A_455 : i32 to vector<16xi32>
        %parallel_loop3A_457 = arith.addi %parallel_loop3A_447, %parallel_loop3A_456 : vector<16xi32>
        %parallel_loop3A_458 = arith.index_cast %parallel_loop3A_445 : i32 to index
        %parallel_loop3A_459 = tpu.vector_load %arg9[%parallel_loop3A_458] {strides = array<i32>} : memref<6272xf32, #tpu.memory_space<vmem>>, vector<16xf32>,
        tpu.vector_store_idx %arg11[%parallel_loop3A_457], %parallel_loop3A_459 {add = true} : memref<2304xf32, #tpu.memory_space<vmem>>[vector<16xi32>], vector<16xf32>,
        %parallel_loop3A_460 = arith.constant 1728 : i32
        %parallel_loop3A_461 = vector.broadcast %parallel_loop3A_460 : i32 to vector<16xi32>
        %parallel_loop3A_462 = arith.addi %parallel_loop3A_447, %parallel_loop3A_461 : vector<16xi32>
        tpu.vector_store_idx %arg11[%parallel_loop3A_462], %broadcast_in_dim3A_2 {add = true} : memref<2304xf32, #tpu.memory_space<vmem>>[vector<16xi32>], vector<16xf32>,
      } {sc.loop_unroll_factor = 4 : i64, sc.parallel_access}
      %dma_wait3A_391 = arith.constant 768 : i32
      %dma_wait3A_392 = tpu.memref_slice %arg7[%dma_wait3A_391] : memref<6272xf32, #tpu.memory_space<vmem>> -> memref<2752xf32, #tpu.memory_space<vmem>>
      %dma_wait3A_393 = tpu.memref_slice %arg2[%add3A_308] : memref<100000xf32, #tpu.memory_space<hbm>> -> memref<2752xf32, #tpu.memory_space<hbm>>
      %dma_wait3A_394 = arith.constant 768 : i32
      %dma_wait3A_395 = tpu.memref_slice %arg7[%dma_wait3A_394] : memref<6272xf32, #tpu.memory_space<vmem>> -> memref<2752xf32, #tpu.memory_space<vmem>>
      %dma_wait3A_396 = tpu.memref_slice %arg2[%add3A_308] : memref<100000xf32, #tpu.memory_space<hbm>> -> memref<2752xf32, #tpu.memory_space<hbm>>
      tpu.wait_dma2 semaphore(%arg16 : memref<!tpu.dma_semaphore, #tpu.memory_space<semaphore_mem>>) src(%dma_wait3A_396 : memref<2752xf32, #tpu.memory_space<hbm>>) dst(%dma_wait3A_395 : memref<2752xf32, #tpu.memory_space<vmem>>)
      %dma_wait3A_397 = arith.constant 768 : i32
      %dma_wait3A_398 = tpu.memref_slice %arg8[%dma_wait3A_397] : memref<6272xf32, #tpu.memory_space<vmem>> -> memref<2752xf32, #tpu.memory_space<vmem>>
      %dma_wait3A_399 = tpu.memref_slice %arg3[%add3A_308] : memref<100000xf32, #tpu.memory_space<hbm>> -> memref<2752xf32, #tpu.memory_space<hbm>>
      %dma_wait3A_400 = arith.constant 768 : i32
      %dma_wait3A_401 = tpu.memref_slice %arg8[%dma_wait3A_400] : memref<6272xf32, #tpu.memory_space<vmem>> -> memref<2752xf32, #tpu.memory_space<vmem>>
      %dma_wait3A_402 = tpu.memref_slice %arg3[%add3A_308] : memref<100000xf32, #tpu.memory_space<hbm>> -> memref<2752xf32, #tpu.memory_space<hbm>>
      tpu.wait_dma2 semaphore(%arg16 : memref<!tpu.dma_semaphore, #tpu.memory_space<semaphore_mem>>) src(%dma_wait3A_402 : memref<2752xf32, #tpu.memory_space<hbm>>) dst(%dma_wait3A_401 : memref<2752xf32, #tpu.memory_space<vmem>>)
      %dma_wait3A_403 = arith.constant 768 : i32
      %dma_wait3A_404 = tpu.memref_slice %arg9[%dma_wait3A_403] : memref<6272xf32, #tpu.memory_space<vmem>> -> memref<2752xf32, #tpu.memory_space<vmem>>
      %dma_wait3A_405 = tpu.memref_slice %arg4[%add3A_308] : memref<100000xf32, #tpu.memory_space<hbm>> -> memref<2752xf32, #tpu.memory_space<hbm>>
      %dma_wait3A_406 = arith.constant 768 : i32
      %dma_wait3A_407 = tpu.memref_slice %arg9[%dma_wait3A_406] : memref<6272xf32, #tpu.memory_space<vmem>> -> memref<2752xf32, #tpu.memory_space<vmem>>
      %dma_wait3A_408 = tpu.memref_slice %arg4[%add3A_308] : memref<100000xf32, #tpu.memory_space<hbm>> -> memref<2752xf32, #tpu.memory_space<hbm>>
      tpu.wait_dma2 semaphore(%arg16 : memref<!tpu.dma_semaphore, #tpu.memory_space<semaphore_mem>>) src(%dma_wait3A_408 : memref<2752xf32, #tpu.memory_space<hbm>>) dst(%dma_wait3A_407 : memref<2752xf32, #tpu.memory_space<vmem>>)
      %dma_wait3A_409 = arith.constant 768 : i32
      %dma_wait3A_410 = tpu.memref_slice %arg10[%dma_wait3A_409] : memref<6272xi32, #tpu.memory_space<vmem>> -> memref<2752xi32, #tpu.memory_space<vmem>>
      %dma_wait3A_411 = tpu.memref_slice %arg5[%add3A_308] : memref<100000xi32, #tpu.memory_space<hbm>> -> memref<2752xi32, #tpu.memory_space<hbm>>
      %dma_wait3A_412 = arith.constant 768 : i32
      %dma_wait3A_413 = tpu.memref_slice %arg10[%dma_wait3A_412] : memref<6272xi32, #tpu.memory_space<vmem>> -> memref<2752xi32, #tpu.memory_space<vmem>>
      %dma_wait3A_414 = tpu.memref_slice %arg5[%add3A_308] : memref<100000xi32, #tpu.memory_space<hbm>> -> memref<2752xi32, #tpu.memory_space<hbm>>
      tpu.wait_dma2 semaphore(%arg16 : memref<!tpu.dma_semaphore, #tpu.memory_space<semaphore_mem>>) src(%dma_wait3A_414 : memref<2752xi32, #tpu.memory_space<hbm>>) dst(%dma_wait3A_413 : memref<2752xi32, #tpu.memory_space<vmem>>)
      %parallel_loop3A_415 = arith.constant 768 : i32
      %parallel_loop3A_416 = arith.constant 3520 : i32
      %parallel_loop3A_417 = arith.constant 16 : i32
      scf.for %parallel_loop3A_445 = %parallel_loop3A_415 to %parallel_loop3A_416 step %parallel_loop3A_417  : i32 {
        %parallel_loop3A_446 = arith.index_cast %parallel_loop3A_445 : i32 to index
        %parallel_loop3A_447 = tpu.vector_load %arg10[%parallel_loop3A_446] {strides = array<i32>} : memref<6272xi32, #tpu.memory_space<vmem>>, vector<16xi32>,
        %parallel_loop3A_448 = arith.index_cast %parallel_loop3A_445 : i32 to index
        %parallel_loop3A_449 = tpu.vector_load %arg7[%parallel_loop3A_448] {strides = array<i32>} : memref<6272xf32, #tpu.memory_space<vmem>>, vector<16xf32>,
        tpu.vector_store_idx %arg11[%parallel_loop3A_447], %parallel_loop3A_449 {add = true} : memref<2304xf32, #tpu.memory_space<vmem>>[vector<16xi32>], vector<16xf32>,
        %parallel_loop3A_450 = arith.constant 576 : i32
        %parallel_loop3A_451 = vector.broadcast %parallel_loop3A_450 : i32 to vector<16xi32>
        %parallel_loop3A_452 = arith.addi %parallel_loop3A_447, %parallel_loop3A_451 : vector<16xi32>
        %parallel_loop3A_453 = arith.index_cast %parallel_loop3A_445 : i32 to index
        %parallel_loop3A_454 = tpu.vector_load %arg8[%parallel_loop3A_453] {strides = array<i32>} : memref<6272xf32, #tpu.memory_space<vmem>>, vector<16xf32>,
        tpu.vector_store_idx %arg11[%parallel_loop3A_452], %parallel_loop3A_454 {add = true} : memref<2304xf32, #tpu.memory_space<vmem>>[vector<16xi32>], vector<16xf32>,
        %parallel_loop3A_455 = arith.constant 1152 : i32
        %parallel_loop3A_456 = vector.broadcast %parallel_loop3A_455 : i32 to vector<16xi32>
        %parallel_loop3A_457 = arith.addi %parallel_loop3A_447, %parallel_loop3A_456 : vector<16xi32>
        %parallel_loop3A_458 = arith.index_cast %parallel_loop3A_445 : i32 to index
        %parallel_loop3A_459 = tpu.vector_load %arg9[%parallel_loop3A_458] {strides = array<i32>} : memref<6272xf32, #tpu.memory_space<vmem>>, vector<16xf32>,
        tpu.vector_store_idx %arg11[%parallel_loop3A_457], %parallel_loop3A_459 {add = true} : memref<2304xf32, #tpu.memory_space<vmem>>[vector<16xi32>], vector<16xf32>,
        %parallel_loop3A_460 = arith.constant 1728 : i32
        %parallel_loop3A_461 = vector.broadcast %parallel_loop3A_460 : i32 to vector<16xi32>
        %parallel_loop3A_462 = arith.addi %parallel_loop3A_447, %parallel_loop3A_461 : vector<16xi32>
        tpu.vector_store_idx %arg11[%parallel_loop3A_462], %broadcast_in_dim3A_2 {add = true} : memref<2304xf32, #tpu.memory_space<vmem>>[vector<16xi32>], vector<16xf32>,
      } {sc.loop_unroll_factor = 4 : i64, sc.parallel_access}
      %dma_wait3A_418 = arith.constant 3520 : i32
      %dma_wait3A_419 = tpu.memref_slice %arg7[%dma_wait3A_418] : memref<6272xf32, #tpu.memory_space<vmem>> -> memref<2752xf32, #tpu.memory_space<vmem>>
      %dma_wait3A_420 = tpu.memref_slice %arg2[%add3A_363] : memref<100000xf32, #tpu.memory_space<hbm>> -> memref<2752xf32, #tpu.memory_space<hbm>>
      %dma_wait3A_421 = arith.constant 3520 : i32
      %dma_wait3A_422 = tpu.memref_slice %arg7[%dma_wait3A_421] : memref<6272xf32, #tpu.memory_space<vmem>> -> memref<2752xf32, #tpu.memory_space<vmem>>
      %dma_wait3A_423 = tpu.memref_slice %arg2[%add3A_363] : memref<100000xf32, #tpu.memory_space<hbm>> -> memref<2752xf32, #tpu.memory_space<hbm>>
      tpu.wait_dma2 semaphore(%arg15 : memref<!tpu.dma_semaphore, #tpu.memory_space<semaphore_mem>>) src(%dma_wait3A_423 : memref<2752xf32, #tpu.memory_space<hbm>>) dst(%dma_wait3A_422 : memref<2752xf32, #tpu.memory_space<vmem>>)
      %dma_wait3A_424 = arith.constant 3520 : i32
      %dma_wait3A_425 = tpu.memref_slice %arg8[%dma_wait3A_424] : memref<6272xf32, #tpu.memory_space<vmem>> -> memref<2752xf32, #tpu.memory_space<vmem>>
      %dma_wait3A_426 = tpu.memref_slice %arg3[%add3A_363] : memref<100000xf32, #tpu.memory_space<hbm>> -> memref<2752xf32, #tpu.memory_space<hbm>>
      %dma_wait3A_427 = arith.constant 3520 : i32
      %dma_wait3A_428 = tpu.memref_slice %arg8[%dma_wait3A_427] : memref<6272xf32, #tpu.memory_space<vmem>> -> memref<2752xf32, #tpu.memory_space<vmem>>
      %dma_wait3A_429 = tpu.memref_slice %arg3[%add3A_363] : memref<100000xf32, #tpu.memory_space<hbm>> -> memref<2752xf32, #tpu.memory_space<hbm>>
      tpu.wait_dma2 semaphore(%arg15 : memref<!tpu.dma_semaphore, #tpu.memory_space<semaphore_mem>>) src(%dma_wait3A_429 : memref<2752xf32, #tpu.memory_space<hbm>>) dst(%dma_wait3A_428 : memref<2752xf32, #tpu.memory_space<vmem>>)
      %dma_wait3A_430 = arith.constant 3520 : i32
      %dma_wait3A_431 = tpu.memref_slice %arg9[%dma_wait3A_430] : memref<6272xf32, #tpu.memory_space<vmem>> -> memref<2752xf32, #tpu.memory_space<vmem>>
      %dma_wait3A_432 = tpu.memref_slice %arg4[%add3A_363] : memref<100000xf32, #tpu.memory_space<hbm>> -> memref<2752xf32, #tpu.memory_space<hbm>>
      %dma_wait3A_433 = arith.constant 3520 : i32
      %dma_wait3A_434 = tpu.memref_slice %arg9[%dma_wait3A_433] : memref<6272xf32, #tpu.memory_space<vmem>> -> memref<2752xf32, #tpu.memory_space<vmem>>
      %dma_wait3A_435 = tpu.memref_slice %arg4[%add3A_363] : memref<100000xf32, #tpu.memory_space<hbm>> -> memref<2752xf32, #tpu.memory_space<hbm>>
      tpu.wait_dma2 semaphore(%arg15 : memref<!tpu.dma_semaphore, #tpu.memory_space<semaphore_mem>>) src(%dma_wait3A_435 : memref<2752xf32, #tpu.memory_space<hbm>>) dst(%dma_wait3A_434 : memref<2752xf32, #tpu.memory_space<vmem>>)
      %dma_wait3A_436 = arith.constant 3520 : i32
      %dma_wait3A_437 = tpu.memref_slice %arg10[%dma_wait3A_436] : memref<6272xi32, #tpu.memory_space<vmem>> -> memref<2752xi32, #tpu.memory_space<vmem>>
      %dma_wait3A_438 = tpu.memref_slice %arg5[%add3A_363] : memref<100000xi32, #tpu.memory_space<hbm>> -> memref<2752xi32, #tpu.memory_space<hbm>>
      %dma_wait3A_439 = arith.constant 3520 : i32
      %dma_wait3A_440 = tpu.memref_slice %arg10[%dma_wait3A_439] : memref<6272xi32, #tpu.memory_space<vmem>> -> memref<2752xi32, #tpu.memory_space<vmem>>
      %dma_wait3A_441 = tpu.memref_slice %arg5[%add3A_363] : memref<100000xi32, #tpu.memory_space<hbm>> -> memref<2752xi32, #tpu.memory_space<hbm>>
      tpu.wait_dma2 semaphore(%arg15 : memref<!tpu.dma_semaphore, #tpu.memory_space<semaphore_mem>>) src(%dma_wait3A_441 : memref<2752xi32, #tpu.memory_space<hbm>>) dst(%dma_wait3A_440 : memref<2752xi32, #tpu.memory_space<vmem>>)
      %parallel_loop3A_442 = arith.constant 3520 : i32
      %parallel_loop3A_443 = arith.constant 6272 : i32
      %parallel_loop3A_444 = arith.constant 16 : i32
      scf.for %parallel_loop3A_445 = %parallel_loop3A_442 to %parallel_loop3A_443 step %parallel_loop3A_444  : i32 {
        %parallel_loop3A_446 = arith.index_cast %parallel_loop3A_445 : i32 to index
        %parallel_loop3A_447 = tpu.vector_load %arg10[%parallel_loop3A_446] {strides = array<i32>} : memref<6272xi32, #tpu.memory_space<vmem>>, vector<16xi32>,
        %parallel_loop3A_448 = arith.index_cast %parallel_loop3A_445 : i32 to index
        %parallel_loop3A_449 = tpu.vector_load %arg7[%parallel_loop3A_448] {strides = array<i32>} : memref<6272xf32, #tpu.memory_space<vmem>>, vector<16xf32>,
        tpu.vector_store_idx %arg11[%parallel_loop3A_447], %parallel_loop3A_449 {add = true} : memref<2304xf32, #tpu.memory_space<vmem>>[vector<16xi32>], vector<16xf32>,
        %parallel_loop3A_450 = arith.constant 576 : i32
        %parallel_loop3A_451 = vector.broadcast %parallel_loop3A_450 : i32 to vector<16xi32>
        %parallel_loop3A_452 = arith.addi %parallel_loop3A_447, %parallel_loop3A_451 : vector<16xi32>
        %parallel_loop3A_453 = arith.index_cast %parallel_loop3A_445 : i32 to index
        %parallel_loop3A_454 = tpu.vector_load %arg8[%parallel_loop3A_453] {strides = array<i32>} : memref<6272xf32, #tpu.memory_space<vmem>>, vector<16xf32>,
        tpu.vector_store_idx %arg11[%parallel_loop3A_452], %parallel_loop3A_454 {add = true} : memref<2304xf32, #tpu.memory_space<vmem>>[vector<16xi32>], vector<16xf32>,
        %parallel_loop3A_455 = arith.constant 1152 : i32
        %parallel_loop3A_456 = vector.broadcast %parallel_loop3A_455 : i32 to vector<16xi32>
        %parallel_loop3A_457 = arith.addi %parallel_loop3A_447, %parallel_loop3A_456 : vector<16xi32>
        %parallel_loop3A_458 = arith.index_cast %parallel_loop3A_445 : i32 to index
        %parallel_loop3A_459 = tpu.vector_load %arg9[%parallel_loop3A_458] {strides = array<i32>} : memref<6272xf32, #tpu.memory_space<vmem>>, vector<16xf32>,
        tpu.vector_store_idx %arg11[%parallel_loop3A_457], %parallel_loop3A_459 {add = true} : memref<2304xf32, #tpu.memory_space<vmem>>[vector<16xi32>], vector<16xf32>,
        %parallel_loop3A_460 = arith.constant 1728 : i32
        %parallel_loop3A_461 = vector.broadcast %parallel_loop3A_460 : i32 to vector<16xi32>
        %parallel_loop3A_462 = arith.addi %parallel_loop3A_447, %parallel_loop3A_461 : vector<16xi32>
        tpu.vector_store_idx %arg11[%parallel_loop3A_462], %broadcast_in_dim3A_2 {add = true} : memref<2304xf32, #tpu.memory_space<vmem>>[vector<16xi32>], vector<16xf32>,
      } {sc.loop_unroll_factor = 4 : i64, sc.parallel_access}
    } else {
    }
    %eq3A = arith.constant 15 : i32
    %eq3A_5 = arith.cmpi eq, %arg1, %eq3A : i32
    %convert_element_type3A_6 = arith.extui %eq3A_5 : i1 to i32
    %cond3A_7 = arith.constant 0 : i32
    %cond3A_8 = arith.cmpi ne, %convert_element_type3A_6, %cond3A_7 : i32
    scf.if %cond3A_8 {
      %dma_start3A_281 = arith.constant 0 : i32
      %dma_start3A_282 = tpu.memref_slice %arg7[%dma_start3A_281] : memref<6272xf32, #tpu.memory_space<vmem>> -> memref<640xf32, #tpu.memory_space<vmem>>
      %dma_start3A_283 = arith.constant 94080 : i32
      %dma_start3A_284 = tpu.memref_slice %arg2[%dma_start3A_283] : memref<100000xf32, #tpu.memory_space<hbm>> -> memref<640xf32, #tpu.memory_space<hbm>>
      %dma_start3A_285 = arith.constant 0 : i32
      %dma_start3A_286 = tpu.memref_slice %arg7[%dma_start3A_285] : memref<6272xf32, #tpu.memory_space<vmem>> -> memref<640xf32, #tpu.memory_space<vmem>>
      %dma_start3A_287 = arith.constant 94080 : i32
      %dma_start3A_288 = tpu.memref_slice %arg2[%dma_start3A_287] : memref<100000xf32, #tpu.memory_space<hbm>> -> memref<640xf32, #tpu.memory_space<hbm>>
      tpu.enqueue_dma source(%dma_start3A_288 : memref<640xf32, #tpu.memory_space<hbm>>) target(%dma_start3A_286 : memref<640xf32, #tpu.memory_space<vmem>>) target_semaphore(%arg15 : memref<!tpu.dma_semaphore, #tpu.memory_space<semaphore_mem>>)
      %dma_start3A_289 = arith.constant 0 : i32
      %dma_start3A_290 = tpu.memref_slice %arg8[%dma_start3A_289] : memref<6272xf32, #tpu.memory_space<vmem>> -> memref<640xf32, #tpu.memory_space<vmem>>
      %dma_start3A_291 = arith.constant 94080 : i32
      %dma_start3A_292 = tpu.memref_slice %arg3[%dma_start3A_291] : memref<100000xf32, #tpu.memory_space<hbm>> -> memref<640xf32, #tpu.memory_space<hbm>>
      %dma_start3A_293 = arith.constant 0 : i32
      %dma_start3A_294 = tpu.memref_slice %arg8[%dma_start3A_293] : memref<6272xf32, #tpu.memory_space<vmem>> -> memref<640xf32, #tpu.memory_space<vmem>>
      %dma_start3A_295 = arith.constant 94080 : i32
      %dma_start3A_296 = tpu.memref_slice %arg3[%dma_start3A_295] : memref<100000xf32, #tpu.memory_space<hbm>> -> memref<640xf32, #tpu.memory_space<hbm>>
      tpu.enqueue_dma source(%dma_start3A_296 : memref<640xf32, #tpu.memory_space<hbm>>) target(%dma_start3A_294 : memref<640xf32, #tpu.memory_space<vmem>>) target_semaphore(%arg15 : memref<!tpu.dma_semaphore, #tpu.memory_space<semaphore_mem>>)
      %dma_start3A_297 = arith.constant 0 : i32
      %dma_start3A_298 = tpu.memref_slice %arg9[%dma_start3A_297] : memref<6272xf32, #tpu.memory_space<vmem>> -> memref<640xf32, #tpu.memory_space<vmem>>
      %dma_start3A_299 = arith.constant 94080 : i32
      %dma_start3A_300 = tpu.memref_slice %arg4[%dma_start3A_299] : memref<100000xf32, #tpu.memory_space<hbm>> -> memref<640xf32, #tpu.memory_space<hbm>>
      %dma_start3A_301 = arith.constant 0 : i32
      %dma_start3A_302 = tpu.memref_slice %arg9[%dma_start3A_301] : memref<6272xf32, #tpu.memory_space<vmem>> -> memref<640xf32, #tpu.memory_space<vmem>>
      %dma_start3A_303 = arith.constant 94080 : i32
      %dma_start3A_304 = tpu.memref_slice %arg4[%dma_start3A_303] : memref<100000xf32, #tpu.memory_space<hbm>> -> memref<640xf32, #tpu.memory_space<hbm>>
      tpu.enqueue_dma source(%dma_start3A_304 : memref<640xf32, #tpu.memory_space<hbm>>) target(%dma_start3A_302 : memref<640xf32, #tpu.memory_space<vmem>>) target_semaphore(%arg15 : memref<!tpu.dma_semaphore, #tpu.memory_space<semaphore_mem>>)
      %dma_start3A_305 = arith.constant 0 : i32
      %dma_start3A_306 = tpu.memref_slice %arg10[%dma_start3A_305] : memref<6272xi32, #tpu.memory_space<vmem>> -> memref<640xi32, #tpu.memory_space<vmem>>
      %dma_start3A_307 = arith.constant 94080 : i32
      %dma_start3A_308 = tpu.memref_slice %arg5[%dma_start3A_307] : memref<100000xi32, #tpu.memory_space<hbm>> -> memref<640xi32, #tpu.memory_space<hbm>>
      %dma_start3A_309 = arith.constant 0 : i32
      %dma_start3A_310 = tpu.memref_slice %arg10[%dma_start3A_309] : memref<6272xi32, #tpu.memory_space<vmem>> -> memref<640xi32, #tpu.memory_space<vmem>>
      %dma_start3A_311 = arith.constant 94080 : i32
      %dma_start3A_312 = tpu.memref_slice %arg5[%dma_start3A_311] : memref<100000xi32, #tpu.memory_space<hbm>> -> memref<640xi32, #tpu.memory_space<hbm>>
      tpu.enqueue_dma source(%dma_start3A_312 : memref<640xi32, #tpu.memory_space<hbm>>) target(%dma_start3A_310 : memref<640xi32, #tpu.memory_space<vmem>>) target_semaphore(%arg15 : memref<!tpu.dma_semaphore, #tpu.memory_space<semaphore_mem>>)
      %dma_start3A_313 = arith.constant 640 : i32
      %dma_start3A_314 = tpu.memref_slice %arg7[%dma_start3A_313] : memref<6272xf32, #tpu.memory_space<vmem>> -> memref<2640xf32, #tpu.memory_space<vmem>>
      %dma_start3A_315 = arith.constant 94720 : i32
      %dma_start3A_316 = tpu.memref_slice %arg2[%dma_start3A_315] : memref<100000xf32, #tpu.memory_space<hbm>> -> memref<2640xf32, #tpu.memory_space<hbm>>
      %dma_start3A_317 = arith.constant 640 : i32
      %dma_start3A_318 = tpu.memref_slice %arg7[%dma_start3A_317] : memref<6272xf32, #tpu.memory_space<vmem>> -> memref<2640xf32, #tpu.memory_space<vmem>>
      %dma_start3A_319 = arith.constant 94720 : i32
      %dma_start3A_320 = tpu.memref_slice %arg2[%dma_start3A_319] : memref<100000xf32, #tpu.memory_space<hbm>> -> memref<2640xf32, #tpu.memory_space<hbm>>
      tpu.enqueue_dma source(%dma_start3A_320 : memref<2640xf32, #tpu.memory_space<hbm>>) target(%dma_start3A_318 : memref<2640xf32, #tpu.memory_space<vmem>>) target_semaphore(%arg16 : memref<!tpu.dma_semaphore, #tpu.memory_space<semaphore_mem>>)
      %dma_start3A_321 = arith.constant 640 : i32
      %dma_start3A_322 = tpu.memref_slice %arg8[%dma_start3A_321] : memref<6272xf32, #tpu.memory_space<vmem>> -> memref<2640xf32, #tpu.memory_space<vmem>>
      %dma_start3A_323 = arith.constant 94720 : i32
      %dma_start3A_324 = tpu.memref_slice %arg3[%dma_start3A_323] : memref<100000xf32, #tpu.memory_space<hbm>> -> memref<2640xf32, #tpu.memory_space<hbm>>
      %dma_start3A_325 = arith.constant 640 : i32
      %dma_start3A_326 = tpu.memref_slice %arg8[%dma_start3A_325] : memref<6272xf32, #tpu.memory_space<vmem>> -> memref<2640xf32, #tpu.memory_space<vmem>>
      %dma_start3A_327 = arith.constant 94720 : i32
      %dma_start3A_328 = tpu.memref_slice %arg3[%dma_start3A_327] : memref<100000xf32, #tpu.memory_space<hbm>> -> memref<2640xf32, #tpu.memory_space<hbm>>
      tpu.enqueue_dma source(%dma_start3A_328 : memref<2640xf32, #tpu.memory_space<hbm>>) target(%dma_start3A_326 : memref<2640xf32, #tpu.memory_space<vmem>>) target_semaphore(%arg16 : memref<!tpu.dma_semaphore, #tpu.memory_space<semaphore_mem>>)
      %dma_start3A_329 = arith.constant 640 : i32
      %dma_start3A_330 = tpu.memref_slice %arg9[%dma_start3A_329] : memref<6272xf32, #tpu.memory_space<vmem>> -> memref<2640xf32, #tpu.memory_space<vmem>>
      %dma_start3A_331 = arith.constant 94720 : i32
      %dma_start3A_332 = tpu.memref_slice %arg4[%dma_start3A_331] : memref<100000xf32, #tpu.memory_space<hbm>> -> memref<2640xf32, #tpu.memory_space<hbm>>
      %dma_start3A_333 = arith.constant 640 : i32
      %dma_start3A_334 = tpu.memref_slice %arg9[%dma_start3A_333] : memref<6272xf32, #tpu.memory_space<vmem>> -> memref<2640xf32, #tpu.memory_space<vmem>>
      %dma_start3A_335 = arith.constant 94720 : i32
      %dma_start3A_336 = tpu.memref_slice %arg4[%dma_start3A_335] : memref<100000xf32, #tpu.memory_space<hbm>> -> memref<2640xf32, #tpu.memory_space<hbm>>
      tpu.enqueue_dma source(%dma_start3A_336 : memref<2640xf32, #tpu.memory_space<hbm>>) target(%dma_start3A_334 : memref<2640xf32, #tpu.memory_space<vmem>>) target_semaphore(%arg16 : memref<!tpu.dma_semaphore, #tpu.memory_space<semaphore_mem>>)
      %dma_start3A_337 = arith.constant 640 : i32
      %dma_start3A_338 = tpu.memref_slice %arg10[%dma_start3A_337] : memref<6272xi32, #tpu.memory_space<vmem>> -> memref<2640xi32, #tpu.memory_space<vmem>>
      %dma_start3A_339 = arith.constant 94720 : i32
      %dma_start3A_340 = tpu.memref_slice %arg5[%dma_start3A_339] : memref<100000xi32, #tpu.memory_space<hbm>> -> memref<2640xi32, #tpu.memory_space<hbm>>
      %dma_start3A_341 = arith.constant 640 : i32
      %dma_start3A_342 = tpu.memref_slice %arg10[%dma_start3A_341] : memref<6272xi32, #tpu.memory_space<vmem>> -> memref<2640xi32, #tpu.memory_space<vmem>>
      %dma_start3A_343 = arith.constant 94720 : i32
      %dma_start3A_344 = tpu.memref_slice %arg5[%dma_start3A_343] : memref<100000xi32, #tpu.memory_space<hbm>> -> memref<2640xi32, #tpu.memory_space<hbm>>
      tpu.enqueue_dma source(%dma_start3A_344 : memref<2640xi32, #tpu.memory_space<hbm>>) target(%dma_start3A_342 : memref<2640xi32, #tpu.memory_space<vmem>>) target_semaphore(%arg16 : memref<!tpu.dma_semaphore, #tpu.memory_space<semaphore_mem>>)
      %parallel_loop3A_345 = arith.constant 0 : i32
      %parallel_loop3A_346 = arith.constant 2304 : i32
      %parallel_loop3A_347 = arith.constant 16 : i32
      scf.for %parallel_loop3A_485 = %parallel_loop3A_345 to %parallel_loop3A_346 step %parallel_loop3A_347  : i32 {
        %parallel_loop3A_486 = arith.index_cast %parallel_loop3A_485 : i32 to index
        %parallel_loop3A_487 = tpu.vector_load %arg11[%parallel_loop3A_486] {strides = array<i32>} : memref<2304xf32, #tpu.memory_space<vmem>>, vector<16xf32>,
        tpu.vector_store %arg11[%parallel_loop3A_486], %broadcast_in_dim3A_0 {strides = array<i32>} : memref<2304xf32, #tpu.memory_space<vmem>>, vector<16xf32>,
      } {sc.loop_unroll_factor = 4 : i64, sc.parallel_access}
      %dma_wait3A_348 = arith.constant 0 : i32
      %dma_wait3A_349 = tpu.memref_slice %arg7[%dma_wait3A_348] : memref<6272xf32, #tpu.memory_space<vmem>> -> memref<640xf32, #tpu.memory_space<vmem>>
      %dma_wait3A_350 = arith.constant 94080 : i32
      %dma_wait3A_351 = tpu.memref_slice %arg2[%dma_wait3A_350] : memref<100000xf32, #tpu.memory_space<hbm>> -> memref<640xf32, #tpu.memory_space<hbm>>
      %dma_wait3A_352 = arith.constant 0 : i32
      %dma_wait3A_353 = tpu.memref_slice %arg7[%dma_wait3A_352] : memref<6272xf32, #tpu.memory_space<vmem>> -> memref<640xf32, #tpu.memory_space<vmem>>
      %dma_wait3A_354 = arith.constant 94080 : i32
      %dma_wait3A_355 = tpu.memref_slice %arg2[%dma_wait3A_354] : memref<100000xf32, #tpu.memory_space<hbm>> -> memref<640xf32, #tpu.memory_space<hbm>>
      tpu.wait_dma2 semaphore(%arg15 : memref<!tpu.dma_semaphore, #tpu.memory_space<semaphore_mem>>) src(%dma_wait3A_355 : memref<640xf32, #tpu.memory_space<hbm>>) dst(%dma_wait3A_353 : memref<640xf32, #tpu.memory_space<vmem>>)
      %dma_wait3A_356 = arith.constant 0 : i32
      %dma_wait3A_357 = tpu.memref_slice %arg8[%dma_wait3A_356] : memref<6272xf32, #tpu.memory_space<vmem>> -> memref<640xf32, #tpu.memory_space<vmem>>
      %dma_wait3A_358 = arith.constant 94080 : i32
      %dma_wait3A_359 = tpu.memref_slice %arg3[%dma_wait3A_358] : memref<100000xf32, #tpu.memory_space<hbm>> -> memref<640xf32, #tpu.memory_space<hbm>>
      %dma_wait3A_360 = arith.constant 0 : i32
      %dma_wait3A_361 = tpu.memref_slice %arg8[%dma_wait3A_360] : memref<6272xf32, #tpu.memory_space<vmem>> -> memref<640xf32, #tpu.memory_space<vmem>>
      %dma_wait3A_362 = arith.constant 94080 : i32
      %dma_wait3A_363 = tpu.memref_slice %arg3[%dma_wait3A_362] : memref<100000xf32, #tpu.memory_space<hbm>> -> memref<640xf32, #tpu.memory_space<hbm>>
      tpu.wait_dma2 semaphore(%arg15 : memref<!tpu.dma_semaphore, #tpu.memory_space<semaphore_mem>>) src(%dma_wait3A_363 : memref<640xf32, #tpu.memory_space<hbm>>) dst(%dma_wait3A_361 : memref<640xf32, #tpu.memory_space<vmem>>)
      %dma_wait3A_364 = arith.constant 0 : i32
      %dma_wait3A_365 = tpu.memref_slice %arg9[%dma_wait3A_364] : memref<6272xf32, #tpu.memory_space<vmem>> -> memref<640xf32, #tpu.memory_space<vmem>>
      %dma_wait3A_366 = arith.constant 94080 : i32
      %dma_wait3A_367 = tpu.memref_slice %arg4[%dma_wait3A_366] : memref<100000xf32, #tpu.memory_space<hbm>> -> memref<640xf32, #tpu.memory_space<hbm>>
      %dma_wait3A_368 = arith.constant 0 : i32
      %dma_wait3A_369 = tpu.memref_slice %arg9[%dma_wait3A_368] : memref<6272xf32, #tpu.memory_space<vmem>> -> memref<640xf32, #tpu.memory_space<vmem>>
      %dma_wait3A_370 = arith.constant 94080 : i32
      %dma_wait3A_371 = tpu.memref_slice %arg4[%dma_wait3A_370] : memref<100000xf32, #tpu.memory_space<hbm>> -> memref<640xf32, #tpu.memory_space<hbm>>
      tpu.wait_dma2 semaphore(%arg15 : memref<!tpu.dma_semaphore, #tpu.memory_space<semaphore_mem>>) src(%dma_wait3A_371 : memref<640xf32, #tpu.memory_space<hbm>>) dst(%dma_wait3A_369 : memref<640xf32, #tpu.memory_space<vmem>>)
      %dma_wait3A_372 = arith.constant 0 : i32
      %dma_wait3A_373 = tpu.memref_slice %arg10[%dma_wait3A_372] : memref<6272xi32, #tpu.memory_space<vmem>> -> memref<640xi32, #tpu.memory_space<vmem>>
      %dma_wait3A_374 = arith.constant 94080 : i32
      %dma_wait3A_375 = tpu.memref_slice %arg5[%dma_wait3A_374] : memref<100000xi32, #tpu.memory_space<hbm>> -> memref<640xi32, #tpu.memory_space<hbm>>
      %dma_wait3A_376 = arith.constant 0 : i32
      %dma_wait3A_377 = tpu.memref_slice %arg10[%dma_wait3A_376] : memref<6272xi32, #tpu.memory_space<vmem>> -> memref<640xi32, #tpu.memory_space<vmem>>
      %dma_wait3A_378 = arith.constant 94080 : i32
      %dma_wait3A_379 = tpu.memref_slice %arg5[%dma_wait3A_378] : memref<100000xi32, #tpu.memory_space<hbm>> -> memref<640xi32, #tpu.memory_space<hbm>>
      tpu.wait_dma2 semaphore(%arg15 : memref<!tpu.dma_semaphore, #tpu.memory_space<semaphore_mem>>) src(%dma_wait3A_379 : memref<640xi32, #tpu.memory_space<hbm>>) dst(%dma_wait3A_377 : memref<640xi32, #tpu.memory_space<vmem>>)
      %dma_start3A_380 = arith.constant 3280 : i32
      %dma_start3A_381 = tpu.memref_slice %arg7[%dma_start3A_380] : memref<6272xf32, #tpu.memory_space<vmem>> -> memref<2640xf32, #tpu.memory_space<vmem>>
      %dma_start3A_382 = arith.constant 97360 : i32
      %dma_start3A_383 = tpu.memref_slice %arg2[%dma_start3A_382] : memref<100000xf32, #tpu.memory_space<hbm>> -> memref<2640xf32, #tpu.memory_space<hbm>>
      %dma_start3A_384 = arith.constant 3280 : i32
      %dma_start3A_385 = tpu.memref_slice %arg7[%dma_start3A_384] : memref<6272xf32, #tpu.memory_space<vmem>> -> memref<2640xf32, #tpu.memory_space<vmem>>
      %dma_start3A_386 = arith.constant 97360 : i32
      %dma_start3A_387 = tpu.memref_slice %arg2[%dma_start3A_386] : memref<100000xf32, #tpu.memory_space<hbm>> -> memref<2640xf32, #tpu.memory_space<hbm>>
      tpu.enqueue_dma source(%dma_start3A_387 : memref<2640xf32, #tpu.memory_space<hbm>>) target(%dma_start3A_385 : memref<2640xf32, #tpu.memory_space<vmem>>) target_semaphore(%arg15 : memref<!tpu.dma_semaphore, #tpu.memory_space<semaphore_mem>>)
      %dma_start3A_388 = arith.constant 3280 : i32
      %dma_start3A_389 = tpu.memref_slice %arg8[%dma_start3A_388] : memref<6272xf32, #tpu.memory_space<vmem>> -> memref<2640xf32, #tpu.memory_space<vmem>>
      %dma_start3A_390 = arith.constant 97360 : i32
      %dma_start3A_391 = tpu.memref_slice %arg3[%dma_start3A_390] : memref<100000xf32, #tpu.memory_space<hbm>> -> memref<2640xf32, #tpu.memory_space<hbm>>
      %dma_start3A_392 = arith.constant 3280 : i32
      %dma_start3A_393 = tpu.memref_slice %arg8[%dma_start3A_392] : memref<6272xf32, #tpu.memory_space<vmem>> -> memref<2640xf32, #tpu.memory_space<vmem>>
      %dma_start3A_394 = arith.constant 97360 : i32
      %dma_start3A_395 = tpu.memref_slice %arg3[%dma_start3A_394] : memref<100000xf32, #tpu.memory_space<hbm>> -> memref<2640xf32, #tpu.memory_space<hbm>>
      tpu.enqueue_dma source(%dma_start3A_395 : memref<2640xf32, #tpu.memory_space<hbm>>) target(%dma_start3A_393 : memref<2640xf32, #tpu.memory_space<vmem>>) target_semaphore(%arg15 : memref<!tpu.dma_semaphore, #tpu.memory_space<semaphore_mem>>)
      %dma_start3A_396 = arith.constant 3280 : i32
      %dma_start3A_397 = tpu.memref_slice %arg9[%dma_start3A_396] : memref<6272xf32, #tpu.memory_space<vmem>> -> memref<2640xf32, #tpu.memory_space<vmem>>
      %dma_start3A_398 = arith.constant 97360 : i32
      %dma_start3A_399 = tpu.memref_slice %arg4[%dma_start3A_398] : memref<100000xf32, #tpu.memory_space<hbm>> -> memref<2640xf32, #tpu.memory_space<hbm>>
      %dma_start3A_400 = arith.constant 3280 : i32
      %dma_start3A_401 = tpu.memref_slice %arg9[%dma_start3A_400] : memref<6272xf32, #tpu.memory_space<vmem>> -> memref<2640xf32, #tpu.memory_space<vmem>>
      %dma_start3A_402 = arith.constant 97360 : i32
      %dma_start3A_403 = tpu.memref_slice %arg4[%dma_start3A_402] : memref<100000xf32, #tpu.memory_space<hbm>> -> memref<2640xf32, #tpu.memory_space<hbm>>
      tpu.enqueue_dma source(%dma_start3A_403 : memref<2640xf32, #tpu.memory_space<hbm>>) target(%dma_start3A_401 : memref<2640xf32, #tpu.memory_space<vmem>>) target_semaphore(%arg15 : memref<!tpu.dma_semaphore, #tpu.memory_space<semaphore_mem>>)
      %dma_start3A_404 = arith.constant 3280 : i32
      %dma_start3A_405 = tpu.memref_slice %arg10[%dma_start3A_404] : memref<6272xi32, #tpu.memory_space<vmem>> -> memref<2640xi32, #tpu.memory_space<vmem>>
      %dma_start3A_406 = arith.constant 97360 : i32
      %dma_start3A_407 = tpu.memref_slice %arg5[%dma_start3A_406] : memref<100000xi32, #tpu.memory_space<hbm>> -> memref<2640xi32, #tpu.memory_space<hbm>>
      %dma_start3A_408 = arith.constant 3280 : i32
      %dma_start3A_409 = tpu.memref_slice %arg10[%dma_start3A_408] : memref<6272xi32, #tpu.memory_space<vmem>> -> memref<2640xi32, #tpu.memory_space<vmem>>
      %dma_start3A_410 = arith.constant 97360 : i32
      %dma_start3A_411 = tpu.memref_slice %arg5[%dma_start3A_410] : memref<100000xi32, #tpu.memory_space<hbm>> -> memref<2640xi32, #tpu.memory_space<hbm>>
      tpu.enqueue_dma source(%dma_start3A_411 : memref<2640xi32, #tpu.memory_space<hbm>>) target(%dma_start3A_409 : memref<2640xi32, #tpu.memory_space<vmem>>) target_semaphore(%arg15 : memref<!tpu.dma_semaphore, #tpu.memory_space<semaphore_mem>>)
      %parallel_loop3A_412 = arith.constant 0 : i32
      %parallel_loop3A_413 = arith.constant 640 : i32
      %parallel_loop3A_414 = arith.constant 16 : i32
      scf.for %parallel_loop3A_485 = %parallel_loop3A_412 to %parallel_loop3A_413 step %parallel_loop3A_414  : i32 {
        %parallel_loop3A_486 = arith.index_cast %parallel_loop3A_485 : i32 to index
        %parallel_loop3A_487 = tpu.vector_load %arg10[%parallel_loop3A_486] {strides = array<i32>} : memref<6272xi32, #tpu.memory_space<vmem>>, vector<16xi32>,
        %parallel_loop3A_488 = arith.index_cast %parallel_loop3A_485 : i32 to index
        %parallel_loop3A_489 = tpu.vector_load %arg7[%parallel_loop3A_488] {strides = array<i32>} : memref<6272xf32, #tpu.memory_space<vmem>>, vector<16xf32>,
        tpu.vector_store_idx %arg11[%parallel_loop3A_487], %parallel_loop3A_489 {add = true} : memref<2304xf32, #tpu.memory_space<vmem>>[vector<16xi32>], vector<16xf32>,
        %parallel_loop3A_490 = arith.constant 576 : i32
        %parallel_loop3A_491 = vector.broadcast %parallel_loop3A_490 : i32 to vector<16xi32>
        %parallel_loop3A_492 = arith.addi %parallel_loop3A_487, %parallel_loop3A_491 : vector<16xi32>
        %parallel_loop3A_493 = arith.index_cast %parallel_loop3A_485 : i32 to index
        %parallel_loop3A_494 = tpu.vector_load %arg8[%parallel_loop3A_493] {strides = array<i32>} : memref<6272xf32, #tpu.memory_space<vmem>>, vector<16xf32>,
        tpu.vector_store_idx %arg11[%parallel_loop3A_492], %parallel_loop3A_494 {add = true} : memref<2304xf32, #tpu.memory_space<vmem>>[vector<16xi32>], vector<16xf32>,
        %parallel_loop3A_495 = arith.constant 1152 : i32
        %parallel_loop3A_496 = vector.broadcast %parallel_loop3A_495 : i32 to vector<16xi32>
        %parallel_loop3A_497 = arith.addi %parallel_loop3A_487, %parallel_loop3A_496 : vector<16xi32>
        %parallel_loop3A_498 = arith.index_cast %parallel_loop3A_485 : i32 to index
        %parallel_loop3A_499 = tpu.vector_load %arg9[%parallel_loop3A_498] {strides = array<i32>} : memref<6272xf32, #tpu.memory_space<vmem>>, vector<16xf32>,
        tpu.vector_store_idx %arg11[%parallel_loop3A_497], %parallel_loop3A_499 {add = true} : memref<2304xf32, #tpu.memory_space<vmem>>[vector<16xi32>], vector<16xf32>,
        %parallel_loop3A_500 = arith.constant 1728 : i32
        %parallel_loop3A_501 = vector.broadcast %parallel_loop3A_500 : i32 to vector<16xi32>
        %parallel_loop3A_502 = arith.addi %parallel_loop3A_487, %parallel_loop3A_501 : vector<16xi32>
        tpu.vector_store_idx %arg11[%parallel_loop3A_502], %broadcast_in_dim3A_2 {add = true} : memref<2304xf32, #tpu.memory_space<vmem>>[vector<16xi32>], vector<16xf32>,
      } {sc.loop_unroll_factor = 4 : i64, sc.parallel_access}
      %dma_wait3A_415 = arith.constant 640 : i32
      %dma_wait3A_416 = tpu.memref_slice %arg7[%dma_wait3A_415] : memref<6272xf32, #tpu.memory_space<vmem>> -> memref<2640xf32, #tpu.memory_space<vmem>>
      %dma_wait3A_417 = arith.constant 94720 : i32
      %dma_wait3A_418 = tpu.memref_slice %arg2[%dma_wait3A_417] : memref<100000xf32, #tpu.memory_space<hbm>> -> memref<2640xf32, #tpu.memory_space<hbm>>
      %dma_wait3A_419 = arith.constant 640 : i32
      %dma_wait3A_420 = tpu.memref_slice %arg7[%dma_wait3A_419] : memref<6272xf32, #tpu.memory_space<vmem>> -> memref<2640xf32, #tpu.memory_space<vmem>>
      %dma_wait3A_421 = arith.constant 94720 : i32
      %dma_wait3A_422 = tpu.memref_slice %arg2[%dma_wait3A_421] : memref<100000xf32, #tpu.memory_space<hbm>> -> memref<2640xf32, #tpu.memory_space<hbm>>
      tpu.wait_dma2 semaphore(%arg16 : memref<!tpu.dma_semaphore, #tpu.memory_space<semaphore_mem>>) src(%dma_wait3A_422 : memref<2640xf32, #tpu.memory_space<hbm>>) dst(%dma_wait3A_420 : memref<2640xf32, #tpu.memory_space<vmem>>)
      %dma_wait3A_423 = arith.constant 640 : i32
      %dma_wait3A_424 = tpu.memref_slice %arg8[%dma_wait3A_423] : memref<6272xf32, #tpu.memory_space<vmem>> -> memref<2640xf32, #tpu.memory_space<vmem>>
      %dma_wait3A_425 = arith.constant 94720 : i32
      %dma_wait3A_426 = tpu.memref_slice %arg3[%dma_wait3A_425] : memref<100000xf32, #tpu.memory_space<hbm>> -> memref<2640xf32, #tpu.memory_space<hbm>>
      %dma_wait3A_427 = arith.constant 640 : i32
      %dma_wait3A_428 = tpu.memref_slice %arg8[%dma_wait3A_427] : memref<6272xf32, #tpu.memory_space<vmem>> -> memref<2640xf32, #tpu.memory_space<vmem>>
      %dma_wait3A_429 = arith.constant 94720 : i32
      %dma_wait3A_430 = tpu.memref_slice %arg3[%dma_wait3A_429] : memref<100000xf32, #tpu.memory_space<hbm>> -> memref<2640xf32, #tpu.memory_space<hbm>>
      tpu.wait_dma2 semaphore(%arg16 : memref<!tpu.dma_semaphore, #tpu.memory_space<semaphore_mem>>) src(%dma_wait3A_430 : memref<2640xf32, #tpu.memory_space<hbm>>) dst(%dma_wait3A_428 : memref<2640xf32, #tpu.memory_space<vmem>>)
      %dma_wait3A_431 = arith.constant 640 : i32
      %dma_wait3A_432 = tpu.memref_slice %arg9[%dma_wait3A_431] : memref<6272xf32, #tpu.memory_space<vmem>> -> memref<2640xf32, #tpu.memory_space<vmem>>
      %dma_wait3A_433 = arith.constant 94720 : i32
      %dma_wait3A_434 = tpu.memref_slice %arg4[%dma_wait3A_433] : memref<100000xf32, #tpu.memory_space<hbm>> -> memref<2640xf32, #tpu.memory_space<hbm>>
      %dma_wait3A_435 = arith.constant 640 : i32
      %dma_wait3A_436 = tpu.memref_slice %arg9[%dma_wait3A_435] : memref<6272xf32, #tpu.memory_space<vmem>> -> memref<2640xf32, #tpu.memory_space<vmem>>
      %dma_wait3A_437 = arith.constant 94720 : i32
      %dma_wait3A_438 = tpu.memref_slice %arg4[%dma_wait3A_437] : memref<100000xf32, #tpu.memory_space<hbm>> -> memref<2640xf32, #tpu.memory_space<hbm>>
      tpu.wait_dma2 semaphore(%arg16 : memref<!tpu.dma_semaphore, #tpu.memory_space<semaphore_mem>>) src(%dma_wait3A_438 : memref<2640xf32, #tpu.memory_space<hbm>>) dst(%dma_wait3A_436 : memref<2640xf32, #tpu.memory_space<vmem>>)
      %dma_wait3A_439 = arith.constant 640 : i32
      %dma_wait3A_440 = tpu.memref_slice %arg10[%dma_wait3A_439] : memref<6272xi32, #tpu.memory_space<vmem>> -> memref<2640xi32, #tpu.memory_space<vmem>>
      %dma_wait3A_441 = arith.constant 94720 : i32
      %dma_wait3A_442 = tpu.memref_slice %arg5[%dma_wait3A_441] : memref<100000xi32, #tpu.memory_space<hbm>> -> memref<2640xi32, #tpu.memory_space<hbm>>
      %dma_wait3A_443 = arith.constant 640 : i32
      %dma_wait3A_444 = tpu.memref_slice %arg10[%dma_wait3A_443] : memref<6272xi32, #tpu.memory_space<vmem>> -> memref<2640xi32, #tpu.memory_space<vmem>>
      %dma_wait3A_445 = arith.constant 94720 : i32
      %dma_wait3A_446 = tpu.memref_slice %arg5[%dma_wait3A_445] : memref<100000xi32, #tpu.memory_space<hbm>> -> memref<2640xi32, #tpu.memory_space<hbm>>
      tpu.wait_dma2 semaphore(%arg16 : memref<!tpu.dma_semaphore, #tpu.memory_space<semaphore_mem>>) src(%dma_wait3A_446 : memref<2640xi32, #tpu.memory_space<hbm>>) dst(%dma_wait3A_444 : memref<2640xi32, #tpu.memory_space<vmem>>)
      %parallel_loop3A_447 = arith.constant 640 : i32
      %parallel_loop3A_448 = arith.constant 3280 : i32
      %parallel_loop3A_449 = arith.constant 16 : i32
      scf.for %parallel_loop3A_485 = %parallel_loop3A_447 to %parallel_loop3A_448 step %parallel_loop3A_449  : i32 {
        %parallel_loop3A_486 = arith.index_cast %parallel_loop3A_485 : i32 to index
        %parallel_loop3A_487 = tpu.vector_load %arg10[%parallel_loop3A_486] {strides = array<i32>} : memref<6272xi32, #tpu.memory_space<vmem>>, vector<16xi32>,
        %parallel_loop3A_488 = arith.index_cast %parallel_loop3A_485 : i32 to index
        %parallel_loop3A_489 = tpu.vector_load %arg7[%parallel_loop3A_488] {strides = array<i32>} : memref<6272xf32, #tpu.memory_space<vmem>>, vector<16xf32>,
        tpu.vector_store_idx %arg11[%parallel_loop3A_487], %parallel_loop3A_489 {add = true} : memref<2304xf32, #tpu.memory_space<vmem>>[vector<16xi32>], vector<16xf32>,
        %parallel_loop3A_490 = arith.constant 576 : i32
        %parallel_loop3A_491 = vector.broadcast %parallel_loop3A_490 : i32 to vector<16xi32>
        %parallel_loop3A_492 = arith.addi %parallel_loop3A_487, %parallel_loop3A_491 : vector<16xi32>
        %parallel_loop3A_493 = arith.index_cast %parallel_loop3A_485 : i32 to index
        %parallel_loop3A_494 = tpu.vector_load %arg8[%parallel_loop3A_493] {strides = array<i32>} : memref<6272xf32, #tpu.memory_space<vmem>>, vector<16xf32>,
        tpu.vector_store_idx %arg11[%parallel_loop3A_492], %parallel_loop3A_494 {add = true} : memref<2304xf32, #tpu.memory_space<vmem>>[vector<16xi32>], vector<16xf32>,
        %parallel_loop3A_495 = arith.constant 1152 : i32
        %parallel_loop3A_496 = vector.broadcast %parallel_loop3A_495 : i32 to vector<16xi32>
        %parallel_loop3A_497 = arith.addi %parallel_loop3A_487, %parallel_loop3A_496 : vector<16xi32>
        %parallel_loop3A_498 = arith.index_cast %parallel_loop3A_485 : i32 to index
        %parallel_loop3A_499 = tpu.vector_load %arg9[%parallel_loop3A_498] {strides = array<i32>} : memref<6272xf32, #tpu.memory_space<vmem>>, vector<16xf32>,
        tpu.vector_store_idx %arg11[%parallel_loop3A_497], %parallel_loop3A_499 {add = true} : memref<2304xf32, #tpu.memory_space<vmem>>[vector<16xi32>], vector<16xf32>,
        %parallel_loop3A_500 = arith.constant 1728 : i32
        %parallel_loop3A_501 = vector.broadcast %parallel_loop3A_500 : i32 to vector<16xi32>
        %parallel_loop3A_502 = arith.addi %parallel_loop3A_487, %parallel_loop3A_501 : vector<16xi32>
        tpu.vector_store_idx %arg11[%parallel_loop3A_502], %broadcast_in_dim3A_2 {add = true} : memref<2304xf32, #tpu.memory_space<vmem>>[vector<16xi32>], vector<16xf32>,
      } {sc.loop_unroll_factor = 5 : i64, sc.parallel_access}
      %dma_wait3A_450 = arith.constant 3280 : i32
      %dma_wait3A_451 = tpu.memref_slice %arg7[%dma_wait3A_450] : memref<6272xf32, #tpu.memory_space<vmem>> -> memref<2640xf32, #tpu.memory_space<vmem>>
      %dma_wait3A_452 = arith.constant 97360 : i32
      %dma_wait3A_453 = tpu.memref_slice %arg2[%dma_wait3A_452] : memref<100000xf32, #tpu.memory_space<hbm>> -> memref<2640xf32, #tpu.memory_space<hbm>>
      %dma_wait3A_454 = arith.constant 3280 : i32
      %dma_wait3A_455 = tpu.memref_slice %arg7[%dma_wait3A_454] : memref<6272xf32, #tpu.memory_space<vmem>> -> memref<2640xf32, #tpu.memory_space<vmem>>
      %dma_wait3A_456 = arith.constant 97360 : i32
      %dma_wait3A_457 = tpu.memref_slice %arg2[%dma_wait3A_456] : memref<100000xf32, #tpu.memory_space<hbm>> -> memref<2640xf32, #tpu.memory_space<hbm>>
      tpu.wait_dma2 semaphore(%arg15 : memref<!tpu.dma_semaphore, #tpu.memory_space<semaphore_mem>>) src(%dma_wait3A_457 : memref<2640xf32, #tpu.memory_space<hbm>>) dst(%dma_wait3A_455 : memref<2640xf32, #tpu.memory_space<vmem>>)
      %dma_wait3A_458 = arith.constant 3280 : i32
      %dma_wait3A_459 = tpu.memref_slice %arg8[%dma_wait3A_458] : memref<6272xf32, #tpu.memory_space<vmem>> -> memref<2640xf32, #tpu.memory_space<vmem>>
      %dma_wait3A_460 = arith.constant 97360 : i32
      %dma_wait3A_461 = tpu.memref_slice %arg3[%dma_wait3A_460] : memref<100000xf32, #tpu.memory_space<hbm>> -> memref<2640xf32, #tpu.memory_space<hbm>>
      %dma_wait3A_462 = arith.constant 3280 : i32
      %dma_wait3A_463 = tpu.memref_slice %arg8[%dma_wait3A_462] : memref<6272xf32, #tpu.memory_space<vmem>> -> memref<2640xf32, #tpu.memory_space<vmem>>
      %dma_wait3A_464 = arith.constant 97360 : i32
      %dma_wait3A_465 = tpu.memref_slice %arg3[%dma_wait3A_464] : memref<100000xf32, #tpu.memory_space<hbm>> -> memref<2640xf32, #tpu.memory_space<hbm>>
      tpu.wait_dma2 semaphore(%arg15 : memref<!tpu.dma_semaphore, #tpu.memory_space<semaphore_mem>>) src(%dma_wait3A_465 : memref<2640xf32, #tpu.memory_space<hbm>>) dst(%dma_wait3A_463 : memref<2640xf32, #tpu.memory_space<vmem>>)
      %dma_wait3A_466 = arith.constant 3280 : i32
      %dma_wait3A_467 = tpu.memref_slice %arg9[%dma_wait3A_466] : memref<6272xf32, #tpu.memory_space<vmem>> -> memref<2640xf32, #tpu.memory_space<vmem>>
      %dma_wait3A_468 = arith.constant 97360 : i32
      %dma_wait3A_469 = tpu.memref_slice %arg4[%dma_wait3A_468] : memref<100000xf32, #tpu.memory_space<hbm>> -> memref<2640xf32, #tpu.memory_space<hbm>>
      %dma_wait3A_470 = arith.constant 3280 : i32
      %dma_wait3A_471 = tpu.memref_slice %arg9[%dma_wait3A_470] : memref<6272xf32, #tpu.memory_space<vmem>> -> memref<2640xf32, #tpu.memory_space<vmem>>
      %dma_wait3A_472 = arith.constant 97360 : i32
      %dma_wait3A_473 = tpu.memref_slice %arg4[%dma_wait3A_472] : memref<100000xf32, #tpu.memory_space<hbm>> -> memref<2640xf32, #tpu.memory_space<hbm>>
      tpu.wait_dma2 semaphore(%arg15 : memref<!tpu.dma_semaphore, #tpu.memory_space<semaphore_mem>>) src(%dma_wait3A_473 : memref<2640xf32, #tpu.memory_space<hbm>>) dst(%dma_wait3A_471 : memref<2640xf32, #tpu.memory_space<vmem>>)
      %dma_wait3A_474 = arith.constant 3280 : i32
      %dma_wait3A_475 = tpu.memref_slice %arg10[%dma_wait3A_474] : memref<6272xi32, #tpu.memory_space<vmem>> -> memref<2640xi32, #tpu.memory_space<vmem>>
      %dma_wait3A_476 = arith.constant 97360 : i32
      %dma_wait3A_477 = tpu.memref_slice %arg5[%dma_wait3A_476] : memref<100000xi32, #tpu.memory_space<hbm>> -> memref<2640xi32, #tpu.memory_space<hbm>>
      %dma_wait3A_478 = arith.constant 3280 : i32
      %dma_wait3A_479 = tpu.memref_slice %arg10[%dma_wait3A_478] : memref<6272xi32, #tpu.memory_space<vmem>> -> memref<2640xi32, #tpu.memory_space<vmem>>
      %dma_wait3A_480 = arith.constant 97360 : i32
      %dma_wait3A_481 = tpu.memref_slice %arg5[%dma_wait3A_480] : memref<100000xi32, #tpu.memory_space<hbm>> -> memref<2640xi32, #tpu.memory_space<hbm>>
      tpu.wait_dma2 semaphore(%arg15 : memref<!tpu.dma_semaphore, #tpu.memory_space<semaphore_mem>>) src(%dma_wait3A_481 : memref<2640xi32, #tpu.memory_space<hbm>>) dst(%dma_wait3A_479 : memref<2640xi32, #tpu.memory_space<vmem>>)
      %parallel_loop3A_482 = arith.constant 3280 : i32
      %parallel_loop3A_483 = arith.constant 5920 : i32
      %parallel_loop3A_484 = arith.constant 16 : i32
      scf.for %parallel_loop3A_485 = %parallel_loop3A_482 to %parallel_loop3A_483 step %parallel_loop3A_484  : i32 {
        %parallel_loop3A_486 = arith.index_cast %parallel_loop3A_485 : i32 to index
        %parallel_loop3A_487 = tpu.vector_load %arg10[%parallel_loop3A_486] {strides = array<i32>} : memref<6272xi32, #tpu.memory_space<vmem>>, vector<16xi32>,
        %parallel_loop3A_488 = arith.index_cast %parallel_loop3A_485 : i32 to index
        %parallel_loop3A_489 = tpu.vector_load %arg7[%parallel_loop3A_488] {strides = array<i32>} : memref<6272xf32, #tpu.memory_space<vmem>>, vector<16xf32>,
        tpu.vector_store_idx %arg11[%parallel_loop3A_487], %parallel_loop3A_489 {add = true} : memref<2304xf32, #tpu.memory_space<vmem>>[vector<16xi32>], vector<16xf32>,
        %parallel_loop3A_490 = arith.constant 576 : i32
        %parallel_loop3A_491 = vector.broadcast %parallel_loop3A_490 : i32 to vector<16xi32>
        %parallel_loop3A_492 = arith.addi %parallel_loop3A_487, %parallel_loop3A_491 : vector<16xi32>
        %parallel_loop3A_493 = arith.index_cast %parallel_loop3A_485 : i32 to index
        %parallel_loop3A_494 = tpu.vector_load %arg8[%parallel_loop3A_493] {strides = array<i32>} : memref<6272xf32, #tpu.memory_space<vmem>>, vector<16xf32>,
        tpu.vector_store_idx %arg11[%parallel_loop3A_492], %parallel_loop3A_494 {add = true} : memref<2304xf32, #tpu.memory_space<vmem>>[vector<16xi32>], vector<16xf32>,
        %parallel_loop3A_495 = arith.constant 1152 : i32
        %parallel_loop3A_496 = vector.broadcast %parallel_loop3A_495 : i32 to vector<16xi32>
        %parallel_loop3A_497 = arith.addi %parallel_loop3A_487, %parallel_loop3A_496 : vector<16xi32>
        %parallel_loop3A_498 = arith.index_cast %parallel_loop3A_485 : i32 to index
        %parallel_loop3A_499 = tpu.vector_load %arg9[%parallel_loop3A_498] {strides = array<i32>} : memref<6272xf32, #tpu.memory_space<vmem>>, vector<16xf32>,
        tpu.vector_store_idx %arg11[%parallel_loop3A_497], %parallel_loop3A_499 {add = true} : memref<2304xf32, #tpu.memory_space<vmem>>[vector<16xi32>], vector<16xf32>,
        %parallel_loop3A_500 = arith.constant 1728 : i32
        %parallel_loop3A_501 = vector.broadcast %parallel_loop3A_500 : i32 to vector<16xi32>
        %parallel_loop3A_502 = arith.addi %parallel_loop3A_487, %parallel_loop3A_501 : vector<16xi32>
        tpu.vector_store_idx %arg11[%parallel_loop3A_502], %broadcast_in_dim3A_2 {add = true} : memref<2304xf32, #tpu.memory_space<vmem>>[vector<16xi32>], vector<16xf32>,
      } {sc.loop_unroll_factor = 5 : i64, sc.parallel_access}
    } else {
    }
    "tpu.trace_stop"() : () -> ()
    "tpu.trace_start"() <{level = 10 : i32, message = "p2"}> : () -> ()
    %mul3A = arith.constant 2304 : i32
    %mul3A_9 = arith.muli %arg1, %mul3A : i32
    "tpu.region"() ({
      %run_scoped3A = tpu.sem_alloc : memref<!tpu.dma_semaphore, #tpu.memory_space<semaphore_mem>>
      %dma_start3A_281 = tpu.memref_slice %arg17[%mul3A_9] : memref<36864xf32, #tpu.memory_space<vmem_shared>> -> memref<2304xf32, #tpu.memory_space<vmem_shared>>
      %dma_start3A_282 = tpu.memref_slice %arg17[%mul3A_9] : memref<36864xf32, #tpu.memory_space<vmem_shared>> -> memref<2304xf32, #tpu.memory_space<vmem_shared>>
      tpu.enqueue_dma source(%arg11 : memref<2304xf32, #tpu.memory_space<vmem>>) target(%dma_start3A_282 : memref<2304xf32, #tpu.memory_space<vmem_shared>>) target_semaphore(%run_scoped3A : memref<!tpu.dma_semaphore, #tpu.memory_space<semaphore_mem>>)
      %dma_wait3A_283 = tpu.memref_slice %arg17[%mul3A_9] : memref<36864xf32, #tpu.memory_space<vmem_shared>> -> memref<2304xf32, #tpu.memory_space<vmem_shared>>
      %dma_wait3A_284 = tpu.memref_slice %arg17[%mul3A_9] : memref<36864xf32, #tpu.memory_space<vmem_shared>> -> memref<2304xf32, #tpu.memory_space<vmem_shared>>
      tpu.wait_dma2 semaphore(%run_scoped3A : memref<!tpu.dma_semaphore, #tpu.memory_space<semaphore_mem>>) src(%arg11 : memref<2304xf32, #tpu.memory_space<vmem>>) dst(%dma_wait3A_284 : memref<2304xf32, #tpu.memory_space<vmem_shared>>)
      tpu.yield
    }) : () -> ()
    %barrier3A = arith.constant 0 : index
    tpu.barrier barrier_id(%barrier3A)
    %mul3A_10 = arith.constant 144 : i32
    %mul3A_11 = arith.muli %arg1, %mul3A_10 : i32
    %add3A = arith.constant 0 : i32
    %add3A_12 = arith.addi %add3A, %mul3A_11 : i32
    %dma_start3A = arith.constant 0 : i32
    %dma_start3A_13 = tpu.memref_slice %arg12[%dma_start3A] : memref<2304xf32, #tpu.memory_space<vmem>> -> memref<144xf32, #tpu.memory_space<vmem>>
    %dma_start3A_14 = tpu.memref_slice %arg17[%add3A_12] : memref<36864xf32, #tpu.memory_space<vmem_shared>> -> memref<144xf32, #tpu.memory_space<vmem_shared>>
    %dma_start3A_15 = arith.constant 0 : i32
    %dma_start3A_16 = tpu.memref_slice %arg12[%dma_start3A_15] : memref<2304xf32, #tpu.memory_space<vmem>> -> memref<144xf32, #tpu.memory_space<vmem>>
    %dma_start3A_17 = tpu.memref_slice %arg17[%add3A_12] : memref<36864xf32, #tpu.memory_space<vmem_shared>> -> memref<144xf32, #tpu.memory_space<vmem_shared>>
    tpu.enqueue_dma source(%dma_start3A_17 : memref<144xf32, #tpu.memory_space<vmem_shared>>) target(%dma_start3A_16 : memref<144xf32, #tpu.memory_space<vmem>>) target_semaphore(%arg15 : memref<!tpu.dma_semaphore, #tpu.memory_space<semaphore_mem>>)
    %mul3A_18 = arith.constant 144 : i32
    %mul3A_19 = arith.muli %arg1, %mul3A_18 : i32
    %add3A_20 = arith.constant 2304 : i32
    %add3A_21 = arith.addi %add3A_20, %mul3A_19 : i32
    %dma_start3A_22 = arith.constant 144 : i32
    %dma_start3A_23 = tpu.memref_slice %arg12[%dma_start3A_22] : memref<2304xf32, #tpu.memory_space<vmem>> -> memref<144xf32, #tpu.memory_space<vmem>>
    %dma_start3A_24 = tpu.memref_slice %arg17[%add3A_21] : memref<36864xf32, #tpu.memory_space<vmem_shared>> -> memref<144xf32, #tpu.memory_space<vmem_shared>>
    %dma_start3A_25 = arith.constant 144 : i32
    %dma_start3A_26 = tpu.memref_slice %arg12[%dma_start3A_25] : memref<2304xf32, #tpu.memory_space<vmem>> -> memref<144xf32, #tpu.memory_space<vmem>>
    %dma_start3A_27 = tpu.memref_slice %arg17[%add3A_21] : memref<36864xf32, #tpu.memory_space<vmem_shared>> -> memref<144xf32, #tpu.memory_space<vmem_shared>>
    tpu.enqueue_dma source(%dma_start3A_27 : memref<144xf32, #tpu.memory_space<vmem_shared>>) target(%dma_start3A_26 : memref<144xf32, #tpu.memory_space<vmem>>) target_semaphore(%arg15 : memref<!tpu.dma_semaphore, #tpu.memory_space<semaphore_mem>>)
    %mul3A_28 = arith.constant 144 : i32
    %mul3A_29 = arith.muli %arg1, %mul3A_28 : i32
    %add3A_30 = arith.constant 4608 : i32
    %add3A_31 = arith.addi %add3A_30, %mul3A_29 : i32
    %dma_start3A_32 = arith.constant 288 : i32
    %dma_start3A_33 = tpu.memref_slice %arg12[%dma_start3A_32] : memref<2304xf32, #tpu.memory_space<vmem>> -> memref<144xf32, #tpu.memory_space<vmem>>
    %dma_start3A_34 = tpu.memref_slice %arg17[%add3A_31] : memref<36864xf32, #tpu.memory_space<vmem_shared>> -> memref<144xf32, #tpu.memory_space<vmem_shared>>
    %dma_start3A_35 = arith.constant 288 : i32
    %dma_start3A_36 = tpu.memref_slice %arg12[%dma_start3A_35] : memref<2304xf32, #tpu.memory_space<vmem>> -> memref<144xf32, #tpu.memory_space<vmem>>
    %dma_start3A_37 = tpu.memref_slice %arg17[%add3A_31] : memref<36864xf32, #tpu.memory_space<vmem_shared>> -> memref<144xf32, #tpu.memory_space<vmem_shared>>
    tpu.enqueue_dma source(%dma_start3A_37 : memref<144xf32, #tpu.memory_space<vmem_shared>>) target(%dma_start3A_36 : memref<144xf32, #tpu.memory_space<vmem>>) target_semaphore(%arg15 : memref<!tpu.dma_semaphore, #tpu.memory_space<semaphore_mem>>)
    %mul3A_38 = arith.constant 144 : i32
    %mul3A_39 = arith.muli %arg1, %mul3A_38 : i32
    %add3A_40 = arith.constant 6912 : i32
    %add3A_41 = arith.addi %add3A_40, %mul3A_39 : i32
    %dma_start3A_42 = arith.constant 432 : i32
    %dma_start3A_43 = tpu.memref_slice %arg12[%dma_start3A_42] : memref<2304xf32, #tpu.memory_space<vmem>> -> memref<144xf32, #tpu.memory_space<vmem>>
    %dma_start3A_44 = tpu.memref_slice %arg17[%add3A_41] : memref<36864xf32, #tpu.memory_space<vmem_shared>> -> memref<144xf32, #tpu.memory_space<vmem_shared>>
    %dma_start3A_45 = arith.constant 432 : i32
    %dma_start3A_46 = tpu.memref_slice %arg12[%dma_start3A_45] : memref<2304xf32, #tpu.memory_space<vmem>> -> memref<144xf32, #tpu.memory_space<vmem>>
    %dma_start3A_47 = tpu.memref_slice %arg17[%add3A_41] : memref<36864xf32, #tpu.memory_space<vmem_shared>> -> memref<144xf32, #tpu.memory_space<vmem_shared>>
    tpu.enqueue_dma source(%dma_start3A_47 : memref<144xf32, #tpu.memory_space<vmem_shared>>) target(%dma_start3A_46 : memref<144xf32, #tpu.memory_space<vmem>>) target_semaphore(%arg15 : memref<!tpu.dma_semaphore, #tpu.memory_space<semaphore_mem>>)
    %mul3A_48 = arith.constant 144 : i32
    %mul3A_49 = arith.muli %arg1, %mul3A_48 : i32
    %add3A_50 = arith.constant 9216 : i32
    %add3A_51 = arith.addi %add3A_50, %mul3A_49 : i32
    %dma_start3A_52 = arith.constant 576 : i32
    %dma_start3A_53 = tpu.memref_slice %arg12[%dma_start3A_52] : memref<2304xf32, #tpu.memory_space<vmem>> -> memref<144xf32, #tpu.memory_space<vmem>>
    %dma_start3A_54 = tpu.memref_slice %arg17[%add3A_51] : memref<36864xf32, #tpu.memory_space<vmem_shared>> -> memref<144xf32, #tpu.memory_space<vmem_shared>>
    %dma_start3A_55 = arith.constant 576 : i32
    %dma_start3A_56 = tpu.memref_slice %arg12[%dma_start3A_55] : memref<2304xf32, #tpu.memory_space<vmem>> -> memref<144xf32, #tpu.memory_space<vmem>>
    %dma_start3A_57 = tpu.memref_slice %arg17[%add3A_51] : memref<36864xf32, #tpu.memory_space<vmem_shared>> -> memref<144xf32, #tpu.memory_space<vmem_shared>>
    tpu.enqueue_dma source(%dma_start3A_57 : memref<144xf32, #tpu.memory_space<vmem_shared>>) target(%dma_start3A_56 : memref<144xf32, #tpu.memory_space<vmem>>) target_semaphore(%arg15 : memref<!tpu.dma_semaphore, #tpu.memory_space<semaphore_mem>>)
    %mul3A_58 = arith.constant 144 : i32
    %mul3A_59 = arith.muli %arg1, %mul3A_58 : i32
    %add3A_60 = arith.constant 11520 : i32
    %add3A_61 = arith.addi %add3A_60, %mul3A_59 : i32
    %dma_start3A_62 = arith.constant 720 : i32
    %dma_start3A_63 = tpu.memref_slice %arg12[%dma_start3A_62] : memref<2304xf32, #tpu.memory_space<vmem>> -> memref<144xf32, #tpu.memory_space<vmem>>
    %dma_start3A_64 = tpu.memref_slice %arg17[%add3A_61] : memref<36864xf32, #tpu.memory_space<vmem_shared>> -> memref<144xf32, #tpu.memory_space<vmem_shared>>
    %dma_start3A_65 = arith.constant 720 : i32
    %dma_start3A_66 = tpu.memref_slice %arg12[%dma_start3A_65] : memref<2304xf32, #tpu.memory_space<vmem>> -> memref<144xf32, #tpu.memory_space<vmem>>
    %dma_start3A_67 = tpu.memref_slice %arg17[%add3A_61] : memref<36864xf32, #tpu.memory_space<vmem_shared>> -> memref<144xf32, #tpu.memory_space<vmem_shared>>
    tpu.enqueue_dma source(%dma_start3A_67 : memref<144xf32, #tpu.memory_space<vmem_shared>>) target(%dma_start3A_66 : memref<144xf32, #tpu.memory_space<vmem>>) target_semaphore(%arg15 : memref<!tpu.dma_semaphore, #tpu.memory_space<semaphore_mem>>)
    %mul3A_68 = arith.constant 144 : i32
    %mul3A_69 = arith.muli %arg1, %mul3A_68 : i32
    %add3A_70 = arith.constant 13824 : i32
    %add3A_71 = arith.addi %add3A_70, %mul3A_69 : i32
    %dma_start3A_72 = arith.constant 864 : i32
    %dma_start3A_73 = tpu.memref_slice %arg12[%dma_start3A_72] : memref<2304xf32, #tpu.memory_space<vmem>> -> memref<144xf32, #tpu.memory_space<vmem>>
    %dma_start3A_74 = tpu.memref_slice %arg17[%add3A_71] : memref<36864xf32, #tpu.memory_space<vmem_shared>> -> memref<144xf32, #tpu.memory_space<vmem_shared>>
    %dma_start3A_75 = arith.constant 864 : i32
    %dma_start3A_76 = tpu.memref_slice %arg12[%dma_start3A_75] : memref<2304xf32, #tpu.memory_space<vmem>> -> memref<144xf32, #tpu.memory_space<vmem>>
    %dma_start3A_77 = tpu.memref_slice %arg17[%add3A_71] : memref<36864xf32, #tpu.memory_space<vmem_shared>> -> memref<144xf32, #tpu.memory_space<vmem_shared>>
    tpu.enqueue_dma source(%dma_start3A_77 : memref<144xf32, #tpu.memory_space<vmem_shared>>) target(%dma_start3A_76 : memref<144xf32, #tpu.memory_space<vmem>>) target_semaphore(%arg15 : memref<!tpu.dma_semaphore, #tpu.memory_space<semaphore_mem>>)
    %mul3A_78 = arith.constant 144 : i32
    %mul3A_79 = arith.muli %arg1, %mul3A_78 : i32
    %add3A_80 = arith.constant 16128 : i32
    %add3A_81 = arith.addi %add3A_80, %mul3A_79 : i32
    %dma_start3A_82 = arith.constant 1008 : i32
    %dma_start3A_83 = tpu.memref_slice %arg12[%dma_start3A_82] : memref<2304xf32, #tpu.memory_space<vmem>> -> memref<144xf32, #tpu.memory_space<vmem>>
    %dma_start3A_84 = tpu.memref_slice %arg17[%add3A_81] : memref<36864xf32, #tpu.memory_space<vmem_shared>> -> memref<144xf32, #tpu.memory_space<vmem_shared>>
    %dma_start3A_85 = arith.constant 1008 : i32
    %dma_start3A_86 = tpu.memref_slice %arg12[%dma_start3A_85] : memref<2304xf32, #tpu.memory_space<vmem>> -> memref<144xf32, #tpu.memory_space<vmem>>
    %dma_start3A_87 = tpu.memref_slice %arg17[%add3A_81] : memref<36864xf32, #tpu.memory_space<vmem_shared>> -> memref<144xf32, #tpu.memory_space<vmem_shared>>
    tpu.enqueue_dma source(%dma_start3A_87 : memref<144xf32, #tpu.memory_space<vmem_shared>>) target(%dma_start3A_86 : memref<144xf32, #tpu.memory_space<vmem>>) target_semaphore(%arg15 : memref<!tpu.dma_semaphore, #tpu.memory_space<semaphore_mem>>)
    %mul3A_88 = arith.constant 144 : i32
    %mul3A_89 = arith.muli %arg1, %mul3A_88 : i32
    %add3A_90 = arith.constant 18432 : i32
    %add3A_91 = arith.addi %add3A_90, %mul3A_89 : i32
    %dma_start3A_92 = arith.constant 1152 : i32
    %dma_start3A_93 = tpu.memref_slice %arg12[%dma_start3A_92] : memref<2304xf32, #tpu.memory_space<vmem>> -> memref<144xf32, #tpu.memory_space<vmem>>
    %dma_start3A_94 = tpu.memref_slice %arg17[%add3A_91] : memref<36864xf32, #tpu.memory_space<vmem_shared>> -> memref<144xf32, #tpu.memory_space<vmem_shared>>
    %dma_start3A_95 = arith.constant 1152 : i32
    %dma_start3A_96 = tpu.memref_slice %arg12[%dma_start3A_95] : memref<2304xf32, #tpu.memory_space<vmem>> -> memref<144xf32, #tpu.memory_space<vmem>>
    %dma_start3A_97 = tpu.memref_slice %arg17[%add3A_91] : memref<36864xf32, #tpu.memory_space<vmem_shared>> -> memref<144xf32, #tpu.memory_space<vmem_shared>>
    tpu.enqueue_dma source(%dma_start3A_97 : memref<144xf32, #tpu.memory_space<vmem_shared>>) target(%dma_start3A_96 : memref<144xf32, #tpu.memory_space<vmem>>) target_semaphore(%arg15 : memref<!tpu.dma_semaphore, #tpu.memory_space<semaphore_mem>>)
    %mul3A_98 = arith.constant 144 : i32
    %mul3A_99 = arith.muli %arg1, %mul3A_98 : i32
    %add3A_100 = arith.constant 20736 : i32
    %add3A_101 = arith.addi %add3A_100, %mul3A_99 : i32
    %dma_start3A_102 = arith.constant 1296 : i32
    %dma_start3A_103 = tpu.memref_slice %arg12[%dma_start3A_102] : memref<2304xf32, #tpu.memory_space<vmem>> -> memref<144xf32, #tpu.memory_space<vmem>>
    %dma_start3A_104 = tpu.memref_slice %arg17[%add3A_101] : memref<36864xf32, #tpu.memory_space<vmem_shared>> -> memref<144xf32, #tpu.memory_space<vmem_shared>>
    %dma_start3A_105 = arith.constant 1296 : i32
    %dma_start3A_106 = tpu.memref_slice %arg12[%dma_start3A_105] : memref<2304xf32, #tpu.memory_space<vmem>> -> memref<144xf32, #tpu.memory_space<vmem>>
    %dma_start3A_107 = tpu.memref_slice %arg17[%add3A_101] : memref<36864xf32, #tpu.memory_space<vmem_shared>> -> memref<144xf32, #tpu.memory_space<vmem_shared>>
    tpu.enqueue_dma source(%dma_start3A_107 : memref<144xf32, #tpu.memory_space<vmem_shared>>) target(%dma_start3A_106 : memref<144xf32, #tpu.memory_space<vmem>>) target_semaphore(%arg15 : memref<!tpu.dma_semaphore, #tpu.memory_space<semaphore_mem>>)
    %mul3A_108 = arith.constant 144 : i32
    %mul3A_109 = arith.muli %arg1, %mul3A_108 : i32
    %add3A_110 = arith.constant 23040 : i32
    %add3A_111 = arith.addi %add3A_110, %mul3A_109 : i32
    %dma_start3A_112 = arith.constant 1440 : i32
    %dma_start3A_113 = tpu.memref_slice %arg12[%dma_start3A_112] : memref<2304xf32, #tpu.memory_space<vmem>> -> memref<144xf32, #tpu.memory_space<vmem>>
    %dma_start3A_114 = tpu.memref_slice %arg17[%add3A_111] : memref<36864xf32, #tpu.memory_space<vmem_shared>> -> memref<144xf32, #tpu.memory_space<vmem_shared>>
    %dma_start3A_115 = arith.constant 1440 : i32
    %dma_start3A_116 = tpu.memref_slice %arg12[%dma_start3A_115] : memref<2304xf32, #tpu.memory_space<vmem>> -> memref<144xf32, #tpu.memory_space<vmem>>
    %dma_start3A_117 = tpu.memref_slice %arg17[%add3A_111] : memref<36864xf32, #tpu.memory_space<vmem_shared>> -> memref<144xf32, #tpu.memory_space<vmem_shared>>
    tpu.enqueue_dma source(%dma_start3A_117 : memref<144xf32, #tpu.memory_space<vmem_shared>>) target(%dma_start3A_116 : memref<144xf32, #tpu.memory_space<vmem>>) target_semaphore(%arg15 : memref<!tpu.dma_semaphore, #tpu.memory_space<semaphore_mem>>)
    %mul3A_118 = arith.constant 144 : i32
    %mul3A_119 = arith.muli %arg1, %mul3A_118 : i32
    %add3A_120 = arith.constant 25344 : i32
    %add3A_121 = arith.addi %add3A_120, %mul3A_119 : i32
    %dma_start3A_122 = arith.constant 1584 : i32
    %dma_start3A_123 = tpu.memref_slice %arg12[%dma_start3A_122] : memref<2304xf32, #tpu.memory_space<vmem>> -> memref<144xf32, #tpu.memory_space<vmem>>
    %dma_start3A_124 = tpu.memref_slice %arg17[%add3A_121] : memref<36864xf32, #tpu.memory_space<vmem_shared>> -> memref<144xf32, #tpu.memory_space<vmem_shared>>
    %dma_start3A_125 = arith.constant 1584 : i32
    %dma_start3A_126 = tpu.memref_slice %arg12[%dma_start3A_125] : memref<2304xf32, #tpu.memory_space<vmem>> -> memref<144xf32, #tpu.memory_space<vmem>>
    %dma_start3A_127 = tpu.memref_slice %arg17[%add3A_121] : memref<36864xf32, #tpu.memory_space<vmem_shared>> -> memref<144xf32, #tpu.memory_space<vmem_shared>>
    tpu.enqueue_dma source(%dma_start3A_127 : memref<144xf32, #tpu.memory_space<vmem_shared>>) target(%dma_start3A_126 : memref<144xf32, #tpu.memory_space<vmem>>) target_semaphore(%arg15 : memref<!tpu.dma_semaphore, #tpu.memory_space<semaphore_mem>>)
    %mul3A_128 = arith.constant 144 : i32
    %mul3A_129 = arith.muli %arg1, %mul3A_128 : i32
    %add3A_130 = arith.constant 27648 : i32
    %add3A_131 = arith.addi %add3A_130, %mul3A_129 : i32
    %dma_start3A_132 = arith.constant 1728 : i32
    %dma_start3A_133 = tpu.memref_slice %arg12[%dma_start3A_132] : memref<2304xf32, #tpu.memory_space<vmem>> -> memref<144xf32, #tpu.memory_space<vmem>>
    %dma_start3A_134 = tpu.memref_slice %arg17[%add3A_131] : memref<36864xf32, #tpu.memory_space<vmem_shared>> -> memref<144xf32, #tpu.memory_space<vmem_shared>>
    %dma_start3A_135 = arith.constant 1728 : i32
    %dma_start3A_136 = tpu.memref_slice %arg12[%dma_start3A_135] : memref<2304xf32, #tpu.memory_space<vmem>> -> memref<144xf32, #tpu.memory_space<vmem>>
    %dma_start3A_137 = tpu.memref_slice %arg17[%add3A_131] : memref<36864xf32, #tpu.memory_space<vmem_shared>> -> memref<144xf32, #tpu.memory_space<vmem_shared>>
    tpu.enqueue_dma source(%dma_start3A_137 : memref<144xf32, #tpu.memory_space<vmem_shared>>) target(%dma_start3A_136 : memref<144xf32, #tpu.memory_space<vmem>>) target_semaphore(%arg15 : memref<!tpu.dma_semaphore, #tpu.memory_space<semaphore_mem>>)
    %mul3A_138 = arith.constant 144 : i32
    %mul3A_139 = arith.muli %arg1, %mul3A_138 : i32
    %add3A_140 = arith.constant 29952 : i32
    %add3A_141 = arith.addi %add3A_140, %mul3A_139 : i32
    %dma_start3A_142 = arith.constant 1872 : i32
    %dma_start3A_143 = tpu.memref_slice %arg12[%dma_start3A_142] : memref<2304xf32, #tpu.memory_space<vmem>> -> memref<144xf32, #tpu.memory_space<vmem>>
    %dma_start3A_144 = tpu.memref_slice %arg17[%add3A_141] : memref<36864xf32, #tpu.memory_space<vmem_shared>> -> memref<144xf32, #tpu.memory_space<vmem_shared>>
    %dma_start3A_145 = arith.constant 1872 : i32
    %dma_start3A_146 = tpu.memref_slice %arg12[%dma_start3A_145] : memref<2304xf32, #tpu.memory_space<vmem>> -> memref<144xf32, #tpu.memory_space<vmem>>
    %dma_start3A_147 = tpu.memref_slice %arg17[%add3A_141] : memref<36864xf32, #tpu.memory_space<vmem_shared>> -> memref<144xf32, #tpu.memory_space<vmem_shared>>
    tpu.enqueue_dma source(%dma_start3A_147 : memref<144xf32, #tpu.memory_space<vmem_shared>>) target(%dma_start3A_146 : memref<144xf32, #tpu.memory_space<vmem>>) target_semaphore(%arg15 : memref<!tpu.dma_semaphore, #tpu.memory_space<semaphore_mem>>)
    %mul3A_148 = arith.constant 144 : i32
    %mul3A_149 = arith.muli %arg1, %mul3A_148 : i32
    %add3A_150 = arith.constant 32256 : i32
    %add3A_151 = arith.addi %add3A_150, %mul3A_149 : i32
    %dma_start3A_152 = arith.constant 2016 : i32
    %dma_start3A_153 = tpu.memref_slice %arg12[%dma_start3A_152] : memref<2304xf32, #tpu.memory_space<vmem>> -> memref<144xf32, #tpu.memory_space<vmem>>
    %dma_start3A_154 = tpu.memref_slice %arg17[%add3A_151] : memref<36864xf32, #tpu.memory_space<vmem_shared>> -> memref<144xf32, #tpu.memory_space<vmem_shared>>
    %dma_start3A_155 = arith.constant 2016 : i32
    %dma_start3A_156 = tpu.memref_slice %arg12[%dma_start3A_155] : memref<2304xf32, #tpu.memory_space<vmem>> -> memref<144xf32, #tpu.memory_space<vmem>>
    %dma_start3A_157 = tpu.memref_slice %arg17[%add3A_151] : memref<36864xf32, #tpu.memory_space<vmem_shared>> -> memref<144xf32, #tpu.memory_space<vmem_shared>>
    tpu.enqueue_dma source(%dma_start3A_157 : memref<144xf32, #tpu.memory_space<vmem_shared>>) target(%dma_start3A_156 : memref<144xf32, #tpu.memory_space<vmem>>) target_semaphore(%arg15 : memref<!tpu.dma_semaphore, #tpu.memory_space<semaphore_mem>>)
    %mul3A_158 = arith.constant 144 : i32
    %mul3A_159 = arith.muli %arg1, %mul3A_158 : i32
    %add3A_160 = arith.constant 34560 : i32
    %add3A_161 = arith.addi %add3A_160, %mul3A_159 : i32
    %dma_start3A_162 = arith.constant 2160 : i32
    %dma_start3A_163 = tpu.memref_slice %arg12[%dma_start3A_162] : memref<2304xf32, #tpu.memory_space<vmem>> -> memref<144xf32, #tpu.memory_space<vmem>>
    %dma_start3A_164 = tpu.memref_slice %arg17[%add3A_161] : memref<36864xf32, #tpu.memory_space<vmem_shared>> -> memref<144xf32, #tpu.memory_space<vmem_shared>>
    %dma_start3A_165 = arith.constant 2160 : i32
    %dma_start3A_166 = tpu.memref_slice %arg12[%dma_start3A_165] : memref<2304xf32, #tpu.memory_space<vmem>> -> memref<144xf32, #tpu.memory_space<vmem>>
    %dma_start3A_167 = tpu.memref_slice %arg17[%add3A_161] : memref<36864xf32, #tpu.memory_space<vmem_shared>> -> memref<144xf32, #tpu.memory_space<vmem_shared>>
    tpu.enqueue_dma source(%dma_start3A_167 : memref<144xf32, #tpu.memory_space<vmem_shared>>) target(%dma_start3A_166 : memref<144xf32, #tpu.memory_space<vmem>>) target_semaphore(%arg15 : memref<!tpu.dma_semaphore, #tpu.memory_space<semaphore_mem>>)
    %dma_wait3A = arith.constant 0 : i32
    %dma_wait3A_168 = tpu.memref_slice %arg12[%dma_wait3A] : memref<2304xf32, #tpu.memory_space<vmem>> -> memref<144xf32, #tpu.memory_space<vmem>>
    %dma_wait3A_169 = tpu.memref_slice %arg17[%add3A_12] : memref<36864xf32, #tpu.memory_space<vmem_shared>> -> memref<144xf32, #tpu.memory_space<vmem_shared>>
    %dma_wait3A_170 = arith.constant 0 : i32
    %dma_wait3A_171 = tpu.memref_slice %arg12[%dma_wait3A_170] : memref<2304xf32, #tpu.memory_space<vmem>> -> memref<144xf32, #tpu.memory_space<vmem>>
    %dma_wait3A_172 = tpu.memref_slice %arg17[%add3A_12] : memref<36864xf32, #tpu.memory_space<vmem_shared>> -> memref<144xf32, #tpu.memory_space<vmem_shared>>
    tpu.wait_dma2 semaphore(%arg15 : memref<!tpu.dma_semaphore, #tpu.memory_space<semaphore_mem>>) src(%dma_wait3A_172 : memref<144xf32, #tpu.memory_space<vmem_shared>>) dst(%dma_wait3A_171 : memref<144xf32, #tpu.memory_space<vmem>>)
    %dma_wait3A_173 = arith.constant 144 : i32
    %dma_wait3A_174 = tpu.memref_slice %arg12[%dma_wait3A_173] : memref<2304xf32, #tpu.memory_space<vmem>> -> memref<144xf32, #tpu.memory_space<vmem>>
    %dma_wait3A_175 = tpu.memref_slice %arg17[%add3A_21] : memref<36864xf32, #tpu.memory_space<vmem_shared>> -> memref<144xf32, #tpu.memory_space<vmem_shared>>
    %dma_wait3A_176 = arith.constant 144 : i32
    %dma_wait3A_177 = tpu.memref_slice %arg12[%dma_wait3A_176] : memref<2304xf32, #tpu.memory_space<vmem>> -> memref<144xf32, #tpu.memory_space<vmem>>
    %dma_wait3A_178 = tpu.memref_slice %arg17[%add3A_21] : memref<36864xf32, #tpu.memory_space<vmem_shared>> -> memref<144xf32, #tpu.memory_space<vmem_shared>>
    tpu.wait_dma2 semaphore(%arg15 : memref<!tpu.dma_semaphore, #tpu.memory_space<semaphore_mem>>) src(%dma_wait3A_178 : memref<144xf32, #tpu.memory_space<vmem_shared>>) dst(%dma_wait3A_177 : memref<144xf32, #tpu.memory_space<vmem>>)
    %dma_wait3A_179 = arith.constant 288 : i32
    %dma_wait3A_180 = tpu.memref_slice %arg12[%dma_wait3A_179] : memref<2304xf32, #tpu.memory_space<vmem>> -> memref<144xf32, #tpu.memory_space<vmem>>
    %dma_wait3A_181 = tpu.memref_slice %arg17[%add3A_31] : memref<36864xf32, #tpu.memory_space<vmem_shared>> -> memref<144xf32, #tpu.memory_space<vmem_shared>>
    %dma_wait3A_182 = arith.constant 288 : i32
    %dma_wait3A_183 = tpu.memref_slice %arg12[%dma_wait3A_182] : memref<2304xf32, #tpu.memory_space<vmem>> -> memref<144xf32, #tpu.memory_space<vmem>>
    %dma_wait3A_184 = tpu.memref_slice %arg17[%add3A_31] : memref<36864xf32, #tpu.memory_space<vmem_shared>> -> memref<144xf32, #tpu.memory_space<vmem_shared>>
    tpu.wait_dma2 semaphore(%arg15 : memref<!tpu.dma_semaphore, #tpu.memory_space<semaphore_mem>>) src(%dma_wait3A_184 : memref<144xf32, #tpu.memory_space<vmem_shared>>) dst(%dma_wait3A_183 : memref<144xf32, #tpu.memory_space<vmem>>)
    %dma_wait3A_185 = arith.constant 432 : i32
    %dma_wait3A_186 = tpu.memref_slice %arg12[%dma_wait3A_185] : memref<2304xf32, #tpu.memory_space<vmem>> -> memref<144xf32, #tpu.memory_space<vmem>>
    %dma_wait3A_187 = tpu.memref_slice %arg17[%add3A_41] : memref<36864xf32, #tpu.memory_space<vmem_shared>> -> memref<144xf32, #tpu.memory_space<vmem_shared>>
    %dma_wait3A_188 = arith.constant 432 : i32
    %dma_wait3A_189 = tpu.memref_slice %arg12[%dma_wait3A_188] : memref<2304xf32, #tpu.memory_space<vmem>> -> memref<144xf32, #tpu.memory_space<vmem>>
    %dma_wait3A_190 = tpu.memref_slice %arg17[%add3A_41] : memref<36864xf32, #tpu.memory_space<vmem_shared>> -> memref<144xf32, #tpu.memory_space<vmem_shared>>
    tpu.wait_dma2 semaphore(%arg15 : memref<!tpu.dma_semaphore, #tpu.memory_space<semaphore_mem>>) src(%dma_wait3A_190 : memref<144xf32, #tpu.memory_space<vmem_shared>>) dst(%dma_wait3A_189 : memref<144xf32, #tpu.memory_space<vmem>>)
    %dma_wait3A_191 = arith.constant 576 : i32
    %dma_wait3A_192 = tpu.memref_slice %arg12[%dma_wait3A_191] : memref<2304xf32, #tpu.memory_space<vmem>> -> memref<144xf32, #tpu.memory_space<vmem>>
    %dma_wait3A_193 = tpu.memref_slice %arg17[%add3A_51] : memref<36864xf32, #tpu.memory_space<vmem_shared>> -> memref<144xf32, #tpu.memory_space<vmem_shared>>
    %dma_wait3A_194 = arith.constant 576 : i32
    %dma_wait3A_195 = tpu.memref_slice %arg12[%dma_wait3A_194] : memref<2304xf32, #tpu.memory_space<vmem>> -> memref<144xf32, #tpu.memory_space<vmem>>
    %dma_wait3A_196 = tpu.memref_slice %arg17[%add3A_51] : memref<36864xf32, #tpu.memory_space<vmem_shared>> -> memref<144xf32, #tpu.memory_space<vmem_shared>>
    tpu.wait_dma2 semaphore(%arg15 : memref<!tpu.dma_semaphore, #tpu.memory_space<semaphore_mem>>) src(%dma_wait3A_196 : memref<144xf32, #tpu.memory_space<vmem_shared>>) dst(%dma_wait3A_195 : memref<144xf32, #tpu.memory_space<vmem>>)
    %dma_wait3A_197 = arith.constant 720 : i32
    %dma_wait3A_198 = tpu.memref_slice %arg12[%dma_wait3A_197] : memref<2304xf32, #tpu.memory_space<vmem>> -> memref<144xf32, #tpu.memory_space<vmem>>
    %dma_wait3A_199 = tpu.memref_slice %arg17[%add3A_61] : memref<36864xf32, #tpu.memory_space<vmem_shared>> -> memref<144xf32, #tpu.memory_space<vmem_shared>>
    %dma_wait3A_200 = arith.constant 720 : i32
    %dma_wait3A_201 = tpu.memref_slice %arg12[%dma_wait3A_200] : memref<2304xf32, #tpu.memory_space<vmem>> -> memref<144xf32, #tpu.memory_space<vmem>>
    %dma_wait3A_202 = tpu.memref_slice %arg17[%add3A_61] : memref<36864xf32, #tpu.memory_space<vmem_shared>> -> memref<144xf32, #tpu.memory_space<vmem_shared>>
    tpu.wait_dma2 semaphore(%arg15 : memref<!tpu.dma_semaphore, #tpu.memory_space<semaphore_mem>>) src(%dma_wait3A_202 : memref<144xf32, #tpu.memory_space<vmem_shared>>) dst(%dma_wait3A_201 : memref<144xf32, #tpu.memory_space<vmem>>)
    %dma_wait3A_203 = arith.constant 864 : i32
    %dma_wait3A_204 = tpu.memref_slice %arg12[%dma_wait3A_203] : memref<2304xf32, #tpu.memory_space<vmem>> -> memref<144xf32, #tpu.memory_space<vmem>>
    %dma_wait3A_205 = tpu.memref_slice %arg17[%add3A_71] : memref<36864xf32, #tpu.memory_space<vmem_shared>> -> memref<144xf32, #tpu.memory_space<vmem_shared>>
    %dma_wait3A_206 = arith.constant 864 : i32
    %dma_wait3A_207 = tpu.memref_slice %arg12[%dma_wait3A_206] : memref<2304xf32, #tpu.memory_space<vmem>> -> memref<144xf32, #tpu.memory_space<vmem>>
    %dma_wait3A_208 = tpu.memref_slice %arg17[%add3A_71] : memref<36864xf32, #tpu.memory_space<vmem_shared>> -> memref<144xf32, #tpu.memory_space<vmem_shared>>
    tpu.wait_dma2 semaphore(%arg15 : memref<!tpu.dma_semaphore, #tpu.memory_space<semaphore_mem>>) src(%dma_wait3A_208 : memref<144xf32, #tpu.memory_space<vmem_shared>>) dst(%dma_wait3A_207 : memref<144xf32, #tpu.memory_space<vmem>>)
    %dma_wait3A_209 = arith.constant 1008 : i32
    %dma_wait3A_210 = tpu.memref_slice %arg12[%dma_wait3A_209] : memref<2304xf32, #tpu.memory_space<vmem>> -> memref<144xf32, #tpu.memory_space<vmem>>
    %dma_wait3A_211 = tpu.memref_slice %arg17[%add3A_81] : memref<36864xf32, #tpu.memory_space<vmem_shared>> -> memref<144xf32, #tpu.memory_space<vmem_shared>>
    %dma_wait3A_212 = arith.constant 1008 : i32
    %dma_wait3A_213 = tpu.memref_slice %arg12[%dma_wait3A_212] : memref<2304xf32, #tpu.memory_space<vmem>> -> memref<144xf32, #tpu.memory_space<vmem>>
    %dma_wait3A_214 = tpu.memref_slice %arg17[%add3A_81] : memref<36864xf32, #tpu.memory_space<vmem_shared>> -> memref<144xf32, #tpu.memory_space<vmem_shared>>
    tpu.wait_dma2 semaphore(%arg15 : memref<!tpu.dma_semaphore, #tpu.memory_space<semaphore_mem>>) src(%dma_wait3A_214 : memref<144xf32, #tpu.memory_space<vmem_shared>>) dst(%dma_wait3A_213 : memref<144xf32, #tpu.memory_space<vmem>>)
    %dma_wait3A_215 = arith.constant 1152 : i32
    %dma_wait3A_216 = tpu.memref_slice %arg12[%dma_wait3A_215] : memref<2304xf32, #tpu.memory_space<vmem>> -> memref<144xf32, #tpu.memory_space<vmem>>
    %dma_wait3A_217 = tpu.memref_slice %arg17[%add3A_91] : memref<36864xf32, #tpu.memory_space<vmem_shared>> -> memref<144xf32, #tpu.memory_space<vmem_shared>>
    %dma_wait3A_218 = arith.constant 1152 : i32
    %dma_wait3A_219 = tpu.memref_slice %arg12[%dma_wait3A_218] : memref<2304xf32, #tpu.memory_space<vmem>> -> memref<144xf32, #tpu.memory_space<vmem>>
    %dma_wait3A_220 = tpu.memref_slice %arg17[%add3A_91] : memref<36864xf32, #tpu.memory_space<vmem_shared>> -> memref<144xf32, #tpu.memory_space<vmem_shared>>
    tpu.wait_dma2 semaphore(%arg15 : memref<!tpu.dma_semaphore, #tpu.memory_space<semaphore_mem>>) src(%dma_wait3A_220 : memref<144xf32, #tpu.memory_space<vmem_shared>>) dst(%dma_wait3A_219 : memref<144xf32, #tpu.memory_space<vmem>>)
    %dma_wait3A_221 = arith.constant 1296 : i32
    %dma_wait3A_222 = tpu.memref_slice %arg12[%dma_wait3A_221] : memref<2304xf32, #tpu.memory_space<vmem>> -> memref<144xf32, #tpu.memory_space<vmem>>
    %dma_wait3A_223 = tpu.memref_slice %arg17[%add3A_101] : memref<36864xf32, #tpu.memory_space<vmem_shared>> -> memref<144xf32, #tpu.memory_space<vmem_shared>>
    %dma_wait3A_224 = arith.constant 1296 : i32
    %dma_wait3A_225 = tpu.memref_slice %arg12[%dma_wait3A_224] : memref<2304xf32, #tpu.memory_space<vmem>> -> memref<144xf32, #tpu.memory_space<vmem>>
    %dma_wait3A_226 = tpu.memref_slice %arg17[%add3A_101] : memref<36864xf32, #tpu.memory_space<vmem_shared>> -> memref<144xf32, #tpu.memory_space<vmem_shared>>
    tpu.wait_dma2 semaphore(%arg15 : memref<!tpu.dma_semaphore, #tpu.memory_space<semaphore_mem>>) src(%dma_wait3A_226 : memref<144xf32, #tpu.memory_space<vmem_shared>>) dst(%dma_wait3A_225 : memref<144xf32, #tpu.memory_space<vmem>>)
    %dma_wait3A_227 = arith.constant 1440 : i32
    %dma_wait3A_228 = tpu.memref_slice %arg12[%dma_wait3A_227] : memref<2304xf32, #tpu.memory_space<vmem>> -> memref<144xf32, #tpu.memory_space<vmem>>
    %dma_wait3A_229 = tpu.memref_slice %arg17[%add3A_111] : memref<36864xf32, #tpu.memory_space<vmem_shared>> -> memref<144xf32, #tpu.memory_space<vmem_shared>>
    %dma_wait3A_230 = arith.constant 1440 : i32
    %dma_wait3A_231 = tpu.memref_slice %arg12[%dma_wait3A_230] : memref<2304xf32, #tpu.memory_space<vmem>> -> memref<144xf32, #tpu.memory_space<vmem>>
    %dma_wait3A_232 = tpu.memref_slice %arg17[%add3A_111] : memref<36864xf32, #tpu.memory_space<vmem_shared>> -> memref<144xf32, #tpu.memory_space<vmem_shared>>
    tpu.wait_dma2 semaphore(%arg15 : memref<!tpu.dma_semaphore, #tpu.memory_space<semaphore_mem>>) src(%dma_wait3A_232 : memref<144xf32, #tpu.memory_space<vmem_shared>>) dst(%dma_wait3A_231 : memref<144xf32, #tpu.memory_space<vmem>>)
    %dma_wait3A_233 = arith.constant 1584 : i32
    %dma_wait3A_234 = tpu.memref_slice %arg12[%dma_wait3A_233] : memref<2304xf32, #tpu.memory_space<vmem>> -> memref<144xf32, #tpu.memory_space<vmem>>
    %dma_wait3A_235 = tpu.memref_slice %arg17[%add3A_121] : memref<36864xf32, #tpu.memory_space<vmem_shared>> -> memref<144xf32, #tpu.memory_space<vmem_shared>>
    %dma_wait3A_236 = arith.constant 1584 : i32
    %dma_wait3A_237 = tpu.memref_slice %arg12[%dma_wait3A_236] : memref<2304xf32, #tpu.memory_space<vmem>> -> memref<144xf32, #tpu.memory_space<vmem>>
    %dma_wait3A_238 = tpu.memref_slice %arg17[%add3A_121] : memref<36864xf32, #tpu.memory_space<vmem_shared>> -> memref<144xf32, #tpu.memory_space<vmem_shared>>
    tpu.wait_dma2 semaphore(%arg15 : memref<!tpu.dma_semaphore, #tpu.memory_space<semaphore_mem>>) src(%dma_wait3A_238 : memref<144xf32, #tpu.memory_space<vmem_shared>>) dst(%dma_wait3A_237 : memref<144xf32, #tpu.memory_space<vmem>>)
    %dma_wait3A_239 = arith.constant 1728 : i32
    %dma_wait3A_240 = tpu.memref_slice %arg12[%dma_wait3A_239] : memref<2304xf32, #tpu.memory_space<vmem>> -> memref<144xf32, #tpu.memory_space<vmem>>
    %dma_wait3A_241 = tpu.memref_slice %arg17[%add3A_131] : memref<36864xf32, #tpu.memory_space<vmem_shared>> -> memref<144xf32, #tpu.memory_space<vmem_shared>>
    %dma_wait3A_242 = arith.constant 1728 : i32
    %dma_wait3A_243 = tpu.memref_slice %arg12[%dma_wait3A_242] : memref<2304xf32, #tpu.memory_space<vmem>> -> memref<144xf32, #tpu.memory_space<vmem>>
    %dma_wait3A_244 = tpu.memref_slice %arg17[%add3A_131] : memref<36864xf32, #tpu.memory_space<vmem_shared>> -> memref<144xf32, #tpu.memory_space<vmem_shared>>
    tpu.wait_dma2 semaphore(%arg15 : memref<!tpu.dma_semaphore, #tpu.memory_space<semaphore_mem>>) src(%dma_wait3A_244 : memref<144xf32, #tpu.memory_space<vmem_shared>>) dst(%dma_wait3A_243 : memref<144xf32, #tpu.memory_space<vmem>>)
    %dma_wait3A_245 = arith.constant 1872 : i32
    %dma_wait3A_246 = tpu.memref_slice %arg12[%dma_wait3A_245] : memref<2304xf32, #tpu.memory_space<vmem>> -> memref<144xf32, #tpu.memory_space<vmem>>
    %dma_wait3A_247 = tpu.memref_slice %arg17[%add3A_141] : memref<36864xf32, #tpu.memory_space<vmem_shared>> -> memref<144xf32, #tpu.memory_space<vmem_shared>>
    %dma_wait3A_248 = arith.constant 1872 : i32
    %dma_wait3A_249 = tpu.memref_slice %arg12[%dma_wait3A_248] : memref<2304xf32, #tpu.memory_space<vmem>> -> memref<144xf32, #tpu.memory_space<vmem>>
    %dma_wait3A_250 = tpu.memref_slice %arg17[%add3A_141] : memref<36864xf32, #tpu.memory_space<vmem_shared>> -> memref<144xf32, #tpu.memory_space<vmem_shared>>
    tpu.wait_dma2 semaphore(%arg15 : memref<!tpu.dma_semaphore, #tpu.memory_space<semaphore_mem>>) src(%dma_wait3A_250 : memref<144xf32, #tpu.memory_space<vmem_shared>>) dst(%dma_wait3A_249 : memref<144xf32, #tpu.memory_space<vmem>>)
    %dma_wait3A_251 = arith.constant 2016 : i32
    %dma_wait3A_252 = tpu.memref_slice %arg12[%dma_wait3A_251] : memref<2304xf32, #tpu.memory_space<vmem>> -> memref<144xf32, #tpu.memory_space<vmem>>
    %dma_wait3A_253 = tpu.memref_slice %arg17[%add3A_151] : memref<36864xf32, #tpu.memory_space<vmem_shared>> -> memref<144xf32, #tpu.memory_space<vmem_shared>>
    %dma_wait3A_254 = arith.constant 2016 : i32
    %dma_wait3A_255 = tpu.memref_slice %arg12[%dma_wait3A_254] : memref<2304xf32, #tpu.memory_space<vmem>> -> memref<144xf32, #tpu.memory_space<vmem>>
    %dma_wait3A_256 = tpu.memref_slice %arg17[%add3A_151] : memref<36864xf32, #tpu.memory_space<vmem_shared>> -> memref<144xf32, #tpu.memory_space<vmem_shared>>
    tpu.wait_dma2 semaphore(%arg15 : memref<!tpu.dma_semaphore, #tpu.memory_space<semaphore_mem>>) src(%dma_wait3A_256 : memref<144xf32, #tpu.memory_space<vmem_shared>>) dst(%dma_wait3A_255 : memref<144xf32, #tpu.memory_space<vmem>>)
    %dma_wait3A_257 = arith.constant 2160 : i32
    %dma_wait3A_258 = tpu.memref_slice %arg12[%dma_wait3A_257] : memref<2304xf32, #tpu.memory_space<vmem>> -> memref<144xf32, #tpu.memory_space<vmem>>
    %dma_wait3A_259 = tpu.memref_slice %arg17[%add3A_161] : memref<36864xf32, #tpu.memory_space<vmem_shared>> -> memref<144xf32, #tpu.memory_space<vmem_shared>>
    %dma_wait3A_260 = arith.constant 2160 : i32
    %dma_wait3A_261 = tpu.memref_slice %arg12[%dma_wait3A_260] : memref<2304xf32, #tpu.memory_space<vmem>> -> memref<144xf32, #tpu.memory_space<vmem>>
    %dma_wait3A_262 = tpu.memref_slice %arg17[%add3A_161] : memref<36864xf32, #tpu.memory_space<vmem_shared>> -> memref<144xf32, #tpu.memory_space<vmem_shared>>
    tpu.wait_dma2 semaphore(%arg15 : memref<!tpu.dma_semaphore, #tpu.memory_space<semaphore_mem>>) src(%dma_wait3A_262 : memref<144xf32, #tpu.memory_space<vmem_shared>>) dst(%dma_wait3A_261 : memref<144xf32, #tpu.memory_space<vmem>>)
    %parallel_loop3A = arith.constant 0 : i32
    %parallel_loop3A_263 = arith.constant 144 : i32
    %parallel_loop3A_264 = arith.constant 16 : i32
    scf.for %parallel_loop3A_281 = %parallel_loop3A to %parallel_loop3A_263 step %parallel_loop3A_264  : i32 {
      %parallel_loop3A_282 = arith.index_cast %parallel_loop3A_281 : i32 to index
      %parallel_loop3A_283 = tpu.vector_load %arg12[%parallel_loop3A_282] {strides = array<i32>} : memref<2304xf32, #tpu.memory_space<vmem>>, vector<16xf32>,
      %parallel_loop3A_284 = arith.constant 144 : i32
      %parallel_loop3A_285 = arith.addi %parallel_loop3A_284, %parallel_loop3A_281 : i32
      %parallel_loop3A_286 = arith.index_cast %parallel_loop3A_285 : i32 to index
      %parallel_loop3A_287 = tpu.vector_load %arg12[%parallel_loop3A_286] {strides = array<i32>} : memref<2304xf32, #tpu.memory_space<vmem>>, vector<16xf32>,
      %parallel_loop3A_288 = arith.addf %parallel_loop3A_283, %parallel_loop3A_287 : vector<16xf32>
      %parallel_loop3A_289 = arith.constant 288 : i32
      %parallel_loop3A_290 = arith.addi %parallel_loop3A_289, %parallel_loop3A_281 : i32
      %parallel_loop3A_291 = arith.index_cast %parallel_loop3A_290 : i32 to index
      %parallel_loop3A_292 = tpu.vector_load %arg12[%parallel_loop3A_291] {strides = array<i32>} : memref<2304xf32, #tpu.memory_space<vmem>>, vector<16xf32>,
      %parallel_loop3A_293 = arith.addf %parallel_loop3A_288, %parallel_loop3A_292 : vector<16xf32>
      %parallel_loop3A_294 = arith.constant 432 : i32
      %parallel_loop3A_295 = arith.addi %parallel_loop3A_294, %parallel_loop3A_281 : i32
      %parallel_loop3A_296 = arith.index_cast %parallel_loop3A_295 : i32 to index
      %parallel_loop3A_297 = tpu.vector_load %arg12[%parallel_loop3A_296] {strides = array<i32>} : memref<2304xf32, #tpu.memory_space<vmem>>, vector<16xf32>,
      %parallel_loop3A_298 = arith.addf %parallel_loop3A_293, %parallel_loop3A_297 : vector<16xf32>
      %parallel_loop3A_299 = arith.constant 576 : i32
      %parallel_loop3A_300 = arith.addi %parallel_loop3A_299, %parallel_loop3A_281 : i32
      %parallel_loop3A_301 = arith.index_cast %parallel_loop3A_300 : i32 to index
      %parallel_loop3A_302 = tpu.vector_load %arg12[%parallel_loop3A_301] {strides = array<i32>} : memref<2304xf32, #tpu.memory_space<vmem>>, vector<16xf32>,
      %parallel_loop3A_303 = arith.addf %parallel_loop3A_298, %parallel_loop3A_302 : vector<16xf32>
      %parallel_loop3A_304 = arith.constant 720 : i32
      %parallel_loop3A_305 = arith.addi %parallel_loop3A_304, %parallel_loop3A_281 : i32
      %parallel_loop3A_306 = arith.index_cast %parallel_loop3A_305 : i32 to index
      %parallel_loop3A_307 = tpu.vector_load %arg12[%parallel_loop3A_306] {strides = array<i32>} : memref<2304xf32, #tpu.memory_space<vmem>>, vector<16xf32>,
      %parallel_loop3A_308 = arith.addf %parallel_loop3A_303, %parallel_loop3A_307 : vector<16xf32>
      %parallel_loop3A_309 = arith.constant 864 : i32
      %parallel_loop3A_310 = arith.addi %parallel_loop3A_309, %parallel_loop3A_281 : i32
      %parallel_loop3A_311 = arith.index_cast %parallel_loop3A_310 : i32 to index
      %parallel_loop3A_312 = tpu.vector_load %arg12[%parallel_loop3A_311] {strides = array<i32>} : memref<2304xf32, #tpu.memory_space<vmem>>, vector<16xf32>,
      %parallel_loop3A_313 = arith.addf %parallel_loop3A_308, %parallel_loop3A_312 : vector<16xf32>
      %parallel_loop3A_314 = arith.constant 1008 : i32
      %parallel_loop3A_315 = arith.addi %parallel_loop3A_314, %parallel_loop3A_281 : i32
      %parallel_loop3A_316 = arith.index_cast %parallel_loop3A_315 : i32 to index
      %parallel_loop3A_317 = tpu.vector_load %arg12[%parallel_loop3A_316] {strides = array<i32>} : memref<2304xf32, #tpu.memory_space<vmem>>, vector<16xf32>,
      %parallel_loop3A_318 = arith.addf %parallel_loop3A_313, %parallel_loop3A_317 : vector<16xf32>
      %parallel_loop3A_319 = arith.constant 1152 : i32
      %parallel_loop3A_320 = arith.addi %parallel_loop3A_319, %parallel_loop3A_281 : i32
      %parallel_loop3A_321 = arith.index_cast %parallel_loop3A_320 : i32 to index
      %parallel_loop3A_322 = tpu.vector_load %arg12[%parallel_loop3A_321] {strides = array<i32>} : memref<2304xf32, #tpu.memory_space<vmem>>, vector<16xf32>,
      %parallel_loop3A_323 = arith.addf %parallel_loop3A_318, %parallel_loop3A_322 : vector<16xf32>
      %parallel_loop3A_324 = arith.constant 1296 : i32
      %parallel_loop3A_325 = arith.addi %parallel_loop3A_324, %parallel_loop3A_281 : i32
      %parallel_loop3A_326 = arith.index_cast %parallel_loop3A_325 : i32 to index
      %parallel_loop3A_327 = tpu.vector_load %arg12[%parallel_loop3A_326] {strides = array<i32>} : memref<2304xf32, #tpu.memory_space<vmem>>, vector<16xf32>,
      %parallel_loop3A_328 = arith.addf %parallel_loop3A_323, %parallel_loop3A_327 : vector<16xf32>
      %parallel_loop3A_329 = arith.constant 1440 : i32
      %parallel_loop3A_330 = arith.addi %parallel_loop3A_329, %parallel_loop3A_281 : i32
      %parallel_loop3A_331 = arith.index_cast %parallel_loop3A_330 : i32 to index
      %parallel_loop3A_332 = tpu.vector_load %arg12[%parallel_loop3A_331] {strides = array<i32>} : memref<2304xf32, #tpu.memory_space<vmem>>, vector<16xf32>,
      %parallel_loop3A_333 = arith.addf %parallel_loop3A_328, %parallel_loop3A_332 : vector<16xf32>
      %parallel_loop3A_334 = arith.constant 1584 : i32
      %parallel_loop3A_335 = arith.addi %parallel_loop3A_334, %parallel_loop3A_281 : i32
      %parallel_loop3A_336 = arith.index_cast %parallel_loop3A_335 : i32 to index
      %parallel_loop3A_337 = tpu.vector_load %arg12[%parallel_loop3A_336] {strides = array<i32>} : memref<2304xf32, #tpu.memory_space<vmem>>, vector<16xf32>,
      %parallel_loop3A_338 = arith.addf %parallel_loop3A_333, %parallel_loop3A_337 : vector<16xf32>
      %parallel_loop3A_339 = arith.constant 1728 : i32
      %parallel_loop3A_340 = arith.addi %parallel_loop3A_339, %parallel_loop3A_281 : i32
      %parallel_loop3A_341 = arith.index_cast %parallel_loop3A_340 : i32 to index
      %parallel_loop3A_342 = tpu.vector_load %arg12[%parallel_loop3A_341] {strides = array<i32>} : memref<2304xf32, #tpu.memory_space<vmem>>, vector<16xf32>,
      %parallel_loop3A_343 = arith.addf %parallel_loop3A_338, %parallel_loop3A_342 : vector<16xf32>
      %parallel_loop3A_344 = arith.constant 1872 : i32
      %parallel_loop3A_345 = arith.addi %parallel_loop3A_344, %parallel_loop3A_281 : i32
      %parallel_loop3A_346 = arith.index_cast %parallel_loop3A_345 : i32 to index
      %parallel_loop3A_347 = tpu.vector_load %arg12[%parallel_loop3A_346] {strides = array<i32>} : memref<2304xf32, #tpu.memory_space<vmem>>, vector<16xf32>,
      %parallel_loop3A_348 = arith.addf %parallel_loop3A_343, %parallel_loop3A_347 : vector<16xf32>
      %parallel_loop3A_349 = arith.constant 2016 : i32
      %parallel_loop3A_350 = arith.addi %parallel_loop3A_349, %parallel_loop3A_281 : i32
      %parallel_loop3A_351 = arith.index_cast %parallel_loop3A_350 : i32 to index
      %parallel_loop3A_352 = tpu.vector_load %arg12[%parallel_loop3A_351] {strides = array<i32>} : memref<2304xf32, #tpu.memory_space<vmem>>, vector<16xf32>,
      %parallel_loop3A_353 = arith.addf %parallel_loop3A_348, %parallel_loop3A_352 : vector<16xf32>
      %parallel_loop3A_354 = arith.constant 2160 : i32
      %parallel_loop3A_355 = arith.addi %parallel_loop3A_354, %parallel_loop3A_281 : i32
      %parallel_loop3A_356 = arith.index_cast %parallel_loop3A_355 : i32 to index
      %parallel_loop3A_357 = tpu.vector_load %arg12[%parallel_loop3A_356] {strides = array<i32>} : memref<2304xf32, #tpu.memory_space<vmem>>, vector<16xf32>,
      %parallel_loop3A_358 = arith.addf %parallel_loop3A_353, %parallel_loop3A_357 : vector<16xf32>
      %parallel_loop3A_359 = arith.index_cast %parallel_loop3A_281 : i32 to index
      %parallel_loop3A_360 = tpu.vector_load %arg13[%parallel_loop3A_359] {strides = array<i32>} : memref<144xf32, #tpu.memory_space<vmem>>, vector<16xf32>,
      tpu.vector_store %arg13[%parallel_loop3A_359], %parallel_loop3A_358 {strides = array<i32>} : memref<144xf32, #tpu.memory_space<vmem>>, vector<16xf32>,
    } {sc.loop_unroll_factor = 1 : i64, sc.parallel_access}
    %mul3A_265 = arith.constant 144 : i32
    %mul3A_266 = arith.muli %arg1, %mul3A_265 : i32
    "tpu.region"() ({
      %run_scoped3A = tpu.sem_alloc : memref<!tpu.dma_semaphore, #tpu.memory_space<semaphore_mem>>
      %dma_start3A_281 = tpu.memref_slice %arg18[%mul3A_266] : memref<2304xf32, #tpu.memory_space<vmem_shared>> -> memref<144xf32, #tpu.memory_space<vmem_shared>>
      %dma_start3A_282 = tpu.memref_slice %arg18[%mul3A_266] : memref<2304xf32, #tpu.memory_space<vmem_shared>> -> memref<144xf32, #tpu.memory_space<vmem_shared>>
      tpu.enqueue_dma source(%arg13 : memref<144xf32, #tpu.memory_space<vmem>>) target(%dma_start3A_282 : memref<144xf32, #tpu.memory_space<vmem_shared>>) target_semaphore(%run_scoped3A : memref<!tpu.dma_semaphore, #tpu.memory_space<semaphore_mem>>)
      %dma_wait3A_283 = tpu.memref_slice %arg18[%mul3A_266] : memref<2304xf32, #tpu.memory_space<vmem_shared>> -> memref<144xf32, #tpu.memory_space<vmem_shared>>
      %dma_wait3A_284 = tpu.memref_slice %arg18[%mul3A_266] : memref<2304xf32, #tpu.memory_space<vmem_shared>> -> memref<144xf32, #tpu.memory_space<vmem_shared>>
      tpu.wait_dma2 semaphore(%run_scoped3A : memref<!tpu.dma_semaphore, #tpu.memory_space<semaphore_mem>>) src(%arg13 : memref<144xf32, #tpu.memory_space<vmem>>) dst(%dma_wait3A_284 : memref<144xf32, #tpu.memory_space<vmem_shared>>)
      tpu.yield
    }) : () -> ()
    %barrier3A_267 = arith.constant 0 : index
    tpu.barrier barrier_id(%barrier3A_267)
    "tpu.region"() ({
      %run_scoped3A = tpu.sem_alloc : memref<!tpu.dma_semaphore, #tpu.memory_space<semaphore_mem>>
      tpu.enqueue_dma source(%arg18 : memref<2304xf32, #tpu.memory_space<vmem_shared>>) target(%arg11 : memref<2304xf32, #tpu.memory_space<vmem>>) target_semaphore(%run_scoped3A : memref<!tpu.dma_semaphore, #tpu.memory_space<semaphore_mem>>)
      tpu.wait_dma2 semaphore(%run_scoped3A : memref<!tpu.dma_semaphore, #tpu.memory_space<semaphore_mem>>) src(%arg18 : memref<2304xf32, #tpu.memory_space<vmem_shared>>) dst(%arg11 : memref<2304xf32, #tpu.memory_space<vmem>>)
      tpu.yield
    }) : () -> ()
    %parallel_loop3A_268 = arith.constant 0 : i32
    %parallel_loop3A_269 = arith.constant 576 : i32
    %parallel_loop3A_270 = arith.constant 16 : i32
    "tpu.trace_stop"() : () -> ()
    scf.for %parallel_loop3A_281 = %parallel_loop3A_268 to %parallel_loop3A_269 step %parallel_loop3A_270  : i32 {
      %parallel_loop3A_282 = arith.constant 1728 : i32
      %parallel_loop3A_283 = arith.addi %parallel_loop3A_282, %parallel_loop3A_281 : i32
      %parallel_loop3A_284 = arith.index_cast %parallel_loop3A_283 : i32 to index
      %parallel_loop3A_285 = tpu.vector_load %arg11[%parallel_loop3A_284] {strides = array<i32>} : memref<2304xf32, #tpu.memory_space<vmem>>, vector<16xf32>,
      %parallel_loop3A_286 = arith.constant 1.000000e+00 : f32
      %parallel_loop3A_287 = vector.broadcast %parallel_loop3A_286 : f32 to vector<16xf32>
      %parallel_loop3A_288 = arith.maximumf %parallel_loop3A_285, %parallel_loop3A_287 : vector<16xf32>
      %parallel_loop3A_289 = arith.constant 1.000000e+00 : f32
      %parallel_loop3A_290 = vector.broadcast %parallel_loop3A_289 : f32 to vector<16xf32>
      %parallel_loop3A_291 = arith.divf %parallel_loop3A_290, %parallel_loop3A_288 : vector<16xf32>
      %parallel_loop3A_292 = arith.index_cast %parallel_loop3A_281 : i32 to index
      %parallel_loop3A_293 = tpu.vector_load %arg11[%parallel_loop3A_292] {strides = array<i32>} : memref<2304xf32, #tpu.memory_space<vmem>>, vector<16xf32>,
      %parallel_loop3A_294 = arith.mulf %parallel_loop3A_293, %parallel_loop3A_291 : vector<16xf32>
      %parallel_loop3A_295 = arith.index_cast %parallel_loop3A_281 : i32 to index
      %parallel_loop3A_296 = tpu.vector_load %arg11[%parallel_loop3A_295] {strides = array<i32>} : memref<2304xf32, #tpu.memory_space<vmem>>, vector<16xf32>,
      tpu.vector_store %arg11[%parallel_loop3A_295], %parallel_loop3A_294 {strides = array<i32>} : memref<2304xf32, #tpu.memory_space<vmem>>, vector<16xf32>,
      %parallel_loop3A_297 = arith.constant 576 : i32
      %parallel_loop3A_298 = arith.addi %parallel_loop3A_297, %parallel_loop3A_281 : i32
      %parallel_loop3A_299 = arith.index_cast %parallel_loop3A_298 : i32 to index
      %parallel_loop3A_300 = tpu.vector_load %arg11[%parallel_loop3A_299] {strides = array<i32>} : memref<2304xf32, #tpu.memory_space<vmem>>, vector<16xf32>,
      %parallel_loop3A_301 = arith.mulf %parallel_loop3A_300, %parallel_loop3A_291 : vector<16xf32>
      %parallel_loop3A_302 = arith.constant 576 : i32
      %parallel_loop3A_303 = arith.addi %parallel_loop3A_302, %parallel_loop3A_281 : i32
      %parallel_loop3A_304 = arith.index_cast %parallel_loop3A_303 : i32 to index
      %parallel_loop3A_305 = tpu.vector_load %arg11[%parallel_loop3A_304] {strides = array<i32>} : memref<2304xf32, #tpu.memory_space<vmem>>, vector<16xf32>,
      tpu.vector_store %arg11[%parallel_loop3A_304], %parallel_loop3A_301 {strides = array<i32>} : memref<2304xf32, #tpu.memory_space<vmem>>, vector<16xf32>,
      %parallel_loop3A_306 = arith.constant 1152 : i32
      %parallel_loop3A_307 = arith.addi %parallel_loop3A_306, %parallel_loop3A_281 : i32
      %parallel_loop3A_308 = arith.index_cast %parallel_loop3A_307 : i32 to index
      %parallel_loop3A_309 = tpu.vector_load %arg11[%parallel_loop3A_308] {strides = array<i32>} : memref<2304xf32, #tpu.memory_space<vmem>>, vector<16xf32>,
      %parallel_loop3A_310 = arith.mulf %parallel_loop3A_309, %parallel_loop3A_291 : vector<16xf32>
      %parallel_loop3A_311 = arith.constant 1152 : i32
      %parallel_loop3A_312 = arith.addi %parallel_loop3A_311, %parallel_loop3A_281 : i32
      %parallel_loop3A_313 = arith.index_cast %parallel_loop3A_312 : i32 to index
      %parallel_loop3A_314 = tpu.vector_load %arg11[%parallel_loop3A_313] {strides = array<i32>} : memref<2304xf32, #tpu.memory_space<vmem>>, vector<16xf32>,
      tpu.vector_store %arg11[%parallel_loop3A_313], %parallel_loop3A_310 {strides = array<i32>} : memref<2304xf32, #tpu.memory_space<vmem>>, vector<16xf32>,
    } {sc.loop_unroll_factor = 4 : i64, sc.parallel_access}
    %lt3A_271 = arith.constant 15 : i32
    "tpu.trace_start"() <{level = 10 : i32, message = "p4"}> : () -> ()
    %lt3A_272 = arith.cmpi slt, %arg1, %lt3A_271 : i32
    %convert_element_type3A_273 = arith.extui %lt3A_272 : i1 to i32
    %cond3A_274 = arith.constant 0 : i32
    %cond3A_275 = arith.cmpi ne, %convert_element_type3A_273, %cond3A_274 : i32
    scf.if %cond3A_275 {
      %mul3A_281 = arith.constant 6272 : i32
      %mul3A_282 = arith.muli %arg1, %mul3A_281 : i32
      %mul3A_283 = arith.constant 3136 : i32
      %mul3A_284 = arith.muli %arg0, %mul3A_283 : i32
      %parallel_loop3A_285 = arith.constant 0 : i32
      %parallel_loop3A_286 = arith.constant 3136 : i32
      %parallel_loop3A_287 = arith.constant 16 : i32
      scf.for %parallel_loop3A_289 = %parallel_loop3A_285 to %parallel_loop3A_286 step %parallel_loop3A_287  : i32 {
        %parallel_loop3A_290 = arith.addi %mul3A_284, %parallel_loop3A_289 : i32
        %parallel_loop3A_291 = arith.index_cast %parallel_loop3A_290 : i32 to index
        %parallel_loop3A_292 = tpu.vector_load %arg10[%parallel_loop3A_291] {strides = array<i32>} : memref<6272xi32, #tpu.memory_space<vmem>>, vector<16xi32>,
        %parallel_loop3A_293 = arith.addi %mul3A_284, %parallel_loop3A_289 : i32
        %parallel_loop3A_294 = arith.index_cast %parallel_loop3A_293 : i32 to index
        %parallel_loop3A_295 = tpu.vector_load %arg7[%parallel_loop3A_294] {strides = array<i32>} : memref<6272xf32, #tpu.memory_space<vmem>>, vector<16xf32>,
        %parallel_loop3A_296 = tpu.vector_load_idx %arg11[%parallel_loop3A_292] : memref<2304xf32, #tpu.memory_space<vmem>>[vector<16xi32>], vector<16xf32>,
        %parallel_loop3A_297 = arith.subf %parallel_loop3A_295, %parallel_loop3A_296 : vector<16xf32>
        %parallel_loop3A_298 = arith.addi %mul3A_284, %parallel_loop3A_289 : i32
        %parallel_loop3A_299 = arith.index_cast %parallel_loop3A_298 : i32 to index
        %parallel_loop3A_300 = tpu.vector_load %arg8[%parallel_loop3A_299] {strides = array<i32>} : memref<6272xf32, #tpu.memory_space<vmem>>, vector<16xf32>,
        %parallel_loop3A_301 = arith.constant 576 : i32
        %parallel_loop3A_302 = vector.broadcast %parallel_loop3A_301 : i32 to vector<16xi32>
        %parallel_loop3A_303 = arith.addi %parallel_loop3A_292, %parallel_loop3A_302 : vector<16xi32>
        %parallel_loop3A_304 = tpu.vector_load_idx %arg11[%parallel_loop3A_303] : memref<2304xf32, #tpu.memory_space<vmem>>[vector<16xi32>], vector<16xf32>,
        %parallel_loop3A_305 = arith.subf %parallel_loop3A_300, %parallel_loop3A_304 : vector<16xf32>
        %parallel_loop3A_306 = arith.addi %mul3A_284, %parallel_loop3A_289 : i32
        %parallel_loop3A_307 = arith.index_cast %parallel_loop3A_306 : i32 to index
        %parallel_loop3A_308 = tpu.vector_load %arg9[%parallel_loop3A_307] {strides = array<i32>} : memref<6272xf32, #tpu.memory_space<vmem>>, vector<16xf32>,
        %parallel_loop3A_309 = arith.constant 1152 : i32
        %parallel_loop3A_310 = vector.broadcast %parallel_loop3A_309 : i32 to vector<16xi32>
        %parallel_loop3A_311 = arith.addi %parallel_loop3A_292, %parallel_loop3A_310 : vector<16xi32>
        %parallel_loop3A_312 = tpu.vector_load_idx %arg11[%parallel_loop3A_311] : memref<2304xf32, #tpu.memory_space<vmem>>[vector<16xi32>], vector<16xf32>,
        %parallel_loop3A_313 = arith.subf %parallel_loop3A_308, %parallel_loop3A_312 : vector<16xf32>
        %parallel_loop3A_314 = arith.mulf %parallel_loop3A_297, %parallel_loop3A_297 : vector<16xf32>
        %parallel_loop3A_315 = arith.mulf %parallel_loop3A_305, %parallel_loop3A_305 : vector<16xf32>
        %parallel_loop3A_316 = arith.addf %parallel_loop3A_314, %parallel_loop3A_315 : vector<16xf32>
        %parallel_loop3A_317 = arith.mulf %parallel_loop3A_313, %parallel_loop3A_313 : vector<16xf32>
        %parallel_loop3A_318 = arith.addf %parallel_loop3A_316, %parallel_loop3A_317 : vector<16xf32>
        %parallel_loop3A_319 = arith.constant 1.000000e-30 : f32
        %parallel_loop3A_320 = vector.broadcast %parallel_loop3A_319 : f32 to vector<16xf32>
        %parallel_loop3A_321 = arith.maximumf %parallel_loop3A_318, %parallel_loop3A_320 : vector<16xf32>
        %parallel_loop3A_322 = vector.bitcast %parallel_loop3A_321 : vector<16xf32> to vector<16xi32>
        %parallel_loop3A_323 = arith.constant 1 : i32
        %parallel_loop3A_324 = vector.broadcast %parallel_loop3A_323 : i32 to vector<16xi32>
        %parallel_loop3A_325 = arith.shrui %parallel_loop3A_322, %parallel_loop3A_324 : vector<16xi32>
        %parallel_loop3A_326 = arith.constant 1597463007 : i32
        %parallel_loop3A_327 = vector.broadcast %parallel_loop3A_326 : i32 to vector<16xi32>
        %parallel_loop3A_328 = arith.subi %parallel_loop3A_327, %parallel_loop3A_325 : vector<16xi32>
        %parallel_loop3A_329 = vector.bitcast %parallel_loop3A_328 : vector<16xi32> to vector<16xf32>
        %parallel_loop3A_330 = arith.constant 5.000000e-01 : f32
        %parallel_loop3A_331 = vector.broadcast %parallel_loop3A_330 : f32 to vector<16xf32>
        %parallel_loop3A_332 = arith.mulf %parallel_loop3A_321, %parallel_loop3A_331 : vector<16xf32>
        %parallel_loop3A_333 = arith.mulf %parallel_loop3A_332, %parallel_loop3A_329 : vector<16xf32>
        %parallel_loop3A_334 = arith.mulf %parallel_loop3A_333, %parallel_loop3A_329 : vector<16xf32>
        %parallel_loop3A_335 = arith.constant 1.500000e+00 : f32
        %parallel_loop3A_336 = vector.broadcast %parallel_loop3A_335 : f32 to vector<16xf32>
        %parallel_loop3A_337 = arith.subf %parallel_loop3A_336, %parallel_loop3A_334 : vector<16xf32>
        %parallel_loop3A_338 = arith.mulf %parallel_loop3A_329, %parallel_loop3A_337 : vector<16xf32>
        %parallel_loop3A_339 = arith.mulf %parallel_loop3A_332, %parallel_loop3A_338 : vector<16xf32>
        %parallel_loop3A_340 = arith.mulf %parallel_loop3A_339, %parallel_loop3A_338 : vector<16xf32>
        %parallel_loop3A_341 = arith.constant 1.500000e+00 : f32
        %parallel_loop3A_342 = vector.broadcast %parallel_loop3A_341 : f32 to vector<16xf32>
        %parallel_loop3A_343 = arith.subf %parallel_loop3A_342, %parallel_loop3A_340 : vector<16xf32>
        %parallel_loop3A_344 = arith.mulf %parallel_loop3A_338, %parallel_loop3A_343 : vector<16xf32>
        %parallel_loop3A_345 = arith.mulf %parallel_loop3A_332, %parallel_loop3A_344 : vector<16xf32>
        %parallel_loop3A_346 = arith.mulf %parallel_loop3A_345, %parallel_loop3A_344 : vector<16xf32>
        %parallel_loop3A_347 = arith.constant 1.500000e+00 : f32
        %parallel_loop3A_348 = vector.broadcast %parallel_loop3A_347 : f32 to vector<16xf32>
        %parallel_loop3A_349 = arith.subf %parallel_loop3A_348, %parallel_loop3A_346 : vector<16xf32>
        %parallel_loop3A_350 = arith.mulf %parallel_loop3A_344, %parallel_loop3A_349 : vector<16xf32>
        %parallel_loop3A_351 = arith.mulf %parallel_loop3A_318, %parallel_loop3A_350 : vector<16xf32>
        %parallel_loop3A_352 = arith.index_cast %parallel_loop3A_289 : i32 to index
        %parallel_loop3A_353 = tpu.vector_load %arg14[%parallel_loop3A_352] {strides = array<i32>} : memref<3136xf32, #tpu.memory_space<vmem>>, vector<16xf32>,
        tpu.vector_store %arg14[%parallel_loop3A_352], %parallel_loop3A_351 {strides = array<i32>} : memref<3136xf32, #tpu.memory_space<vmem>>, vector<16xf32>,
      } {sc.loop_unroll_factor = 4 : i64, sc.parallel_access}
      %add3A_288 = arith.addi %mul3A_282, %mul3A_284 : i32
      "tpu.region"() ({
        %run_scoped3A = tpu.sem_alloc : memref<!tpu.dma_semaphore, #tpu.memory_space<semaphore_mem>>
        %dma_start3A_289 = arith.constant 0 : i32
        %dma_start3A_290 = tpu.memref_slice %arg14[%dma_start3A_289] : memref<3136xf32, #tpu.memory_space<vmem>> -> memref<3136xf32, #tpu.memory_space<vmem>>
        %dma_start3A_291 = tpu.memref_slice %arg6[%add3A_288] : memref<100000xf32, #tpu.memory_space<hbm>> -> memref<3136xf32, #tpu.memory_space<hbm>>
        %dma_start3A_292 = tpu.memref_slice %arg6[%add3A_288] : memref<100000xf32, #tpu.memory_space<hbm>> -> memref<3136xf32, #tpu.memory_space<hbm>>
        %dma_start3A_293 = arith.constant 0 : i32
        %dma_start3A_294 = tpu.memref_slice %arg14[%dma_start3A_293] : memref<3136xf32, #tpu.memory_space<vmem>> -> memref<3136xf32, #tpu.memory_space<vmem>>
        tpu.enqueue_dma source(%dma_start3A_294 : memref<3136xf32, #tpu.memory_space<vmem>>) target(%dma_start3A_292 : memref<3136xf32, #tpu.memory_space<hbm>>) target_semaphore(%run_scoped3A : memref<!tpu.dma_semaphore, #tpu.memory_space<semaphore_mem>>)
        %dma_wait3A_295 = arith.constant 0 : i32
        %dma_wait3A_296 = tpu.memref_slice %arg14[%dma_wait3A_295] : memref<3136xf32, #tpu.memory_space<vmem>> -> memref<3136xf32, #tpu.memory_space<vmem>>
        %dma_wait3A_297 = tpu.memref_slice %arg6[%add3A_288] : memref<100000xf32, #tpu.memory_space<hbm>> -> memref<3136xf32, #tpu.memory_space<hbm>>
        %dma_wait3A_298 = tpu.memref_slice %arg6[%add3A_288] : memref<100000xf32, #tpu.memory_space<hbm>> -> memref<3136xf32, #tpu.memory_space<hbm>>
        %dma_wait3A_299 = arith.constant 0 : i32
        %dma_wait3A_300 = tpu.memref_slice %arg14[%dma_wait3A_299] : memref<3136xf32, #tpu.memory_space<vmem>> -> memref<3136xf32, #tpu.memory_space<vmem>>
        tpu.wait_dma2 semaphore(%run_scoped3A : memref<!tpu.dma_semaphore, #tpu.memory_space<semaphore_mem>>) src(%dma_wait3A_300 : memref<3136xf32, #tpu.memory_space<vmem>>) dst(%dma_wait3A_298 : memref<3136xf32, #tpu.memory_space<hbm>>)
        tpu.yield
      }) : () -> ()
    } else {
    }
    %eq3A_276 = arith.constant 15 : i32
    %eq3A_277 = arith.cmpi eq, %arg1, %eq3A_276 : i32
    %convert_element_type3A_278 = arith.extui %eq3A_277 : i1 to i32
    %cond3A_279 = arith.constant 0 : i32
    %cond3A_280 = arith.cmpi ne, %convert_element_type3A_278, %cond3A_279 : i32
    scf.if %cond3A_280 {
      %mul3A_281 = arith.constant 2960 : i32
      %mul3A_282 = arith.muli %arg0, %mul3A_281 : i32
      %parallel_loop3A_283 = arith.constant 0 : i32
      %parallel_loop3A_284 = arith.constant 2960 : i32
      %parallel_loop3A_285 = arith.constant 16 : i32
      scf.for %parallel_loop3A_288 = %parallel_loop3A_283 to %parallel_loop3A_284 step %parallel_loop3A_285  : i32 {
        %parallel_loop3A_289 = arith.addi %mul3A_282, %parallel_loop3A_288 : i32
        %parallel_loop3A_290 = arith.index_cast %parallel_loop3A_289 : i32 to index
        %parallel_loop3A_291 = tpu.vector_load %arg10[%parallel_loop3A_290] {strides = array<i32>} : memref<6272xi32, #tpu.memory_space<vmem>>, vector<16xi32>,
        %parallel_loop3A_292 = arith.addi %mul3A_282, %parallel_loop3A_288 : i32
        %parallel_loop3A_293 = arith.index_cast %parallel_loop3A_292 : i32 to index
        %parallel_loop3A_294 = tpu.vector_load %arg7[%parallel_loop3A_293] {strides = array<i32>} : memref<6272xf32, #tpu.memory_space<vmem>>, vector<16xf32>,
        %parallel_loop3A_295 = tpu.vector_load_idx %arg11[%parallel_loop3A_291] : memref<2304xf32, #tpu.memory_space<vmem>>[vector<16xi32>], vector<16xf32>,
        %parallel_loop3A_296 = arith.subf %parallel_loop3A_294, %parallel_loop3A_295 : vector<16xf32>
        %parallel_loop3A_297 = arith.addi %mul3A_282, %parallel_loop3A_288 : i32
        %parallel_loop3A_298 = arith.index_cast %parallel_loop3A_297 : i32 to index
        %parallel_loop3A_299 = tpu.vector_load %arg8[%parallel_loop3A_298] {strides = array<i32>} : memref<6272xf32, #tpu.memory_space<vmem>>, vector<16xf32>,
        %parallel_loop3A_300 = arith.constant 576 : i32
        %parallel_loop3A_301 = vector.broadcast %parallel_loop3A_300 : i32 to vector<16xi32>
        %parallel_loop3A_302 = arith.addi %parallel_loop3A_291, %parallel_loop3A_301 : vector<16xi32>
        %parallel_loop3A_303 = tpu.vector_load_idx %arg11[%parallel_loop3A_302] : memref<2304xf32, #tpu.memory_space<vmem>>[vector<16xi32>], vector<16xf32>,
        %parallel_loop3A_304 = arith.subf %parallel_loop3A_299, %parallel_loop3A_303 : vector<16xf32>
        %parallel_loop3A_305 = arith.addi %mul3A_282, %parallel_loop3A_288 : i32
        %parallel_loop3A_306 = arith.index_cast %parallel_loop3A_305 : i32 to index
        %parallel_loop3A_307 = tpu.vector_load %arg9[%parallel_loop3A_306] {strides = array<i32>} : memref<6272xf32, #tpu.memory_space<vmem>>, vector<16xf32>,
        %parallel_loop3A_308 = arith.constant 1152 : i32
        %parallel_loop3A_309 = vector.broadcast %parallel_loop3A_308 : i32 to vector<16xi32>
        %parallel_loop3A_310 = arith.addi %parallel_loop3A_291, %parallel_loop3A_309 : vector<16xi32>
        %parallel_loop3A_311 = tpu.vector_load_idx %arg11[%parallel_loop3A_310] : memref<2304xf32, #tpu.memory_space<vmem>>[vector<16xi32>], vector<16xf32>,
        %parallel_loop3A_312 = arith.subf %parallel_loop3A_307, %parallel_loop3A_311 : vector<16xf32>
        %parallel_loop3A_313 = arith.mulf %parallel_loop3A_296, %parallel_loop3A_296 : vector<16xf32>
        %parallel_loop3A_314 = arith.mulf %parallel_loop3A_304, %parallel_loop3A_304 : vector<16xf32>
        %parallel_loop3A_315 = arith.addf %parallel_loop3A_313, %parallel_loop3A_314 : vector<16xf32>
        %parallel_loop3A_316 = arith.mulf %parallel_loop3A_312, %parallel_loop3A_312 : vector<16xf32>
        %parallel_loop3A_317 = arith.addf %parallel_loop3A_315, %parallel_loop3A_316 : vector<16xf32>
        %parallel_loop3A_318 = arith.constant 1.000000e-30 : f32
        %parallel_loop3A_319 = vector.broadcast %parallel_loop3A_318 : f32 to vector<16xf32>
        %parallel_loop3A_320 = arith.maximumf %parallel_loop3A_317, %parallel_loop3A_319 : vector<16xf32>
        %parallel_loop3A_321 = vector.bitcast %parallel_loop3A_320 : vector<16xf32> to vector<16xi32>
        %parallel_loop3A_322 = arith.constant 1 : i32
        %parallel_loop3A_323 = vector.broadcast %parallel_loop3A_322 : i32 to vector<16xi32>
        %parallel_loop3A_324 = arith.shrui %parallel_loop3A_321, %parallel_loop3A_323 : vector<16xi32>
        %parallel_loop3A_325 = arith.constant 1597463007 : i32
        %parallel_loop3A_326 = vector.broadcast %parallel_loop3A_325 : i32 to vector<16xi32>
        %parallel_loop3A_327 = arith.subi %parallel_loop3A_326, %parallel_loop3A_324 : vector<16xi32>
        %parallel_loop3A_328 = vector.bitcast %parallel_loop3A_327 : vector<16xi32> to vector<16xf32>
        %parallel_loop3A_329 = arith.constant 5.000000e-01 : f32
        %parallel_loop3A_330 = vector.broadcast %parallel_loop3A_329 : f32 to vector<16xf32>
        %parallel_loop3A_331 = arith.mulf %parallel_loop3A_320, %parallel_loop3A_330 : vector<16xf32>
        %parallel_loop3A_332 = arith.mulf %parallel_loop3A_331, %parallel_loop3A_328 : vector<16xf32>
        %parallel_loop3A_333 = arith.mulf %parallel_loop3A_332, %parallel_loop3A_328 : vector<16xf32>
        %parallel_loop3A_334 = arith.constant 1.500000e+00 : f32
        %parallel_loop3A_335 = vector.broadcast %parallel_loop3A_334 : f32 to vector<16xf32>
        %parallel_loop3A_336 = arith.subf %parallel_loop3A_335, %parallel_loop3A_333 : vector<16xf32>
        %parallel_loop3A_337 = arith.mulf %parallel_loop3A_328, %parallel_loop3A_336 : vector<16xf32>
        %parallel_loop3A_338 = arith.mulf %parallel_loop3A_331, %parallel_loop3A_337 : vector<16xf32>
        %parallel_loop3A_339 = arith.mulf %parallel_loop3A_338, %parallel_loop3A_337 : vector<16xf32>
        %parallel_loop3A_340 = arith.constant 1.500000e+00 : f32
        %parallel_loop3A_341 = vector.broadcast %parallel_loop3A_340 : f32 to vector<16xf32>
        %parallel_loop3A_342 = arith.subf %parallel_loop3A_341, %parallel_loop3A_339 : vector<16xf32>
        %parallel_loop3A_343 = arith.mulf %parallel_loop3A_337, %parallel_loop3A_342 : vector<16xf32>
        %parallel_loop3A_344 = arith.mulf %parallel_loop3A_331, %parallel_loop3A_343 : vector<16xf32>
        %parallel_loop3A_345 = arith.mulf %parallel_loop3A_344, %parallel_loop3A_343 : vector<16xf32>
        %parallel_loop3A_346 = arith.constant 1.500000e+00 : f32
        %parallel_loop3A_347 = vector.broadcast %parallel_loop3A_346 : f32 to vector<16xf32>
        %parallel_loop3A_348 = arith.subf %parallel_loop3A_347, %parallel_loop3A_345 : vector<16xf32>
        %parallel_loop3A_349 = arith.mulf %parallel_loop3A_343, %parallel_loop3A_348 : vector<16xf32>
        %parallel_loop3A_350 = arith.mulf %parallel_loop3A_317, %parallel_loop3A_349 : vector<16xf32>
        %parallel_loop3A_351 = arith.index_cast %parallel_loop3A_288 : i32 to index
        %parallel_loop3A_352 = tpu.vector_load %arg14[%parallel_loop3A_351] {strides = array<i32>} : memref<3136xf32, #tpu.memory_space<vmem>>, vector<16xf32>,
        tpu.vector_store %arg14[%parallel_loop3A_351], %parallel_loop3A_350 {strides = array<i32>} : memref<3136xf32, #tpu.memory_space<vmem>>, vector<16xf32>,
      } {sc.loop_unroll_factor = 5 : i64, sc.parallel_access}
      %add3A_286 = arith.constant 94080 : i32
      %add3A_287 = arith.addi %add3A_286, %mul3A_282 : i32
      "tpu.region"() ({
        %run_scoped3A = tpu.sem_alloc : memref<!tpu.dma_semaphore, #tpu.memory_space<semaphore_mem>>
        %dma_start3A_288 = arith.constant 0 : i32
        %dma_start3A_289 = tpu.memref_slice %arg14[%dma_start3A_288] : memref<3136xf32, #tpu.memory_space<vmem>> -> memref<2960xf32, #tpu.memory_space<vmem>>
        %dma_start3A_290 = tpu.memref_slice %arg6[%add3A_287] : memref<100000xf32, #tpu.memory_space<hbm>> -> memref<2960xf32, #tpu.memory_space<hbm>>
        %dma_start3A_291 = tpu.memref_slice %arg6[%add3A_287] : memref<100000xf32, #tpu.memory_space<hbm>> -> memref<2960xf32, #tpu.memory_space<hbm>>
        %dma_start3A_292 = arith.constant 0 : i32
        %dma_start3A_293 = tpu.memref_slice %arg14[%dma_start3A_292] : memref<3136xf32, #tpu.memory_space<vmem>> -> memref<2960xf32, #tpu.memory_space<vmem>>
        tpu.enqueue_dma source(%dma_start3A_293 : memref<2960xf32, #tpu.memory_space<vmem>>) target(%dma_start3A_291 : memref<2960xf32, #tpu.memory_space<hbm>>) target_semaphore(%run_scoped3A : memref<!tpu.dma_semaphore, #tpu.memory_space<semaphore_mem>>)
        %dma_wait3A_294 = arith.constant 0 : i32
        %dma_wait3A_295 = tpu.memref_slice %arg14[%dma_wait3A_294] : memref<3136xf32, #tpu.memory_space<vmem>> -> memref<2960xf32, #tpu.memory_space<vmem>>
        %dma_wait3A_296 = tpu.memref_slice %arg6[%add3A_287] : memref<100000xf32, #tpu.memory_space<hbm>> -> memref<2960xf32, #tpu.memory_space<hbm>>
        %dma_wait3A_297 = tpu.memref_slice %arg6[%add3A_287] : memref<100000xf32, #tpu.memory_space<hbm>> -> memref<2960xf32, #tpu.memory_space<hbm>>
        %dma_wait3A_298 = arith.constant 0 : i32
        %dma_wait3A_299 = tpu.memref_slice %arg14[%dma_wait3A_298] : memref<3136xf32, #tpu.memory_space<vmem>> -> memref<2960xf32, #tpu.memory_space<vmem>>
        tpu.wait_dma2 semaphore(%run_scoped3A : memref<!tpu.dma_semaphore, #tpu.memory_space<semaphore_mem>>) src(%dma_wait3A_299 : memref<2960xf32, #tpu.memory_space<vmem>>) dst(%dma_wait3A_297 : memref<2960xf32, #tpu.memory_space<hbm>>)
        tpu.yield
      }) : () -> ()
    } else {
    }
    "tpu.trace_stop"() : () -> ()
    return
  }
}

</mosaic_0001>

<sc_bundles>
// kernel: kernel.3.cloned.1.call-start
scs
__scs_entry_jumppad:
0x0: {  	(pc) =	sbr.rel $0x88, $3  }
0x1: {  	(tag) =	ssettag $0x0;
	lr =	simm.s32 $0x1  }
0x2: {  	[smem:$0x3F9F] =	sst lr;
	_ =	strace $0xD0000000  }
0x3: {  	_ = 	snop  }
0x4: {  	_ = 	snop  }
0x5: {  	_ = 	snop  }
0x6: {  	_ = 	snop  }
0x7: {  	_ = 	snop  }
__scs_overlays_trampoline_lowered:
0x8: {  	[smem:$0x3FAE] =	sst s0  }
0x9: {  	[smem:$0x3FAF] =	sst s1  }
0xa: {  	[smem:$0x3FB0] =	sst s2  }
0xb: {  	[smem:$0x3FB1] =	sst s3  }
0xc: {  	[smem:$0x3FB2] =	sst s4  }
0xd: {  	[smem:$0x3FB3] =	sst s5  }
0xe: {  	[smem:$0x3FB4] =	sst s6  }
0xf: {  	[smem:$0x3FB5] =	sst s7  }
0x10: {  	[smem:$0x3FB6] =	sst s8  }
0x11: {  	[smem:$0x3FB7] =	sst s9;
	s0 =	simm.s32 @!p0 $0x0  }
0x12: {  	s1 =	sld [smem:$0x3F9D];
	s0 =	simm.s32 @p0 $0x1  }
0x13: {  	[smem:$0x3FB8] =	sst s0;
	s0 =	simm.s32 @!p1 $0x0  }
0x14: {  	s2 =	sld [smem:$0x3F9C];
	s0 =	simm.s32 @p1 $0x1  }
0x15: {  	[smem:$0x3FB9] =	sst s0;
	s0 =	simm.s32 @!p2 $0x0  }
0x16: {  	s3 =	sld [smem:$0x3FDB];
	s0 =	simm.s32 @p2 $0x1  }
0x17: {  	s4 =	simm.s32 $0x1BF5;
	[smem:$0x3FBB] =	sst s0  }
0x18: {  	s0 =	sld [smem:$0x3F9E];
	_ =	swait.ge [sflag:s4], $0x0  }
0x19: {  	s7 =	sld [smem:$0x3F9F]  }
0x1a: {  	s8 =	sadd.s32 $0xFFFFE003, lr  }
0x1b: {  	s9 =	sadd.s32 $0xFFFFFEF7, lr;
	s5 =	simm.s32 $0xFFFFFFFF;
	p2 =	slt.u32 s8, $0xFFFFF086  }
0x1c: {  	p1 =	slt.u32 s9, $0xF7A;
	s5 =	simm.s32 @!p2 $0x0  }
0x1d: {  	s5 =	simm.s32 @p1 $0x1;
	p0 =	seq.s32 s7, s2  }
0x1e: {  	s7 =	smul.u32 @!p0 $0xF7A, s2;
	p2 =	seq.s32 @!p0 s5, $0x0  }
0x1f: {  	s9 =	smul.u32 $0xF7A, s1;
	s8 =	simm.s32 @!p0 $0x1BF5;
	p2 =	por !p2, p0  }
0x20: {  	[sflag:s8] =	ssyncset.s32 @!p0 $0xFFFFF086;
	s6 =	sadd.s32 @!p0 s3, s7;
	s7 =	simm.s32 @!p0 $0x108  }
0x21: {  	s3 =	sadd.s32 s3, s9;
	s6 =	sadd.s32 @!p0 $0x88, s6;
	s7 =	simm.s32 @p2 $0x1082  }
0x22: {  	[simem:s7], [sflag:s8] =	dma.local @!p0 [hbm:s6], $0xF7A  }
0x23: {  	s9 =	sor.u32 $0xD0000000, s2;
	s6 =	simm.s32 $0x108;
	_ =	swait.ge @!p0 [sflag:s8], $0x0  }
0x24: {  	s3 =	sadd.s32 $0x88, s3;
	s6 =	simm.s32 @!p1 $0x1082;
	[sflag:s4] =	ssyncset.s32 $0xFFFFF086  }
0x25: {  	[simem:s6], [sflag:s4] =	dma.local [hbm:s3], $0xF7A  }
0x26: {  	[smem:$0x3F9F] =	sst s1;
	(tag) =	ssettag s2;
	_ =	strace s9  }
0x27: {  	s1 =	sld [smem:$0x3FAF]  }
0x28: {  	s2 =	sld [smem:$0x3FB0]  }
0x29: {  	s4 =	sld [smem:$0x3FB2]  }
0x2a: {  	p0 =	seq.s32 s5, $0x0;
	s5 =	sld [smem:$0x3FB3]  }
0x2b: {  	s6 =	sld [smem:$0x3FB4]  }
0x2c: {  	s7 =	sld [smem:$0x3FB5]  }
0x2d: {  	s3 =	simm.s32 $0x108;
	s8 =	sld [smem:$0x3FB6]  }
0x2e: {  	s3 =	simm.s32 @!p0 $0x1082;
	s9 =	sld [smem:$0x3FB7]  }
0x2f: {  	lr =	sadd.s32 s0, s3;
	s0 =	sld [smem:$0x3FAE]  }
0x30: {  	s3 =	sld [smem:$0x3FB1]  }
0x31: {  	[smem:$0x3FBA] =	sst s10  }
0x32: {  	s10 =	sld [smem:$0x3FB8];
	_ =	sdelay $0x3  }
0x33: {  	p0 =	seq.s32 s10, $0x1;
	s10 =	sld [smem:$0x3FBA];
	_ =	sdelay $0x3  }
0x34: {  	[smem:$0x3FBA] =	sst s10  }
0x35: {  	s10 =	sld [smem:$0x3FB9];
	_ =	sdelay $0x3  }
0x36: {  	p1 =	seq.s32 s10, $0x1;
	s10 =	sld [smem:$0x3FBA];
	_ =	sdelay $0x3  }
0x37: {  	[smem:$0x3FBA] =	sst s10  }
0x38: {  	s10 =	sld [smem:$0x3FBB]  }
0x39: {  	_ = 	snop;
	(pc) =	sbr.ind lr, $3  }
0x3a: {  	_ = 	snop  }
0x3b: {  	_ = 	snop  }
0x3c: {  	p2 =	seq.s32 s10, $0x1;
	s10 =	sld [smem:$0x3FBA]  }
0x3d: {  	_ =	shalt  }
0x3e: {  	_ =	shalt  }
0x3f: {  	_ =	shalt  }
0x40: {  	_ =	shalt  }
0x41: {  	_ =	shalt  }
0x42: {  	_ =	shalt  }
0x43: {  	_ =	shalt  }
0x44: {  	_ =	shalt  }
0x45: {  	_ =	shalt  }
0x46: {  	_ =	shalt  }
0x47: {  	_ =	shalt  }
0x48: {  	_ =	shalt  }
0x49: {  	_ =	shalt  }
0x4a: {  	_ =	shalt  }
0x4b: {  	_ =	shalt  }
0x4c: {  	_ =	shalt  }
0x4d: {  	_ =	shalt  }
0x4e: {  	_ =	shalt  }
0x4f: {  	_ =	shalt  }
0x50: {  	_ =	shalt  }
0x51: {  	_ =	shalt  }
0x52: {  	_ =	shalt  }
0x53: {  	_ =	shalt  }
0x54: {  	_ =	shalt  }
0x55: {  	_ =	shalt  }
0x56: {  	_ =	shalt  }
0x57: {  	_ =	shalt  }
0x58: {  	_ =	shalt  }
0x59: {  	_ =	shalt  }
0x5a: {  	_ =	shalt  }
0x5b: {  	_ =	shalt  }
0x5c: {  	_ =	shalt  }
0x5d: {  	_ =	shalt  }
0x5e: {  	_ =	shalt  }
0x5f: {  	_ =	shalt  }
0x60: {  	_ =	shalt  }
0x61: {  	_ =	shalt  }
0x62: {  	_ =	shalt  }
0x63: {  	_ =	shalt  }
0x64: {  	_ =	shalt  }
0x65: {  	_ =	shalt  }
0x66: {  	_ =	shalt  }
0x67: {  	_ =	shalt  }
0x68: {  	_ =	shalt  }
0x69: {  	_ =	shalt  }
0x6a: {  	_ =	shalt  }
0x6b: {  	_ =	shalt  }
0x6c: {  	_ =	shalt  }
0x6d: {  	_ =	shalt  }
0x6e: {  	_ =	shalt  }
0x6f: {  	_ =	shalt  }
0x70: {  	_ =	shalt  }
0x71: {  	_ =	shalt  }
0x72: {  	_ =	shalt  }
0x73: {  	_ =	shalt  }
0x74: {  	_ =	shalt  }
0x75: {  	_ =	shalt  }
0x76: {  	_ =	shalt  }
0x77: {  	_ =	shalt  }
0x78: {  	_ =	shalt  }
0x79: {  	_ =	shalt  }
0x7a: {  	_ =	shalt  }
0x7b: {  	_ =	shalt  }
0x7c: {  	_ =	shalt  }
0x7d: {  	_ =	shalt  }
0x7e: {  	_ =	shalt  }
0x7f: {  	_ =	shalt  }
0x80: {  	_ =	shalt  }
0x81: {  	_ =	shalt  }
0x82: {  	_ =	shalt  }
0x83: {  	_ =	shalt  }
0x84: {  	_ =	shalt  }
0x85: {  	_ =	shalt  }
0x86: {  	_ =	shalt  }
0x87: {  	_ =	shalt  }
.Lfunc_end0:
.L_simem_size_0:
called_computation_lowered:
.L_overlay_start_0:
0x88: {  	s2 =	sld [smem:$0x3FD9]  }
0x89: {  	s3 =	sld [smem:$0x3FFE];
	_ =	sdelay $0x1  }
0x8a: {  	s1 =	srdreg.scid  }
0x8b: {  	s0 =	sand.u32 $0x1, s1  }
0x8c: {  	s17 =	sshll.u32 s0, $0xA;
	s2 =	sadd.s32 s3, s2  }
0x8d: {  	s2 =	sadd.s32 s2, s17  }
0x8e: {  	[smem:$0x3FC6] =	sst s2  }
0x8f: {  	_ = 	snop  }
0x90: {  	s2 =	sld [smem:$0x3FC8]  }
0x91: {  	s18 =	sld [smem:$0x3FD0];
	(tm) =	ssettm $0x1  }
0x92: {  	s4 =	sld [smem:$0x3FFB];
	_ =	sdelay $0x3  }
0x93: {  	_ =	strace s4  }
0x94: {  	s4 =	sld [smem:$0x3FFC];
	_ =	sdelay $0x3  }
0x95: {  	_ =	strace s4  }
0x96: {  	s4 =	sld [smem:$0x3FFD];
	_ =	sdelay $0x3  }
0x97: {  	_ =	strace s4  }
0x98: {  	_ =	strace $0x8FFFFFFF  }
0x99: {  	s19 =	sld [smem:$0x3FDB];
	_ =	sdelay $0x1  }
0x9a: {  	s5 =	simm.s32 $_scs_section_size  }
0x9b: {  	s6 =	simm.s32 $_size__tile_overlayer_lowered;
	s7 =	simm.s32 $_tile_overlayer_lowered  }
0x9c: {  	s22 =	simm.s32 $0x1BFF;
	s21 =	sshll.u32 s7, $0x1;
	s4 =	sadd.s32 s5, s19  }
0x9d: {  	s8 =	simm.s32 $0x0;
	s20 =	sshll.u32 s6, $0x1;
	s6 =	sadd.s32 s21, s4  }
0x9e: {  	[timem:s8], [sflag:s22] =	dma.local [hbm:s6], s20  }
0x9f: {  	_ =	swait.ge [sflag:s22], s20  }
0xa0: {  	s5 =	ssub.s32 $0x0, s20;
	[sflag:s22] =	ssyncset.done $0x0  }
0xa1: {  	[sflag:s22] =	ssyncadd.s32 s5;
	_ =	sdelay $0x1  }
0xa2: {  	s23 =	simm.s32 $0x1B8B  }
0xa3: {  	_ =	swait.ge [sflag:s23], $0x1  }
0xa4: {  	[sflag:s23] =	ssyncset.done $0x0  }
0xa5: {  	s25 =	simm.s32 $0x1B8E;
	s24 =	sld [smem:$0x3FFE];
	[sflag:s23] =	ssyncadd.s32 $0xFFFFFFFF  }
0xa6: {  	s26 =	simm.s32 $execute0_lowered;
	[smem:$0x3FD2] =	sst s25  }
0xa7: {  	s6 =	sshll.u32 s26, $0x1;
	_ =	strace $0x80000046;
	[dreg:$0x1] =	wrdreg $0xFFFFFFFF  }
0xa8: {  	s28 =	simm.s32 $_size_execute0_lowered;
	s4 =	sadd.s32 s4, s6;
	[dreg:$0x0] =	wrdreg $0x0  }
0xa9: {  	s6 =	sshll.u32 s28, $0x1;
	[dreg:$0x2] =	wrdreg s4  }
0xaa: {  	[dreg:$0x3] =	wrdreg s6  }
0xab: {  	[dreg:$0x4] =	wrdreg $0xC0  }
0xac: {  	_ =	task [dreg:s8], $0x5FFFF  }
0xad: {  	[dreg:$0x1] =	wrdreg $0xFFFFFFFF  }
0xae: {  	[dreg:$0x0] =	wrdreg $0x60  }
0xaf: {  	[dreg:$0x2] =	wrdreg s24  }
0xb0: {  	[dreg:$0x3] =	wrdreg s2  }
0xb1: {  	[dreg:$0x4] =	wrdreg s18  }
0xb2: {  	[dreg:$0x5] =	wrdreg $0x81800  }
0xb3: {  	[dreg:$0x6] =	wrdreg $0x8A800  }
0xb4: {  	[dreg:$0x7] =	wrdreg $0x9  }
0xb5: {  	_ =	task.clear_ibuf [dreg:s8], $0x8FFFF;
	_ =	strace $0x90000046  }
0xb6: {  	s29 =	simm.s32 $0x9;
	_ =	strace $0x8000004B  }
0xb7: {  	_ =	swait.ge [sflag:s29], $0x1  }
0xb8: {  	[sflag:s29] =	ssyncadd.s32 $0xFFFFFFFF  }
0xb9: {  	_ =	strace $0x9000004B  }
0xba: {  	_ =	sfence  }
0xbb: {  	s30 =	sld [smem:$0x0];
	_ =	sdelay $0x2  }
0xbc: {  	s31 =	sshll.u32 s1, $0xD;
	s1 =	sshrl.u32 s1, $0x2  }
0xbd: {  	s3 =	sand.u32 $0x4000, s31;
	s1 =	sadd.s32 s1, s30  }
0xbe: {  	s0 =	sor.u32 s3, s0;
	s1 =	sshll.u32 s1, $0x11  }
0xbf: {  	s0 =	sor.u32 s1, s0  }
0xc0: {  	s0 =	sadd.s32 $0x8F2B, s0  }
0xc1: {  	[sflag:s0] =	ssyncadd.remote.s32 $0x1  }
0xc2: {  	_ =	sfence.sel $0xFFFF  }
0xc3: {  	[dreg:$0x0] =	wrdreg $0xFFFFFFFF;
	(pc) =	sbr.abs _section_cstart, $3  }
0xc4: {  	[dreg:$0x1] =	wrdreg $0xFFFFFFFF  }
0xc5: {  	_ =	task.clear_ibuf [dreg:s8], $0x2FFFF;
	_ =	strace $0x9FFFFFFF  }
0xc6: {  	(tm) =	ssettm $0x7FFFFFFF  }
0xc7: {  	_ =	shalt  }
tec
execute0_lowered:
.L_overlay_start_1:
0x0: {  	(tag) =	ssettag $0x1  }
0x1: {  	s0 =	rddreg [dreg:$0x0]  }
0x2: {  	s1 =	rddreg [dreg:$0x1]  }
0x3: {  	s2 =	rddreg [dreg:$0x2];
	s12 =	stileid.u32  }
0x4: {  	s4 =	rddreg [dreg:$0x3];
	s6 =	smul.u32 $0x1880, s12  }
0x5: {  	s19 =	rddreg [dreg:$0x4];
	s3 =	simm.s32 $0x0  }
0x6: {  	s5 =	srdreg.scid;
	s7 =	sadd.s32 $0x6400, s0;
	s11 =	sshrl.u32 s6, $0x3  }
0x7: {  	[smem:$0x7FF] =	sst s3;
	s9 =	sadd.s32 $0x3200, s0;
	s14 =	sadd.s32 s7, s11  }
0x8: {  	_ =	strace $0x80000047;
	s15 =	sadd.s32 s9, s11;
	[dreg:$0x6] =	wrdreg s14  }
0x9: {  	s5 =	sand.u32 $0x1, s5;
	s16 =	sadd.s32 s0, s11;
	[dreg:$0x7] =	wrdreg s15  }
0xa: {  	s17 =	sadd.s32 s1, s11;
	s18 =	sadd.s32 $0x60, s11;
	[dreg:$0x8] =	wrdreg s16  }
0xb: {  	s8 =	ssub.s32 $0x2, s5;
	[dreg:$0x9] =	wrdreg s17;
	s13 =	sadd.s32 s7, s18  }
0xc: {  	s10 =	sshrl.u32 s8, $0x1;
	s20 =	sadd.s32 s9, s18;
	[dreg:$0xa] =	wrdreg s13  }
0xd: {  	s8 =	ssub.s32 s8, s10;
	s21 =	sadd.s32 s0, s18;
	[dreg:$0xb] =	wrdreg s20  }
0xe: {  	s22 =	sadd.s32 $0x1B8, s11;
	s10 =	sadd.s32 s1, s18;
	[dreg:$0xc] =	wrdreg s21  }
0xf: {  	s7 =	sadd.s32 s7, s22;
	[dreg:$0xd] =	wrdreg s10  }
0x10: {  	s24 =	sadd.s32 s9, s22;
	[dreg:$0xe] =	wrdreg s7  }
0x11: {  	s26 =	sadd.s32 s0, s22;
	[dreg:$0xf] =	wrdreg s24  }
0x12: {  	s28 =	simm.s32 $0x1;
	s14 =	sadd.s32 $0x5FF0, s0;
	[dreg:$0x10] =	wrdreg s26  }
0x13: {  	s29 =	simm.s32 $0x6200;
	s15 =	sadd.s32 $0x2DF0, s0;
	[dreg:$0x13] =	wrdreg s14  }
0x14: {  	s23 =	smul.u32 $0xC40, s5;
	s16 =	sadd.s32 $0x9240, s0;
	[dreg:$0x15] =	wrdreg s15  }
0x15: {  	s30 =	simm.s32 $0x3;
	s18 =	sadd.s32 $0x6040, s0;
	[dreg:$0x16] =	wrdreg s16  }
0x16: {  	s6 =	sadd.s32 s23, s6;
	s10 =	sadd.s32 s1, s22;
	[dreg:$0x17] =	wrdreg s18  }
0x17: {  	s6 =	sshrl.u32 s6, $0x3;
	s13 =	sadd.s32 $0x91F0, s0;
	[dreg:$0x11] =	wrdreg s10  }
0x18: {  	p0 =	seq.s32 s12, $0xF;
	s6 =	sadd.s32 s2, s6;
	[dreg:$0x12] =	wrdreg s13  }
0x19: {  	s25 =	smul.u32 $0xB90, s5;
	s20 =	sadd.s32 $0x2E40, s0;
	[dreg:$0x14] =	wrdreg s6  }
0x1a: {  	s17 =	smul.u32 $0x2400, s12;
	s21 =	sadd.s32 $0x938A, s0;
	[dreg:$0x18] =	wrdreg s20  }
0x1b: {  	s7 =	sshrl.u32 s25, $0x3;
	s22 =	sadd.s32 $0x618A, s0;
	[dreg:$0x19] =	wrdreg s21  }
0x1c: {  	s0 =	sadd.s32 $0x2F8A, s0;
	s24 =	sadd.s32 $0x2DF0, s1;
	[dreg:$0x1a] =	wrdreg s22  }
0x1d: {  	s25 =	sadd.s32 $0x2E40, s1;
	s26 =	smul.u32 $0x90, s12;
	[dreg:$0x1b] =	wrdreg s0  }
0x1e: {  	s1 =	sadd.s32 $0x2F8A, s1;
	s2 =	sadd.s32 s2, s7;
	[dreg:$0x1c] =	wrdreg s24  }
0x1f: {  	s23 =	sshrl.u32 s17, $0x2;
	[dreg:$0x1e] =	wrdreg s1;
	s1 =	smul.u32 $0x3100, s5  }
0x20: {  	[dreg:$0x1d] =	wrdreg s25;
	s7 =	smul.u32 $0x2E40, s5;
	s22 =	smax.u32 s8, $0x1  }
0x21: {  	s20 =	sadd.s32 s23, s4;
	s31 =	sadd.s32 s26, s4;
	s2 =	sadd.s32 $0x2DF0, s2  }
0x22: {  	s21 =	sadd.s32 s26, s19;
	[dreg:$0x1f] =	wrdreg s2;
	s12 =	sadd.s32 $0x5100, s31  }
0x23: {  	s0 =	sshrl.u32 s1, $0x2;
	s13 =	sadd.s32 $0x5A00, s31;
	[smem:$0x7F7] =	sst s12  }
0x24: {  	s1 =	sshrl.u32 s7, $0x2;
	s14 =	sadd.s32 $0x6300, s31;
	[smem:$0x7F8] =	sst s13  }
0x25: {  	s23 =	sadd.s32 $0x900, s31;
	s15 =	sadd.s32 $0x6C00, s31;
	[smem:$0x7F9] =	sst s14  }
0x26: {  	s24 =	sadd.s32 $0x1200, s31;
	s16 =	sadd.s32 $0x7500, s31;
	[smem:$0x7FA] =	sst s15  }
0x27: {  	s25 =	sadd.s32 $0x1B00, s31;
	s17 =	sadd.s32 $0x7E00, s31;
	[smem:$0x7FB] =	sst s16  }
0x28: {  	s26 =	sadd.s32 $0x2400, s31;
	s18 =	sadd.s32 $0x8700, s31;
	[smem:$0x7FC] =	sst s17  }
0x29: {  	s4 =	sadd.s32 $0x2D00, s31;
	s8 =	sor.u32 $0x20, s0;
	[smem:$0x7FD] =	sst s18  }
0x2a: {  	s5 =	sadd.s32 $0x3600, s31;
	s9 =	sadd.s32 $0x49A0, s0;
	[smem:$0x7F2] =	sst s8  }
.Ltmp0:
0x2b: {  	s10 =	sadd.s32 $0x18A0, s0;
	[smem:$0x7F3] =	sst s9;
	(pc) =	sbr.rel .LBB2_1-.Ltmp0, $4  }
0x2c: {  	s6 =	sadd.s32 $0x3F00, s31;
	s0 =	sadd.s32 $0x3120, s0;
	[smem:$0x7F4] =	sst s10  }
0x2d: {  	s7 =	sadd.s32 $0x4800, s31;
	s11 =	sadd.s32 $0x20, s1;
	[smem:$0x7F5] =	sst s0  }
0x2e: {  	[smem:$0x7F6] =	sst s11;
	s9 =	sadd.s32 $0x49A0, s1;
	s10 =	sadd.s32 $0x18A0, s1  }
0x2f: {  	v55 =	vimm.f32 $0.0e+00;
	v56 =	vimm.f32 $1.000000000e+00;
	s11 =	sadd.s32 $0x3120, s1;
	s1 =	simm.s32 $0x2;
	s0 =	simm.s32 $0x0  }
.LBB2_26:
0x30: {  	v1 =	vmul.f32 v14, v19  }
0x31: {  	v0 =	vsub.f32 v49, v46;
	v60 =	vmul.f32 v52, v52;
	v32 =	vmul.f32 v50, v36  }
0x32: {  	v61 =	vsub.f32 $1.500000000e+00, v48;
	v62 =	vmul.f32 v51, v41;
	v63 =	vmul.f32 v24, v18  }
0x33: {  	v40 =	vmul.f32 v42, v27;
	v46 =	vsub.f32 v47, v44;
	v47 =	vmul.f32 v30, v20  }
0x34: {  	v49 =	vshrl.u32 v29, $0x1;
	v50 =	vmul.f32 v45, v25;
	v29 =	vmul.f32 $5.000000000e-01, v29  }
0x35: {  	v33 =	vsub.f32 v33, v38;
	v34 =	vmul.f32 v35, v34;
	v17 =	vmul.f32 v17, v31  }
0x36: {  	v0 =	vmul.f32 v0, v0;
	v32 =	vmul.f32 v32, v5  }
0x37: {  	v37 =	vsub.f32 $1.500000000e+00, v37;
	v19 =	vmul.f32 v61, v39;
	v33 =	vmul.f32 v33, v33  }
0x38: {  	v36 =	vmul.f32 v62, v2;
	v48 =	vmul.f32 v46, v46  }
0x39: {  	v14 =	vmul.f32 v47, v30;
	v23 =	vmul.f32 v23, v37  }
0x3a: {  	v56 =	vmul.f32 v1, v11;
	v62 =	vsub.f32 $1.500000000e+00, v40;
	v38 =	vmul.f32 v17, v13  }
0x3b: {  	v0 =	vadd.f32 v60, v0;
	v5 =	vadd.f32 v33, v43;
	v4 =	vmul.f32 v19, v4  }
0x3c: {  	v19 =	vsub.s32 $0x5F3759DF, v49;
	v53 =	vmul.f32 v23, v22;
	v43 =	vmul.f32 v56, v1  }
0x3d: {  	v14 =	vsub.f32 $1.500000000e+00, v14;
	v60 =	vmul.f32 v24, v63;
	v47 =	vmul.f32 v62, v27  }
0x3e: {  	v33 =	vsub.f32 $1.500000000e+00, v50;
	v27 =	vmul.f32 v38, v17;
	v55 =	vmul.f32 v19, v29  }
0x3f: {  	v2 =	vadd.f32 v48, v0;
	v51 =	vmax.f32 v5, $1.000000000e-30;
	v39 =	vmul.f32 v53, v23  }
0x40: {  	v14 =	vmul.f32 v14, v30;
	v59 =	vmul.f32 v33, v25;
	v61 =	vsub.f32 $1.500000000e+00, v43  }
0x41: {  	v33 =	vsub.f32 $1.500000000e+00, v60;
	v16 =	vmul.f32 v47, v16;
	v41 =	vsub.f32 $1.500000000e+00, v27  }
0x42: {  	v52 =	vshrl.u32 v51, $0x1;
	v0 =	vmul.f32 $5.000000000e-01, v51;
	v63 =	vmul.f32 v19, v55  }
0x43: {  	v54 =	vmax.f32 v2, $1.000000000e-30;
	v1 =	vmul.f32 v61, v1;
	v49 =	vmul.f32 v24, v33  }
0x44: {  	v37 =	vsub.s32 $0x5F3759DF, v52;
	v9 =	vmul.f32 v59, v9;
	v16 =	vmul.f32 v16, v47  }
0x45: {  	v58 =	vsub.f32 $1.500000000e+00, v39;
	v53 =	vmul.f32 v14, v20;
	v17 =	vmul.f32 v41, v17  }
0x46: {  	v44 =	vmul.f32 $5.000000000e-01, v54;
	v57 =	vmul.f32 v37, v0;
	v51 =	vshrl.u32 v54, $0x1  }
0x47: {  	v54 =	vsub.f32 $1.500000000e+00, v63;
	v23 =	vmul.f32 v58, v23;
	v50 =	vmul.f32 v1, v11  }
0x48: {  	v33 =	vsub.s32 $0x5F3759DF, v51;
	v52 =	vmul.f32 v49, v18;
	v20 =	vmul.f32 v53, v14  }
0x49: {  	v58 =	vmax.f32 v28, $1.000000000e-30;
	v45 =	vmul.f32 v37, v57;
	v55 =	vmul.f32 v33, v44  }
0x4a: {  	v16 =	vsub.f32 $1.500000000e+00, v16;
	v19 =	vmul.f32 v19, v54;
	v63 =	vmul.f32 $5.000000000e-01, v58  }
0x4b: {  	v43 =	vsub.f32 $1.500000000e+00, v34;
	v46 =	vmul.f32 v23, v22;
	v11 =	vmul.f32 v50, v1  }
0x4c: {  	v60 =	vshrl.u32 v58, $0x1;
	v56 =	vmul.f32 v52, v49;
	v16 =	vmul.f32 v16, v47  }
0x4d: {  	v20 =	vsub.f32 $1.500000000e+00, v20;
	v47 =	vmul.f32 v35, v43;
	v25 =	vmul.f32 v19, v29  }
0x4e: {  	v48 =	vsub.f32 $1.500000000e+00, v45;
	v22 =	vmul.f32 v46, v23;
	v59 =	vmul.f32 v16, v8  }
0x4f: {  	v11 =	vsub.f32 $1.500000000e+00, v11;
	v14 =	vmul.f32 v20, v14;
	v46 =	vmul.f32 v17, v13  }
0x50: {  	v8 =	vsub.s32 $0x5F3759DF, v60;
	v50 =	vmul.f32 v47, v21;
	v37 =	vmul.f32 v37, v48  }
0x51: {  	v62 =	vmul.f32 v25, v19;
	v39 =	vmul.f32 v8, v63  }
0x52: {  	v1 =	vmul.f32 v11, v1;
	v11 =	vmul.f32 v33, v55  }
0x53: {  	v22 =	vsub.f32 $1.500000000e+00, v22;
	v14 =	vmul.f32 v14, v15;
	v13 =	vmul.f32 v46, v17  }
0x54: {  	v15 =	vmul.f32 v50, v47;
	v57 =	vmul.f32 v37, v0  }
0x55: {  	v40 =	vmul.f32 v8, v39;
	v22 =	vmul.f32 v22, v23;
	v23 =	vsub.f32 $1.500000000e+00, v62  }
0x56: {  	v1 =	vmul.f32 v1, v3;
	v11 =	vsub.f32 $1.500000000e+00, v11;
	v13 =	vsub.f32 $1.500000000e+00, v13  }
0x57: {  	v61 =	vmul.f32 v57, v37;
	v19 =	vmul.f32 v23, v19;
	v23 =	vsub.f32 $1.500000000e+00, v40  }
0x58: {  	v15 =	vsub.f32 $1.500000000e+00, v15;
	v7 =	vmul.f32 v22, v7;
	v11 =	vmul.f32 v33, v11  }
0x59: {  	v22 =	vsub.f32 $1.500000000e+00, v56;
	v13 =	vmul.f32 v13, v17;
	v8 =	vmul.f32 v8, v23  }
0x5a: {  	v15 =	vmul.f32 v15, v47;
	v48 =	vmul.f32 v11, v44  }
0x5b: {  	v22 =	vmul.f32 v22, v49;
	v49 =	vmul.f32 v8, v63  }
0x5c: {  	v16 =	vsub.f32 $1.500000000e+00, v61;
	v42 =	vmul.f32 v19, v29;
	v23 =	vmul.f32 v48, v11  }
0x5d: {  	v52 =	vmul.f32 v15, v21;
	v24 =	vmul.f32 v49, v8  }
0x5e: {  	v6 =	vmul.f32 v13, v6;
	v16 =	vmul.f32 v16, v37;
	v23 =	vsub.f32 $1.500000000e+00, v23  }
0x5f: {  	[tilespmem:s2+$0x0] =	vst v32;
	v27 =	vmul.f32 v42, v19;
	v45 =	vmul.f32 v22, v18;
	v24 =	vsub.f32 $1.500000000e+00, v24  }
0x60: {  	[tilespmem:s14+$0x10] =	vst v9;
	v9 =	vmul.f32 v52, v15;
	v11 =	vmul.f32 v23, v11  }
0x61: {  	[tilespmem:s2+$0xFFFFFFE0] =	vst v36;
	v0 =	vmul.f32 v16, v0;
	v8 =	vmul.f32 v24, v8  }
0x62: {  	[tilespmem:s2+$0xFFFFFFF0] =	vst v4;
	v18 =	vmul.f32 v45, v22;
	v27 =	vsub.f32 $1.500000000e+00, v27;
	v54 =	vmul.f32 v11, v44  }
0x63: {  	[tilespmem:s14+$0xFFFFFFF0] =	vst v59;
	v9 =	vsub.f32 $1.500000000e+00, v9;
	v0 =	vmul.f32 v0, v16;
	v51 =	vmul.f32 v8, v63  }
0x64: {  	[tilespmem:s12+$0x10] =	vst v14;
	v19 =	vmul.f32 v27, v19;
	v53 =	vsub.f32 $1.500000000e+00, v18;
	v57 =	vmul.f32 v54, v11  }
0x65: {  	[tilespmem:s14+$0xFFFFFFE0] =	vst v1;
	v60 =	vmul.f32 v9, v15;
	v0 =	vsub.f32 $1.500000000e+00, v0;
	v4 =	vmul.f32 v51, v8  }
0x66: {  	[tilespmem:s14+$0x0] =	vst v7;
	v55 =	vmul.f32 v19, v10;
	v56 =	vmul.f32 v53, v22;
	v59 =	vsub.f32 $1.500000000e+00, v57  }
0x67: {  	[tilespmem:s12+$0xFFFFFFE0] =	vst v6;
	v62 =	vmul.f32 v60, v26;
	v0 =	vmul.f32 v0, v16;
	v4 =	vsub.f32 $1.500000000e+00, v4  }
0x68: {  	[tilespmem:s12+$0x0] =	vst v55;
	v58 =	vmul.f32 v56, v12;
	v3 =	vmul.f32 v59, v11  }
0x69: {  	[tilespmem:s13+$0xFFFFFFE0] =	vst v62;
	v0 =	vmul.f32 v0, v5;
	v4 =	vmul.f32 v4, v8  }
0x6a: {  	[tilespmem:s12+$0xFFFFFFF0] =	vst v58;
	v63 =	vmul.f32 v3, v2  }
0x6b: {  	[tilespmem:s13+$0x10] =	vst v0;
	v61 =	vmul.f32 v4, v28  }
0x6c: {  	[tilespmem:s13+$0xFFFFFFF0] =	vst v63  }
0x6d: {  	[tilespmem:s13+$0x0] =	vst v61  }
0x6e: {  	s19 =	simm.s32 $0x7500;
	s2 =	rddreg [dreg:$0x14]  }
0x6f: {  	[hbm4b:s2+s3] =	stream.linear.scatter [tilespmem:s19], [sflag:$0x3], $0xC40, $0x200038;
	[tilespmem:$0x8B10] =	vst v63  }
0x70: {  	s19 =	smov.u32 s20  }
0x71: {  	s20 =	smov.u32 s21;
	s21 =	smov.u32 s22;
	s22 =	smov.u32 s23  }
0x72: {  	s23 =	smov.u32 s24;
	s24 =	smov.u32 s25;
	s25 =	smov.u32 s26  }
0x73: {  	s26 =	smov.u32 s31;
	s31 =	smov.u32 s4;
	_ =	swait.ge [sflag:s30], $0xC40  }
0x74: {  	s4 =	smov.u32 s5;
	s5 =	smov.u32 s6;
	[sflag:s30] =	ssyncset.done $0x0  }
0x75: {  	v55 =	vimm.f32 $0.0e+00;
	v56 =	vimm.f32 $1.000000000e+00;
	s6 =	smov.u32 s7;
	s7 =	smov.u32 s8;
	[sflag:s30] =	ssyncadd.s32 $0xFFFFF3C0  }
.LBB2_30:
0x76: {  	s0 =	sadd.s32 $0x1, s0  }
0x77: {  	p1 =	sne.s32 s0, s22  }
.Ltmp1:
0x78: {  	_ = 	snop;
	(pc) =	sbr.rel @!p1 .LBB2_31-.Ltmp1, $2  }
0x79: {  	_ =	sdelay $0x2  }
0x7a: {  	_ =	strace $0x9000004A  }
.LBB2_1:
.Ltmp2:
0x7b: {  	(pc) =	sbr.rel @!p0 .LBB2_2-.Ltmp2, $2  }
0x7c: {  	_ =	sdelay $0x2  }
0x7d: {  	_ =	strace $0x80000048  }
0x7e: {  	s2 =	rddreg [dreg:$0x12]  }
0x7f: {  	[tilespmem:s3], [sflag:$0x1] =	stream.linear.gather [hbm4b:s2+s3], $0x280, $0x200038;
	[tilespmem:$0x8B10] =	vst v63  }
0x80: {  	s14 =	rddreg [dreg:$0x13];
	s8 =	simm.s32 $0x1880  }
0x81: {  	[tilespmem:s8], [sflag:$0x1] =	stream.linear.gather [hbm4b:s14+s3], $0x280, $0x200038;
	[tilespmem:$0x8B10] =	vst v63  }
0x82: {  	s15 =	rddreg [dreg:$0x15];
	s16 =	simm.s32 $0x3100  }
0x83: {  	[tilespmem:s16], [sflag:$0x1] =	stream.linear.gather [hbm4b:s15+s3], $0x280, $0x200038;
	[tilespmem:$0x8B10] =	vst v63  }
0x84: {  	s17 =	rddreg [dreg:$0x1c];
	s18 =	simm.s32 $0x4980  }
0x85: {  	[tilespmem:s18], [sflag:$0x1] =	stream.linear.gather [hbm4b:s17+s3], $0x280, $0x200038;
	[tilespmem:$0x8B10] =	vst v63  }
0x86: {  	s12 =	simm.s32 $0x280;
	s8 =	rddreg [dreg:$0x16]  }
0x87: {  	[tilespmem:s12], [sflag:$0x2] =	stream.linear.gather [hbm4b:s8+s3], $0xA50, $0x200038;
	[tilespmem:$0x8B10] =	vst v63  }
0x88: {  	s13 =	rddreg [dreg:$0x17];
	s14 =	simm.s32 $0x1B00  }
0x89: {  	[tilespmem:s14], [sflag:$0x2] =	stream.linear.gather [hbm4b:s13+s3], $0xA50, $0x200038;
	[tilespmem:$0x8B10] =	vst v63  }
0x8a: {  	s15 =	rddreg [dreg:$0x18];
	s16 =	simm.s32 $0x3380  }
0x8b: {  	[tilespmem:s16], [sflag:$0x2] =	stream.linear.gather [hbm4b:s15+s3], $0xA50, $0x200038;
	[tilespmem:$0x8B10] =	vst v63  }
0x8c: {  	s2 =	simm.s32 $0x6220;
	s17 =	rddreg [dreg:$0x1d];
	s18 =	simm.s32 $0x4C00  }
0x8d: {  	[tilespmem:s18], [sflag:$0x2] =	stream.linear.gather [hbm4b:s17+s3], $0xA50, $0x200038;
	[tilespmem:$0x8B10] =	vst v63  }
0x8e: {  	[tilespmem:s2+$0xFFFFFFE0] =	vst v55  }
0x8f: {  	[tilespmem:s2+$0x10] =	vst v55  }
0x90: {  	s12 =	simm.s32 $0x0;
	[tilespmem:s2+$0x0] =	vst v55  }
.LBB2_12:
0x91: {  	s12 =	sadd.s32 $0x40, s12  }
0x92: {  	[tilespmem:s2+$0xFFFFFFF0] =	vst v55;
	s2 =	sadd.s32 $0x40, s2;
	p1 =	slt.u32 s12, $0x8C0  }
.Ltmp3:
0x93: {  	[tilespmem:s2+$0xFFFFFFE0] =	vst v55;
	(pc) =	sbr.rel @p1 .LBB2_12-.Ltmp3, $3  }
0x94: {  	_ =	sdelay $0x1  }
0x95: {  	[tilespmem:s2+$0x10] =	vst v55  }
0x96: {  	[tilespmem:s2+$0x0] =	vst v55  }
0x97: {  	[tilespmem:s2+$0xFFFFFFF0] =	vst v55  }
0x98: {  	_ =	swait.ge [sflag:s28], $0x280  }
0x99: {  	[sflag:s28] =	ssyncset.done $0x0  }
0x9a: {  	[sflag:s28] =	ssyncadd.s32 $0xFFFFFD80  }
0x9b: {  	_ =	swait.ge [sflag:s28], $0x280  }
0x9c: {  	[sflag:s28] =	ssyncset.done $0x0  }
0x9d: {  	[sflag:s28] =	ssyncadd.s32 $0xFFFFFD80  }
0x9e: {  	_ =	swait.ge [sflag:s28], $0x280  }
0x9f: {  	[sflag:s28] =	ssyncset.done $0x0  }
0xa0: {  	[sflag:s28] =	ssyncadd.s32 $0xFFFFFD80  }
0xa1: {  	_ =	swait.ge [sflag:s28], $0x280  }
0xa2: {  	[sflag:s28] =	ssyncset.done $0x0  }
0xa3: {  	s8 =	simm.s32 $0xCD0;
	s12 =	rddreg [dreg:$0x19];
	[sflag:s28] =	ssyncadd.s32 $0xFFFFFD80  }
0xa4: {  	[tilespmem:s8], [sflag:$0x1] =	stream.linear.gather [hbm4b:s12+s3], $0xA50, $0x200038;
	[tilespmem:$0x8B10] =	vst v63  }
0xa5: {  	s14 =	simm.s32 $0x2550;
	s13 =	rddreg [dreg:$0x1a]  }
0xa6: {  	[tilespmem:s14], [sflag:$0x1] =	stream.linear.gather [hbm4b:s13+s3], $0xA50, $0x200038;
	[tilespmem:$0x8B10] =	vst v63  }
0xa7: {  	s16 =	simm.s32 $0x3DD0;
	s15 =	rddreg [dreg:$0x1b]  }
0xa8: {  	[tilespmem:s16], [sflag:$0x1] =	stream.linear.gather [hbm4b:s15+s3], $0xA50, $0x200038;
	[tilespmem:$0x8B10] =	vst v63  }
0xa9: {  	s18 =	simm.s32 $0x5650;
	s17 =	rddreg [dreg:$0x1e];
	s12 =	simm.s32 $0x49A0  }
0xaa: {  	[tilespmem:s18], [sflag:$0x1] =	stream.linear.gather [hbm4b:s17+s3], $0xA50, $0x200038;
	[tilespmem:$0x8B10] =	vst v63  }
0xab: {  	v2 =	vld [tilespmem:s12+$0x10]  }
0xac: {  	s2 =	simm.s32 $0x20;
	v3 =	vld [tilespmem:s12+$0xFFFFFFF0]  }
0xad: {  	v4 =	vld [tilespmem:s2+$0x10]  }
0xae: {  	v5 =	vld [tilespmem:s12+$0x0]  }
0xaf: {  	v6 =	vld [tilespmem:s12+$0xFFFFFFE0]  }
0xb0: {  	v8 =	vld [tilespmem:s2+$0xFFFFFFF0];
	_ =	sdelay $0x1  }
0xb1: {  	v7 =	vld [tilespmem:s2+$0xFFFFFFE0]  }
0xb2: {  	v10 =	vld [tilespmem:s2+$0x0]  }
0xb3: {  	[tilespmem:v2+s29+$0x0] =	vst.idx.add.f32.msk $0xffff, v4  }
0xb4: {  	s12 =	simm.s32 $0x18A0;
	[tilespmem:v3+s29+$0x0] =	vst.idx.add.f32.msk $0xffff, v8  }
0xb5: {  	v4 =	vadd.s32 $0x240, v2;
	v9 =	vld [tilespmem:s12+$0x10]  }
0xb6: {  	[tilespmem:v6+s29+$0x0] =	vst.idx.add.f32.msk $0xffff, v7  }
0xb7: {  	[tilespmem:v5+s29+$0x0] =	vst.idx.add.f32.msk $0xffff, v10  }
0xb8: {  	v8 =	vadd.s32 $0x240, v6;
	v61 =	vld [tilespmem:s12+$0xFFFFFFE0]  }
0xb9: {  	v11 =	vadd.s32 $0x240, v3;
	v62 =	vld [tilespmem:s12+$0xFFFFFFF0]  }
0xba: {  	s13 =	simm.s32 $0x3120;
	[tilespmem:v4+s29+$0x0] =	vst.idx.add.f32.msk $0xffff, v9  }
0xbb: {  	v7 =	vadd.s32 $0x480, v2;
	v4 =	vld [tilespmem:s13+$0x10]  }
0xbc: {  	v13 =	vadd.s32 $0x240, v5;
	v12 =	vld [tilespmem:s12+$0x0]  }
0xbd: {  	[tilespmem:v8+s29+$0x0] =	vst.idx.add.f32.msk $0xffff, v61  }
0xbe: {  	[tilespmem:v11+s29+$0x0] =	vst.idx.add.f32.msk $0xffff, v62  }
0xbf: {  	v2 =	vadd.s32 $0x6C0, v2;
	v8 =	vld [tilespmem:s13+$0xFFFFFFE0]  }
0xc0: {  	[tilespmem:v7+s29+$0x0] =	vst.idx.add.f32.msk $0xffff, v4;
	v4 =	vadd.s32 $0x480, v6  }
0xc1: {  	v63 =	vadd.s32 $0x6C0, v6;
	[tilespmem:v13+s29+$0x0] =	vst.idx.add.f32.msk $0xffff, v12  }
0xc2: {  	v7 =	vld [tilespmem:s13+$0x0]  }
0xc3: {  	v6 =	vld [tilespmem:s13+$0xFFFFFFF0]  }
0xc4: {  	[tilespmem:v2+s29+$0x0] =	vst.idx.add.f32.msk $0xffff, v56  }
0xc5: {  	v2 =	vadd.s32 $0x480, v3;
	[tilespmem:v4+s29+$0x0] =	vst.idx.add.f32.msk $0xffff, v8  }
0xc6: {  	s14 =	simm.s32 $0x0;
	s15 =	simm.s32 $0x49E0;
	v3 =	vadd.s32 $0x6C0, v3;
	v4 =	vadd.s32 $0x480, v5;
	v5 =	vadd.s32 $0x6C0, v5;
	[tilespmem:v63+s29+$0x0] =	vst.idx.add.f32.msk $0xffff, v56  }
.LBB2_14:
0xc7: {  	v8 =	vld [tilespmem:s15+$0x10];
	v9 =	vmov v7  }
0xc8: {  	s14 =	sadd.s32 $0x40, s14;
	v7 =	vld [tilespmem:s15+$0xFFFFFFF0]  }
0xc9: {  	s2 =	sadd.s32 $0x40, s2;
	p1 =	slt.u32 s14, $0x240;
	v10 =	vld [tilespmem:s15+$0x0]  }
0xca: {  	v11 =	vld [tilespmem:s2+$0x10]  }
0xcb: {  	v12 =	vld [tilespmem:s15+$0xFFFFFFE0]  }
0xcc: {  	v13 =	vld [tilespmem:s2+$0xFFFFFFE0]  }
0xcd: {  	v14 =	vld [tilespmem:s2+$0xFFFFFFF0];
	v15 =	vadd.s32 $0x240, v7;
	v16 =	vadd.s32 $0x480, v7;
	v17 =	vadd.s32 $0x6C0, v7  }
0xce: {  	v18 =	vld [tilespmem:s2+$0x0];
	v19 =	vadd.s32 $0x240, v10;
	v20 =	vadd.s32 $0x480, v10;
	v21 =	vadd.s32 $0x6C0, v10  }
0xcf: {  	s12 =	sadd.s32 $0x40, s12;
	[tilespmem:v8+s29+$0x0] =	vst.idx.add.f32.msk $0xffff, v11  }
0xd0: {  	v23 =	vadd.s32 $0x240, v8;
	v11 =	vadd.s32 $0x240, v12;
	v22 =	vadd.s32 $0x480, v12;
	v24 =	vld [tilespmem:s12+$0x10]  }
0xd1: {  	v25 =	vadd.s32 $0x6C0, v12;
	[tilespmem:v2+s29+$0x0] =	vst.idx.add.f32.msk $0xffff, v6;
	v2 =	vmov v16  }
0xd2: {  	[tilespmem:v7+s29+$0x0] =	vst.idx.add.f32.msk $0xffff, v14  }
0xd3: {  	[tilespmem:v12+s29+$0x0] =	vst.idx.add.f32.msk $0xffff, v13  }
0xd4: {  	[tilespmem:v10+s29+$0x0] =	vst.idx.add.f32.msk $0xffff, v18  }
0xd5: {  	s13 =	sadd.s32 $0x40, s13;
	[tilespmem:v23+s29+$0x0] =	vst.idx.add.f32.msk $0xffff, v24  }
0xd6: {  	v7 =	vadd.s32 $0x480, v8;
	v6 =	vld [tilespmem:s13+$0x10]  }
0xd7: {  	v8 =	vadd.s32 $0x6C0, v8;
	v10 =	vld [tilespmem:s12+$0xFFFFFFE0]  }
0xd8: {  	v12 =	vld [tilespmem:s12+$0xFFFFFFF0]  }
0xd9: {  	v13 =	vld [tilespmem:s12+$0x0]  }
0xda: {  	[tilespmem:v3+s29+$0x0] =	vst.idx.add.f32.msk $0xffff, v56;
	v3 =	vmov v17  }
0xdb: {  	[tilespmem:v7+s29+$0x0] =	vst.idx.add.f32.msk $0xffff, v6  }
0xdc: {  	[tilespmem:v8+s29+$0x0] =	vst.idx.add.f32.msk $0xffff, v56  }
0xdd: {  	[tilespmem:v11+s29+$0x0] =	vst.idx.add.f32.msk $0xffff, v10  }
0xde: {  	[tilespmem:v15+s29+$0x0] =	vst.idx.add.f32.msk $0xffff, v12  }
0xdf: {  	[tilespmem:v19+s29+$0x0] =	vst.idx.add.f32.msk $0xffff, v13  }
0xe0: {  	v8 =	vld [tilespmem:s13+$0xFFFFFFE0]  }
0xe1: {  	v6 =	vld [tilespmem:s13+$0xFFFFFFF0]  }
.Ltmp4:
0xe2: {  	v7 =	vld [tilespmem:s13+$0x0];
	(pc) =	sbr.rel @p1 .LBB2_14-.Ltmp4, $4  }
0xe3: {  	[tilespmem:v4+s29+$0x0] =	vst.idx.add.f32.msk $0xffff, v9;
	v4 =	vmov v20  }
0xe4: {  	[tilespmem:v5+s29+$0x0] =	vst.idx.add.f32.msk $0xffff, v56;
	v5 =	vmov v21  }
0xe5: {  	[tilespmem:v22+s29+$0x0] =	vst.idx.add.f32.msk $0xffff, v8  }
0xe6: {  	s15 =	sadd.s32 $0x40, s15;
	[tilespmem:v25+s29+$0x0] =	vst.idx.add.f32.msk $0xffff, v56  }
0xe7: {  	_ =	sdelay $0x3  }
0xe8: {  	[tilespmem:v2+s29+$0x0] =	vst.idx.add.f32.msk $0xffff, v6  }
0xe9: {  	[tilespmem:v4+s29+$0x0] =	vst.idx.add.f32.msk $0xffff, v7  }
0xea: {  	[tilespmem:v3+s29+$0x0] =	vst.idx.add.f32.msk $0xffff, v56  }
0xeb: {  	[tilespmem:v5+s29+$0x0] =	vst.idx.add.f32.msk $0xffff, v56  }
0xec: {  	_ =	swait.ge [sflag:s1], $0xA50  }
0xed: {  	[sflag:s1] =	ssyncset.done $0x0  }
0xee: {  	[sflag:s1] =	ssyncadd.s32 $0xFFFFF5B0  }
0xef: {  	_ =	swait.ge [sflag:s1], $0xA50  }
0xf0: {  	[sflag:s1] =	ssyncset.done $0x0  }
0xf1: {  	[sflag:s1] =	ssyncadd.s32 $0xFFFFF5B0  }
0xf2: {  	_ =	swait.ge [sflag:s1], $0xA50  }
0xf3: {  	[sflag:s1] =	ssyncset.done $0x0  }
0xf4: {  	[sflag:s1] =	ssyncadd.s32 $0xFFFFF5B0  }
0xf5: {  	_ =	swait.ge [sflag:s1], $0xA50  }
0xf6: {  	[sflag:s1] =	ssyncset.done $0x0  }
0xf7: {  	s12 =	simm.s32 $0x4C40;
	[sflag:s1] =	ssyncadd.s32 $0xFFFFF5B0  }
0xf8: {  	v38 =	vld [tilespmem:s12+$0x0]  }
0xf9: {  	v39 =	vld [tilespmem:s12+$0xFFFFFFD0]  }
0xfa: {  	s2 =	simm.s32 $0x2C0;
	v40 =	vld [tilespmem:s12+$0xFFFFFFE0]  }
0xfb: {  	v41 =	vld [tilespmem:s2+$0x0]  }
0xfc: {  	v43 =	vld [tilespmem:s12+$0xFFFFFFC0]  }
0xfd: {  	v42 =	vld [tilespmem:s12+$0xFFFFFFF0]  }
0xfe: {  	v9 =	vld [tilespmem:s2+$0xFFFFFFD0]  }
0xff: {  	v8 =	vld [tilespmem:s2+$0xFFFFFFC0]  }
0x100: {  	v11 =	vld [tilespmem:s2+$0xFFFFFFE0]  }
0x101: {  	v12 =	vld [tilespmem:s2+$0xFFFFFFF0]  }
0x102: {  	[tilespmem:v38+s29+$0x0] =	vst.idx.add.f32.msk $0xffff, v41  }
0x103: {  	[tilespmem:v39+s29+$0x0] =	vst.idx.add.f32.msk $0xffff, v9  }
0x104: {  	[tilespmem:v43+s29+$0x0] =	vst.idx.add.f32.msk $0xffff, v8  }
0x105: {  	[tilespmem:v40+s29+$0x0] =	vst.idx.add.f32.msk $0xffff, v11  }
0x106: {  	s12 =	simm.s32 $0x1B40;
	[tilespmem:v42+s29+$0x0] =	vst.idx.add.f32.msk $0xffff, v12  }
0x107: {  	v44 =	vadd.s32 $0x240, v38;
	v10 =	vld [tilespmem:s12+$0x0]  }
0x108: {  	v47 =	vadd.s32 $0x240, v43;
	v46 =	vld [tilespmem:s12+$0xFFFFFFC0]  }
0x109: {  	v49 =	vadd.s32 $0x240, v39;
	v48 =	vld [tilespmem:s12+$0xFFFFFFD0]  }
0x10a: {  	v50 =	vadd.s32 $0x240, v40;
	v51 =	vld [tilespmem:s12+$0xFFFFFFE0]  }
0x10b: {  	v52 =	vadd.s32 $0x240, v42;
	v13 =	vld [tilespmem:s12+$0xFFFFFFF0]  }
0x10c: {  	[tilespmem:v44+s29+$0x0] =	vst.idx.add.f32.msk $0xffff, v10  }
0x10d: {  	[tilespmem:v47+s29+$0x0] =	vst.idx.add.f32.msk $0xffff, v46  }
0x10e: {  	[tilespmem:v49+s29+$0x0] =	vst.idx.add.f32.msk $0xffff, v48  }
0x10f: {  	[tilespmem:v50+s29+$0x0] =	vst.idx.add.f32.msk $0xffff, v51  }
0x110: {  	s13 =	simm.s32 $0x33C0;
	[tilespmem:v52+s29+$0x0] =	vst.idx.add.f32.msk $0xffff, v13  }
0x111: {  	v45 =	vadd.s32 $0x480, v38;
	v5 =	vld [tilespmem:s13+$0x0]  }
0x112: {  	v53 =	vadd.s32 $0x480, v43;
	v9 =	vld [tilespmem:s13+$0xFFFFFFC0]  }
0x113: {  	v57 =	vadd.s32 $0x480, v39;
	v58 =	vld [tilespmem:s13+$0xFFFFFFD0]  }
0x114: {  	v60 =	vadd.s32 $0x480, v40;
	v59 =	vld [tilespmem:s13+$0xFFFFFFE0]  }
0x115: {  	v62 =	vadd.s32 $0x480, v42;
	v61 =	vld [tilespmem:s13+$0xFFFFFFF0]  }
0x116: {  	v2 =	vadd.s32 $0x6C0, v38;
	[tilespmem:v45+s29+$0x0] =	vst.idx.add.f32.msk $0xffff, v5  }
0x117: {  	v54 =	vadd.s32 $0x6C0, v43;
	[tilespmem:v53+s29+$0x0] =	vst.idx.add.f32.msk $0xffff, v9  }
0x118: {  	v3 =	vadd.s32 $0x6C0, v39;
	[tilespmem:v57+s29+$0x0] =	vst.idx.add.f32.msk $0xffff, v58  }
0x119: {  	v4 =	vadd.s32 $0x6C0, v40;
	[tilespmem:v60+s29+$0x0] =	vst.idx.add.f32.msk $0xffff, v59  }
0x11a: {  	v63 =	vadd.s32 $0x6C0, v42;
	[tilespmem:v62+s29+$0x0] =	vst.idx.add.f32.msk $0xffff, v61  }
0x11b: {  	[tilespmem:v2+s29+$0x0] =	vst.idx.add.f32.msk $0xffff, v56  }
0x11c: {  	[tilespmem:v54+s29+$0x0] =	vst.idx.add.f32.msk $0xffff, v56  }
0x11d: {  	[tilespmem:v3+s29+$0x0] =	vst.idx.add.f32.msk $0xffff, v56  }
0x11e: {  	[tilespmem:v4+s29+$0x0] =	vst.idx.add.f32.msk $0xffff, v56  }
0x11f: {  	s14 =	simm.s32 $0x280;
	s15 =	simm.s32 $0x4C90;
	[tilespmem:v63+s29+$0x0] =	vst.idx.add.f32.msk $0xffff, v56  }
.LBB2_16:
0x120: {  	v2 =	vld [tilespmem:s15+$0x0]  }
0x121: {  	s14 =	sadd.s32 $0x50, s14;
	v3 =	vld [tilespmem:s15+$0xFFFFFFD0]  }
0x122: {  	s2 =	sadd.s32 $0x50, s2;
	p1 =	slt.u32 s14, $0xC80;
	v4 =	vld [tilespmem:s15+$0xFFFFFFE0]  }
0x123: {  	v5 =	vld [tilespmem:s2+$0x0]  }
0x124: {  	v6 =	vld [tilespmem:s15+$0xFFFFFFF0]  }
0x125: {  	v7 =	vld [tilespmem:s15+$0xFFFFFFC0]  }
0x126: {  	v8 =	vld [tilespmem:s2+$0xFFFFFFC0];
	v9 =	vadd.s32 $0x240, v3;
	v10 =	vadd.s32 $0x480, v3;
	v11 =	vadd.s32 $0x6C0, v3  }
0x127: {  	v12 =	vld [tilespmem:s2+$0xFFFFFFD0];
	v13 =	vadd.s32 $0x240, v4;
	v14 =	vadd.s32 $0x480, v4;
	v15 =	vadd.s32 $0x6C0, v4  }
0x128: {  	s12 =	sadd.s32 $0x50, s12;
	[tilespmem:v2+s29+$0x0] =	vst.idx.add.f32.msk $0xffff, v5  }
0x129: {  	v17 =	vadd.s32 $0x240, v2;
	v5 =	vadd.s32 $0x240, v6;
	v16 =	vadd.s32 $0x480, v6;
	v18 =	vld [tilespmem:s12+$0x0]  }
0x12a: {  	v19 =	vadd.s32 $0x240, v7;
	v20 =	vadd.s32 $0x480, v7;
	v21 =	vadd.s32 $0x6C0, v7;
	v22 =	vld [tilespmem:s2+$0xFFFFFFE0]  }
0x12b: {  	v24 =	vadd.s32 $0x6C0, v6;
	v23 =	vld [tilespmem:s2+$0xFFFFFFF0]  }
0x12c: {  	[tilespmem:v3+s29+$0x0] =	vst.idx.add.f32.msk $0xffff, v12  }
0x12d: {  	[tilespmem:v7+s29+$0x0] =	vst.idx.add.f32.msk $0xffff, v8  }
0x12e: {  	s13 =	sadd.s32 $0x50, s13;
	[tilespmem:v17+s29+$0x0] =	vst.idx.add.f32.msk $0xffff, v18  }
0x12f: {  	v7 =	vadd.s32 $0x480, v2;
	v3 =	vld [tilespmem:s13+$0x0]  }
0x130: {  	v2 =	vadd.s32 $0x6C0, v2;
	[tilespmem:v4+s29+$0x0] =	vst.idx.add.f32.msk $0xffff, v22  }
0x131: {  	[tilespmem:v6+s29+$0x0] =	vst.idx.add.f32.msk $0xffff, v23  }
0x132: {  	v4 =	vld [tilespmem:s12+$0xFFFFFFC0]  }
0x133: {  	v6 =	vld [tilespmem:s12+$0xFFFFFFD0]  }
0x134: {  	[tilespmem:v7+s29+$0x0] =	vst.idx.add.f32.msk $0xffff, v3  }
0x135: {  	[tilespmem:v2+s29+$0x0] =	vst.idx.add.f32.msk $0xffff, v56  }
0x136: {  	v2 =	vld [tilespmem:s12+$0xFFFFFFE0]  }
0x137: {  	v3 =	vld [tilespmem:s12+$0xFFFFFFF0]  }
0x138: {  	[tilespmem:v19+s29+$0x0] =	vst.idx.add.f32.msk $0xffff, v4  }
0x139: {  	[tilespmem:v9+s29+$0x0] =	vst.idx.add.f32.msk $0xffff, v6  }
0x13a: {  	v4 =	vld [tilespmem:s13+$0xFFFFFFC0]  }
0x13b: {  	[tilespmem:v13+s29+$0x0] =	vst.idx.add.f32.msk $0xffff, v2  }
0x13c: {  	[tilespmem:v5+s29+$0x0] =	vst.idx.add.f32.msk $0xffff, v3  }
0x13d: {  	v2 =	vld [tilespmem:s13+$0xFFFFFFD0]  }
0x13e: {  	v3 =	vld [tilespmem:s13+$0xFFFFFFE0]  }
0x13f: {  	v5 =	vld [tilespmem:s13+$0xFFFFFFF0]  }
0x140: {  	[tilespmem:v20+s29+$0x0] =	vst.idx.add.f32.msk $0xffff, v4  }
0x141: {  	[tilespmem:v21+s29+$0x0] =	vst.idx.add.f32.msk $0xffff, v56  }
0x142: {  	[tilespmem:v10+s29+$0x0] =	vst.idx.add.f32.msk $0xffff, v2  }
.Ltmp5:
0x143: {  	[tilespmem:v11+s29+$0x0] =	vst.idx.add.f32.msk $0xffff, v56;
	(pc) =	sbr.rel @p1 .LBB2_16-.Ltmp5, $4  }
0x144: {  	[tilespmem:v14+s29+$0x0] =	vst.idx.add.f32.msk $0xffff, v3  }
0x145: {  	[tilespmem:v15+s29+$0x0] =	vst.idx.add.f32.msk $0xffff, v56  }
0x146: {  	[tilespmem:v16+s29+$0x0] =	vst.idx.add.f32.msk $0xffff, v5  }
0x147: {  	s15 =	sadd.s32 $0x50, s15;
	[tilespmem:v24+s29+$0x0] =	vst.idx.add.f32.msk $0xffff, v56  }
0x148: {  	_ =	swait.ge [sflag:s28], $0xA50  }
0x149: {  	[sflag:s28] =	ssyncset.done $0x0  }
0x14a: {  	[sflag:s28] =	ssyncadd.s32 $0xFFFFF5B0  }
0x14b: {  	_ =	swait.ge [sflag:s28], $0xA50  }
0x14c: {  	[sflag:s28] =	ssyncset.done $0x0  }
0x14d: {  	[sflag:s28] =	ssyncadd.s32 $0xFFFFF5B0  }
0x14e: {  	_ =	swait.ge [sflag:s28], $0xA50  }
0x14f: {  	[sflag:s28] =	ssyncset.done $0x0  }
0x150: {  	[sflag:s28] =	ssyncadd.s32 $0xFFFFF5B0  }
0x151: {  	_ =	swait.ge [sflag:s28], $0xA50  }
0x152: {  	[sflag:s28] =	ssyncset.done $0x0  }
0x153: {  	s12 =	simm.s32 $0x5690;
	[sflag:s28] =	ssyncadd.s32 $0xFFFFF5B0  }
0x154: {  	v2 =	vld [tilespmem:s12+$0x0]  }
0x155: {  	v3 =	vld [tilespmem:s12+$0xFFFFFFD0]  }
0x156: {  	s2 =	simm.s32 $0xD10;
	v4 =	vld [tilespmem:s12+$0xFFFFFFE0]  }
0x157: {  	v5 =	vld [tilespmem:s2+$0x0]  }
0x158: {  	v7 =	vld [tilespmem:s12+$0xFFFFFFC0]  }
0x159: {  	v6 =	vld [tilespmem:s12+$0xFFFFFFF0]  }
0x15a: {  	v9 =	vld [tilespmem:s2+$0xFFFFFFD0]  }
0x15b: {  	v8 =	vld [tilespmem:s2+$0xFFFFFFC0]  }
0x15c: {  	v11 =	vld [tilespmem:s2+$0xFFFFFFE0]  }
0x15d: {  	v12 =	vld [tilespmem:s2+$0xFFFFFFF0]  }
0x15e: {  	[tilespmem:v2+s29+$0x0] =	vst.idx.add.f32.msk $0xffff, v5  }
0x15f: {  	[tilespmem:v3+s29+$0x0] =	vst.idx.add.f32.msk $0xffff, v9  }
0x160: {  	[tilespmem:v7+s29+$0x0] =	vst.idx.add.f32.msk $0xffff, v8  }
0x161: {  	[tilespmem:v4+s29+$0x0] =	vst.idx.add.f32.msk $0xffff, v11  }
0x162: {  	s12 =	simm.s32 $0x2590;
	[tilespmem:v6+s29+$0x0] =	vst.idx.add.f32.msk $0xffff, v12  }
0x163: {  	v44 =	vadd.s32 $0x240, v2;
	v10 =	vld [tilespmem:s12+$0x0]  }
0x164: {  	v47 =	vadd.s32 $0x240, v7;
	v46 =	vld [tilespmem:s12+$0xFFFFFFC0]  }
0x165: {  	v49 =	vadd.s32 $0x240, v3;
	v48 =	vld [tilespmem:s12+$0xFFFFFFD0]  }
0x166: {  	v50 =	vadd.s32 $0x240, v4;
	v51 =	vld [tilespmem:s12+$0xFFFFFFE0]  }
0x167: {  	v52 =	vadd.s32 $0x240, v6;
	v13 =	vld [tilespmem:s12+$0xFFFFFFF0]  }
0x168: {  	[tilespmem:v44+s29+$0x0] =	vst.idx.add.f32.msk $0xffff, v10  }
0x169: {  	[tilespmem:v47+s29+$0x0] =	vst.idx.add.f32.msk $0xffff, v46  }
0x16a: {  	[tilespmem:v49+s29+$0x0] =	vst.idx.add.f32.msk $0xffff, v48  }
0x16b: {  	[tilespmem:v50+s29+$0x0] =	vst.idx.add.f32.msk $0xffff, v51  }
0x16c: {  	s13 =	simm.s32 $0x3E10;
	[tilespmem:v52+s29+$0x0] =	vst.idx.add.f32.msk $0xffff, v13  }
0x16d: {  	v45 =	vadd.s32 $0x480, v2;
	v5 =	vld [tilespmem:s13+$0x0]  }
0x16e: {  	v53 =	vadd.s32 $0x480, v7;
	v9 =	vld [tilespmem:s13+$0xFFFFFFC0]  }
0x16f: {  	v57 =	vadd.s32 $0x480, v3;
	v58 =	vld [tilespmem:s13+$0xFFFFFFD0]  }
0x170: {  	v60 =	vadd.s32 $0x480, v4;
	v59 =	vld [tilespmem:s13+$0xFFFFFFE0]  }
0x171: {  	v62 =	vadd.s32 $0x480, v6;
	v61 =	vld [tilespmem:s13+$0xFFFFFFF0]  }
0x172: {  	v2 =	vadd.s32 $0x6C0, v2;
	[tilespmem:v45+s29+$0x0] =	vst.idx.add.f32.msk $0xffff, v5  }
0x173: {  	v54 =	vadd.s32 $0x6C0, v7;
	[tilespmem:v53+s29+$0x0] =	vst.idx.add.f32.msk $0xffff, v9  }
0x174: {  	v3 =	vadd.s32 $0x6C0, v3;
	[tilespmem:v57+s29+$0x0] =	vst.idx.add.f32.msk $0xffff, v58  }
0x175: {  	v4 =	vadd.s32 $0x6C0, v4;
	[tilespmem:v60+s29+$0x0] =	vst.idx.add.f32.msk $0xffff, v59  }
0x176: {  	v63 =	vadd.s32 $0x6C0, v6;
	[tilespmem:v62+s29+$0x0] =	vst.idx.add.f32.msk $0xffff, v61  }
0x177: {  	[tilespmem:v2+s29+$0x0] =	vst.idx.add.f32.msk $0xffff, v56  }
0x178: {  	[tilespmem:v54+s29+$0x0] =	vst.idx.add.f32.msk $0xffff, v56  }
0x179: {  	[tilespmem:v3+s29+$0x0] =	vst.idx.add.f32.msk $0xffff, v56  }
0x17a: {  	[tilespmem:v4+s29+$0x0] =	vst.idx.add.f32.msk $0xffff, v56  }
0x17b: {  	s14 =	simm.s32 $0xCD0;
	s15 =	simm.s32 $0x56E0;
	[tilespmem:v63+s29+$0x0] =	vst.idx.add.f32.msk $0xffff, v56  }
.LBB2_18:
0x17c: {  	v2 =	vld [tilespmem:s15+$0x0]  }
0x17d: {  	s14 =	sadd.s32 $0x50, s14;
	v3 =	vld [tilespmem:s15+$0xFFFFFFD0]  }
0x17e: {  	s2 =	sadd.s32 $0x50, s2;
	p1 =	slt.u32 s14, $0x16D0;
	v4 =	vld [tilespmem:s15+$0xFFFFFFE0]  }
0x17f: {  	v5 =	vld [tilespmem:s2+$0x0]  }
0x180: {  	v6 =	vld [tilespmem:s15+$0xFFFFFFF0]  }
0x181: {  	v7 =	vld [tilespmem:s15+$0xFFFFFFC0]  }
0x182: {  	v8 =	vld [tilespmem:s2+$0xFFFFFFC0];
	v9 =	vadd.s32 $0x240, v3;
	v10 =	vadd.s32 $0x480, v3;
	v11 =	vadd.s32 $0x6C0, v3  }
0x183: {  	v12 =	vld [tilespmem:s2+$0xFFFFFFD0];
	v13 =	vadd.s32 $0x240, v4;
	v14 =	vadd.s32 $0x480, v4;
	v15 =	vadd.s32 $0x6C0, v4  }
0x184: {  	s12 =	sadd.s32 $0x50, s12;
	[tilespmem:v2+s29+$0x0] =	vst.idx.add.f32.msk $0xffff, v5  }
0x185: {  	v17 =	vadd.s32 $0x240, v2;
	v5 =	vadd.s32 $0x240, v6;
	v16 =	vadd.s32 $0x480, v6;
	v18 =	vld [tilespmem:s12+$0x0]  }
0x186: {  	v19 =	vadd.s32 $0x240, v7;
	v20 =	vadd.s32 $0x480, v7;
	v21 =	vadd.s32 $0x6C0, v7;
	v22 =	vld [tilespmem:s2+$0xFFFFFFE0]  }
0x187: {  	v24 =	vadd.s32 $0x6C0, v6;
	v23 =	vld [tilespmem:s2+$0xFFFFFFF0]  }
0x188: {  	[tilespmem:v3+s29+$0x0] =	vst.idx.add.f32.msk $0xffff, v12  }
0x189: {  	[tilespmem:v7+s29+$0x0] =	vst.idx.add.f32.msk $0xffff, v8  }
0x18a: {  	s13 =	sadd.s32 $0x50, s13;
	[tilespmem:v17+s29+$0x0] =	vst.idx.add.f32.msk $0xffff, v18  }
0x18b: {  	v7 =	vadd.s32 $0x480, v2;
	v3 =	vld [tilespmem:s13+$0x0]  }
0x18c: {  	v2 =	vadd.s32 $0x6C0, v2;
	[tilespmem:v4+s29+$0x0] =	vst.idx.add.f32.msk $0xffff, v22  }
0x18d: {  	[tilespmem:v6+s29+$0x0] =	vst.idx.add.f32.msk $0xffff, v23  }
0x18e: {  	v4 =	vld [tilespmem:s12+$0xFFFFFFC0]  }
0x18f: {  	v6 =	vld [tilespmem:s12+$0xFFFFFFD0]  }
0x190: {  	[tilespmem:v7+s29+$0x0] =	vst.idx.add.f32.msk $0xffff, v3  }
0x191: {  	[tilespmem:v2+s29+$0x0] =	vst.idx.add.f32.msk $0xffff, v56  }
0x192: {  	v2 =	vld [tilespmem:s12+$0xFFFFFFE0]  }
0x193: {  	v3 =	vld [tilespmem:s12+$0xFFFFFFF0]  }
0x194: {  	[tilespmem:v19+s29+$0x0] =	vst.idx.add.f32.msk $0xffff, v4  }
0x195: {  	[tilespmem:v9+s29+$0x0] =	vst.idx.add.f32.msk $0xffff, v6  }
0x196: {  	v4 =	vld [tilespmem:s13+$0xFFFFFFC0]  }
0x197: {  	[tilespmem:v13+s29+$0x0] =	vst.idx.add.f32.msk $0xffff, v2  }
0x198: {  	[tilespmem:v5+s29+$0x0] =	vst.idx.add.f32.msk $0xffff, v3  }
0x199: {  	v2 =	vld [tilespmem:s13+$0xFFFFFFD0]  }
0x19a: {  	v3 =	vld [tilespmem:s13+$0xFFFFFFE0]  }
0x19b: {  	v5 =	vld [tilespmem:s13+$0xFFFFFFF0]  }
0x19c: {  	[tilespmem:v20+s29+$0x0] =	vst.idx.add.f32.msk $0xffff, v4  }
0x19d: {  	[tilespmem:v21+s29+$0x0] =	vst.idx.add.f32.msk $0xffff, v56  }
0x19e: {  	[tilespmem:v10+s29+$0x0] =	vst.idx.add.f32.msk $0xffff, v2  }
.Ltmp6:
0x19f: {  	[tilespmem:v11+s29+$0x0] =	vst.idx.add.f32.msk $0xffff, v56;
	(pc) =	sbr.rel @p1 .LBB2_18-.Ltmp6, $4  }
0x1a0: {  	[tilespmem:v14+s29+$0x0] =	vst.idx.add.f32.msk $0xffff, v3  }
0x1a1: {  	[tilespmem:v15+s29+$0x0] =	vst.idx.add.f32.msk $0xffff, v56  }
0x1a2: {  	[tilespmem:v16+s29+$0x0] =	vst.idx.add.f32.msk $0xffff, v5  }
0x1a3: {  	s15 =	sadd.s32 $0x50, s15;
	[tilespmem:v24+s29+$0x0] =	vst.idx.add.f32.msk $0xffff, v56  }
.Ltmp7:
0x1a4: {  	_ = 	snop;
	(pc) =	sbr.rel .LBB2_19-.Ltmp7, $1  }
0x1a5: {  	_ =	sdelay $0x3  }
.LBB2_2:
0x1a6: {  	s2 =	rddreg [dreg:$0x6]  }
0x1a7: {  	[tilespmem:s3], [sflag:$0x1] =	stream.linear.gather [hbm4b:s2+s3], $0x300, $0x200038;
	[tilespmem:$0x8B10] =	vst v63  }
0x1a8: {  	s14 =	rddreg [dreg:$0x7];
	s8 =	simm.s32 $0x1880  }
0x1a9: {  	[tilespmem:s8], [sflag:$0x1] =	stream.linear.gather [hbm4b:s14+s3], $0x300, $0x200038;
	[tilespmem:$0x8B10] =	vst v63  }
0x1aa: {  	s15 =	rddreg [dreg:$0x8];
	s16 =	simm.s32 $0x3100  }
0x1ab: {  	[tilespmem:s16], [sflag:$0x1] =	stream.linear.gather [hbm4b:s15+s3], $0x300, $0x200038;
	[tilespmem:$0x8B10] =	vst v63  }
0x1ac: {  	s17 =	rddreg [dreg:$0x9];
	s18 =	simm.s32 $0x4980  }
0x1ad: {  	[tilespmem:s18], [sflag:$0x1] =	stream.linear.gather [hbm4b:s17+s3], $0x300, $0x200038;
	[tilespmem:$0x8B10] =	vst v63  }
0x1ae: {  	s12 =	simm.s32 $0x300;
	s8 =	rddreg [dreg:$0xa]  }
0x1af: {  	[tilespmem:s12], [sflag:$0x2] =	stream.linear.gather [hbm4b:s8+s3], $0xAC0, $0x200038;
	[tilespmem:$0x8B10] =	vst v63  }
0x1b0: {  	s13 =	rddreg [dreg:$0xb];
	s14 =	simm.s32 $0x1B80  }
0x1b1: {  	[tilespmem:s14], [sflag:$0x2] =	stream.linear.gather [hbm4b:s13+s3], $0xAC0, $0x200038;
	[tilespmem:$0x8B10] =	vst v63  }
0x1b2: {  	s15 =	rddreg [dreg:$0xc];
	s16 =	simm.s32 $0x3400  }
0x1b3: {  	[tilespmem:s16], [sflag:$0x2] =	stream.linear.gather [hbm4b:s15+s3], $0xAC0, $0x200038;
	[tilespmem:$0x8B10] =	vst v63  }
0x1b4: {  	s2 =	simm.s32 $0x6220;
	s17 =	rddreg [dreg:$0xd];
	s18 =	simm.s32 $0x4C80  }
0x1b5: {  	[tilespmem:s18], [sflag:$0x2] =	stream.linear.gather [hbm4b:s17+s3], $0xAC0, $0x200038;
	[tilespmem:$0x8B10] =	vst v63  }
0x1b6: {  	[tilespmem:s2+$0xFFFFFFE0] =	vst v55  }
0x1b7: {  	[tilespmem:s2+$0x10] =	vst v55  }
0x1b8: {  	s12 =	simm.s32 $0x0;
	[tilespmem:s2+$0x0] =	vst v55  }
.LBB2_3:
0x1b9: {  	s12 =	sadd.s32 $0x40, s12  }
0x1ba: {  	[tilespmem:s2+$0xFFFFFFF0] =	vst v55;
	s2 =	sadd.s32 $0x40, s2;
	p1 =	slt.u32 s12, $0x8C0  }
.Ltmp8:
0x1bb: {  	[tilespmem:s2+$0xFFFFFFE0] =	vst v55;
	(pc) =	sbr.rel @p1 .LBB2_3-.Ltmp8, $3  }
0x1bc: {  	_ =	sdelay $0x1  }
0x1bd: {  	[tilespmem:s2+$0x10] =	vst v55  }
0x1be: {  	[tilespmem:s2+$0x0] =	vst v55  }
0x1bf: {  	[tilespmem:s2+$0xFFFFFFF0] =	vst v55  }
0x1c0: {  	_ =	swait.ge [sflag:s28], $0x300  }
0x1c1: {  	[sflag:s28] =	ssyncset.done $0x0  }
0x1c2: {  	[sflag:s28] =	ssyncadd.s32 $0xFFFFFD00  }
0x1c3: {  	_ =	swait.ge [sflag:s28], $0x300  }
0x1c4: {  	[sflag:s28] =	ssyncset.done $0x0  }
0x1c5: {  	[sflag:s28] =	ssyncadd.s32 $0xFFFFFD00  }
0x1c6: {  	_ =	swait.ge [sflag:s28], $0x300  }
0x1c7: {  	[sflag:s28] =	ssyncset.done $0x0  }
0x1c8: {  	[sflag:s28] =	ssyncadd.s32 $0xFFFFFD00  }
0x1c9: {  	_ =	swait.ge [sflag:s28], $0x300  }
0x1ca: {  	[sflag:s28] =	ssyncset.done $0x0  }
0x1cb: {  	s8 =	simm.s32 $0xDC0;
	s12 =	rddreg [dreg:$0xe];
	[sflag:s28] =	ssyncadd.s32 $0xFFFFFD00  }
0x1cc: {  	[tilespmem:s8], [sflag:$0x1] =	stream.linear.gather [hbm4b:s12+s3], $0xAC0, $0x200038;
	[tilespmem:$0x8B10] =	vst v63  }
0x1cd: {  	s14 =	simm.s32 $0x2640;
	s13 =	rddreg [dreg:$0xf]  }
0x1ce: {  	[tilespmem:s14], [sflag:$0x1] =	stream.linear.gather [hbm4b:s13+s3], $0xAC0, $0x200038;
	[tilespmem:$0x8B10] =	vst v63  }
0x1cf: {  	s16 =	simm.s32 $0x3EC0;
	s15 =	rddreg [dreg:$0x10]  }
0x1d0: {  	[tilespmem:s16], [sflag:$0x1] =	stream.linear.gather [hbm4b:s15+s3], $0xAC0, $0x200038;
	[tilespmem:$0x8B10] =	vst v63  }
0x1d1: {  	s18 =	simm.s32 $0x5740;
	s17 =	rddreg [dreg:$0x11];
	s12 =	simm.s32 $0x49A0  }
0x1d2: {  	[tilespmem:s18], [sflag:$0x1] =	stream.linear.gather [hbm4b:s17+s3], $0xAC0, $0x200038;
	[tilespmem:$0x8B10] =	vst v63  }
0x1d3: {  	v2 =	vld [tilespmem:s12+$0x10]  }
0x1d4: {  	s2 =	simm.s32 $0x20;
	v3 =	vld [tilespmem:s12+$0xFFFFFFF0]  }
0x1d5: {  	v4 =	vld [tilespmem:s2+$0x10]  }
0x1d6: {  	v5 =	vld [tilespmem:s12+$0x0]  }
0x1d7: {  	v6 =	vld [tilespmem:s12+$0xFFFFFFE0]  }
0x1d8: {  	v8 =	vld [tilespmem:s2+$0xFFFFFFF0];
	_ =	sdelay $0x1  }
0x1d9: {  	v7 =	vld [tilespmem:s2+$0xFFFFFFE0]  }
0x1da: {  	v10 =	vld [tilespmem:s2+$0x0]  }
0x1db: {  	[tilespmem:v2+s29+$0x0] =	vst.idx.add.f32.msk $0xffff, v4  }
0x1dc: {  	s12 =	simm.s32 $0x18A0;
	[tilespmem:v3+s29+$0x0] =	vst.idx.add.f32.msk $0xffff, v8  }
0x1dd: {  	v4 =	vadd.s32 $0x240, v2;
	v9 =	vld [tilespmem:s12+$0x10]  }
0x1de: {  	[tilespmem:v6+s29+$0x0] =	vst.idx.add.f32.msk $0xffff, v7  }
0x1df: {  	[tilespmem:v5+s29+$0x0] =	vst.idx.add.f32.msk $0xffff, v10  }
0x1e0: {  	v8 =	vadd.s32 $0x240, v6;
	v61 =	vld [tilespmem:s12+$0xFFFFFFE0]  }
0x1e1: {  	v11 =	vadd.s32 $0x240, v3;
	v62 =	vld [tilespmem:s12+$0xFFFFFFF0]  }
0x1e2: {  	s13 =	simm.s32 $0x3120;
	[tilespmem:v4+s29+$0x0] =	vst.idx.add.f32.msk $0xffff, v9  }
0x1e3: {  	v7 =	vadd.s32 $0x480, v2;
	v4 =	vld [tilespmem:s13+$0x10]  }
0x1e4: {  	v13 =	vadd.s32 $0x240, v5;
	v12 =	vld [tilespmem:s12+$0x0]  }
0x1e5: {  	[tilespmem:v8+s29+$0x0] =	vst.idx.add.f32.msk $0xffff, v61  }
0x1e6: {  	[tilespmem:v11+s29+$0x0] =	vst.idx.add.f32.msk $0xffff, v62  }
0x1e7: {  	v2 =	vadd.s32 $0x6C0, v2;
	v8 =	vld [tilespmem:s13+$0xFFFFFFE0]  }
0x1e8: {  	[tilespmem:v7+s29+$0x0] =	vst.idx.add.f32.msk $0xffff, v4;
	v4 =	vadd.s32 $0x480, v6  }
0x1e9: {  	v63 =	vadd.s32 $0x6C0, v6;
	[tilespmem:v13+s29+$0x0] =	vst.idx.add.f32.msk $0xffff, v12  }
0x1ea: {  	v7 =	vld [tilespmem:s13+$0x0]  }
0x1eb: {  	v6 =	vld [tilespmem:s13+$0xFFFFFFF0]  }
0x1ec: {  	[tilespmem:v2+s29+$0x0] =	vst.idx.add.f32.msk $0xffff, v56  }
0x1ed: {  	v2 =	vadd.s32 $0x480, v3;
	[tilespmem:v4+s29+$0x0] =	vst.idx.add.f32.msk $0xffff, v8  }
0x1ee: {  	s14 =	simm.s32 $0x0;
	s15 =	simm.s32 $0x49E0;
	v3 =	vadd.s32 $0x6C0, v3;
	v4 =	vadd.s32 $0x480, v5;
	v5 =	vadd.s32 $0x6C0, v5;
	[tilespmem:v63+s29+$0x0] =	vst.idx.add.f32.msk $0xffff, v56  }
.LBB2_5:
0x1ef: {  	v8 =	vld [tilespmem:s15+$0x10];
	v9 =	vmov v7  }
0x1f0: {  	s14 =	sadd.s32 $0x40, s14;
	v7 =	vld [tilespmem:s15+$0xFFFFFFF0]  }
0x1f1: {  	s2 =	sadd.s32 $0x40, s2;
	p1 =	slt.u32 s14, $0x2C0;
	v10 =	vld [tilespmem:s15+$0x0]  }
0x1f2: {  	v11 =	vld [tilespmem:s2+$0x10]  }
0x1f3: {  	v12 =	vld [tilespmem:s15+$0xFFFFFFE0]  }
0x1f4: {  	v13 =	vld [tilespmem:s2+$0xFFFFFFE0]  }
0x1f5: {  	v14 =	vld [tilespmem:s2+$0xFFFFFFF0];
	v15 =	vadd.s32 $0x240, v7;
	v16 =	vadd.s32 $0x480, v7;
	v17 =	vadd.s32 $0x6C0, v7  }
0x1f6: {  	v18 =	vld [tilespmem:s2+$0x0];
	v19 =	vadd.s32 $0x240, v10;
	v20 =	vadd.s32 $0x480, v10;
	v21 =	vadd.s32 $0x6C0, v10  }
0x1f7: {  	s12 =	sadd.s32 $0x40, s12;
	[tilespmem:v8+s29+$0x0] =	vst.idx.add.f32.msk $0xffff, v11  }
0x1f8: {  	v23 =	vadd.s32 $0x240, v8;
	v11 =	vadd.s32 $0x240, v12;
	v22 =	vadd.s32 $0x480, v12;
	v24 =	vld [tilespmem:s12+$0x10]  }
0x1f9: {  	v25 =	vadd.s32 $0x6C0, v12;
	[tilespmem:v2+s29+$0x0] =	vst.idx.add.f32.msk $0xffff, v6;
	v2 =	vmov v16  }
0x1fa: {  	[tilespmem:v7+s29+$0x0] =	vst.idx.add.f32.msk $0xffff, v14  }
0x1fb: {  	[tilespmem:v12+s29+$0x0] =	vst.idx.add.f32.msk $0xffff, v13  }
0x1fc: {  	[tilespmem:v10+s29+$0x0] =	vst.idx.add.f32.msk $0xffff, v18  }
0x1fd: {  	s13 =	sadd.s32 $0x40, s13;
	[tilespmem:v23+s29+$0x0] =	vst.idx.add.f32.msk $0xffff, v24  }
0x1fe: {  	v7 =	vadd.s32 $0x480, v8;
	v6 =	vld [tilespmem:s13+$0x10]  }
0x1ff: {  	v8 =	vadd.s32 $0x6C0, v8;
	v10 =	vld [tilespmem:s12+$0xFFFFFFE0]  }
0x200: {  	v12 =	vld [tilespmem:s12+$0xFFFFFFF0]  }
0x201: {  	v13 =	vld [tilespmem:s12+$0x0]  }
0x202: {  	[tilespmem:v3+s29+$0x0] =	vst.idx.add.f32.msk $0xffff, v56;
	v3 =	vmov v17  }
0x203: {  	[tilespmem:v7+s29+$0x0] =	vst.idx.add.f32.msk $0xffff, v6  }
0x204: {  	[tilespmem:v8+s29+$0x0] =	vst.idx.add.f32.msk $0xffff, v56  }
0x205: {  	[tilespmem:v11+s29+$0x0] =	vst.idx.add.f32.msk $0xffff, v10  }
0x206: {  	[tilespmem:v15+s29+$0x0] =	vst.idx.add.f32.msk $0xffff, v12  }
0x207: {  	[tilespmem:v19+s29+$0x0] =	vst.idx.add.f32.msk $0xffff, v13  }
0x208: {  	v8 =	vld [tilespmem:s13+$0xFFFFFFE0]  }
0x209: {  	v6 =	vld [tilespmem:s13+$0xFFFFFFF0]  }
.Ltmp9:
0x20a: {  	v7 =	vld [tilespmem:s13+$0x0];
	(pc) =	sbr.rel @p1 .LBB2_5-.Ltmp9, $4  }
0x20b: {  	[tilespmem:v4+s29+$0x0] =	vst.idx.add.f32.msk $0xffff, v9;
	v4 =	vmov v20  }
0x20c: {  	[tilespmem:v5+s29+$0x0] =	vst.idx.add.f32.msk $0xffff, v56;
	v5 =	vmov v21  }
0x20d: {  	[tilespmem:v22+s29+$0x0] =	vst.idx.add.f32.msk $0xffff, v8  }
0x20e: {  	s15 =	sadd.s32 $0x40, s15;
	[tilespmem:v25+s29+$0x0] =	vst.idx.add.f32.msk $0xffff, v56  }
0x20f: {  	_ =	sdelay $0x3  }
0x210: {  	[tilespmem:v2+s29+$0x0] =	vst.idx.add.f32.msk $0xffff, v6  }
0x211: {  	[tilespmem:v4+s29+$0x0] =	vst.idx.add.f32.msk $0xffff, v7  }
0x212: {  	[tilespmem:v3+s29+$0x0] =	vst.idx.add.f32.msk $0xffff, v56  }
0x213: {  	[tilespmem:v5+s29+$0x0] =	vst.idx.add.f32.msk $0xffff, v56  }
0x214: {  	_ =	swait.ge [sflag:s1], $0xAC0  }
0x215: {  	[sflag:s1] =	ssyncset.done $0x0  }
0x216: {  	[sflag:s1] =	ssyncadd.s32 $0xFFFFF540  }
0x217: {  	_ =	swait.ge [sflag:s1], $0xAC0  }
0x218: {  	[sflag:s1] =	ssyncset.done $0x0  }
0x219: {  	[sflag:s1] =	ssyncadd.s32 $0xFFFFF540  }
0x21a: {  	_ =	swait.ge [sflag:s1], $0xAC0  }
0x21b: {  	[sflag:s1] =	ssyncset.done $0x0  }
0x21c: {  	[sflag:s1] =	ssyncadd.s32 $0xFFFFF540  }
0x21d: {  	_ =	swait.ge [sflag:s1], $0xAC0  }
0x21e: {  	[sflag:s1] =	ssyncset.done $0x0  }
0x21f: {  	s12 =	simm.s32 $0x4CB0;
	[sflag:s1] =	ssyncadd.s32 $0xFFFFF540  }
0x220: {  	v2 =	vld [tilespmem:s12+$0x0]  }
0x221: {  	s2 =	simm.s32 $0x330;
	v3 =	vld [tilespmem:s12+$0xFFFFFFE0]  }
0x222: {  	v4 =	vld [tilespmem:s2+$0x0]  }
0x223: {  	v5 =	vld [tilespmem:s12+$0xFFFFFFF0]  }
0x224: {  	v6 =	vld [tilespmem:s12+$0xFFFFFFD0]  }
0x225: {  	v8 =	vld [tilespmem:s2+$0xFFFFFFE0];
	_ =	sdelay $0x1  }
0x226: {  	v7 =	vld [tilespmem:s2+$0xFFFFFFD0]  }
0x227: {  	v10 =	vld [tilespmem:s2+$0xFFFFFFF0]  }
0x228: {  	[tilespmem:v2+s29+$0x0] =	vst.idx.add.f32.msk $0xffff, v4  }
0x229: {  	s12 =	simm.s32 $0x1BB0;
	[tilespmem:v3+s29+$0x0] =	vst.idx.add.f32.msk $0xffff, v8  }
0x22a: {  	v4 =	vadd.s32 $0x240, v2;
	v9 =	vld [tilespmem:s12+$0x0]  }
0x22b: {  	[tilespmem:v6+s29+$0x0] =	vst.idx.add.f32.msk $0xffff, v7  }
0x22c: {  	[tilespmem:v5+s29+$0x0] =	vst.idx.add.f32.msk $0xffff, v10  }
0x22d: {  	v8 =	vadd.s32 $0x240, v6;
	v61 =	vld [tilespmem:s12+$0xFFFFFFD0]  }
0x22e: {  	v11 =	vadd.s32 $0x240, v3;
	v62 =	vld [tilespmem:s12+$0xFFFFFFE0]  }
0x22f: {  	s13 =	simm.s32 $0x3430;
	[tilespmem:v4+s29+$0x0] =	vst.idx.add.f32.msk $0xffff, v9  }
0x230: {  	v7 =	vadd.s32 $0x480, v2;
	v4 =	vld [tilespmem:s13+$0x0]  }
0x231: {  	v13 =	vadd.s32 $0x240, v5;
	v12 =	vld [tilespmem:s12+$0xFFFFFFF0]  }
0x232: {  	[tilespmem:v8+s29+$0x0] =	vst.idx.add.f32.msk $0xffff, v61  }
0x233: {  	[tilespmem:v11+s29+$0x0] =	vst.idx.add.f32.msk $0xffff, v62  }
0x234: {  	v2 =	vadd.s32 $0x6C0, v2;
	v8 =	vld [tilespmem:s13+$0xFFFFFFD0]  }
0x235: {  	[tilespmem:v7+s29+$0x0] =	vst.idx.add.f32.msk $0xffff, v4;
	v4 =	vadd.s32 $0x480, v6  }
0x236: {  	v63 =	vadd.s32 $0x6C0, v6;
	[tilespmem:v13+s29+$0x0] =	vst.idx.add.f32.msk $0xffff, v12  }
0x237: {  	v7 =	vld [tilespmem:s13+$0xFFFFFFF0]  }
0x238: {  	v6 =	vld [tilespmem:s13+$0xFFFFFFE0]  }
0x239: {  	[tilespmem:v2+s29+$0x0] =	vst.idx.add.f32.msk $0xffff, v56  }
0x23a: {  	v2 =	vadd.s32 $0x480, v3;
	[tilespmem:v4+s29+$0x0] =	vst.idx.add.f32.msk $0xffff, v8  }
0x23b: {  	s14 =	simm.s32 $0x300;
	s15 =	simm.s32 $0x4CF0;
	v3 =	vadd.s32 $0x6C0, v3;
	v4 =	vadd.s32 $0x480, v5;
	v5 =	vadd.s32 $0x6C0, v5;
	[tilespmem:v63+s29+$0x0] =	vst.idx.add.f32.msk $0xffff, v56  }
.LBB2_7:
0x23c: {  	v8 =	vld [tilespmem:s15+$0x0];
	v9 =	vmov v7  }
0x23d: {  	s14 =	sadd.s32 $0x40, s14;
	v7 =	vld [tilespmem:s15+$0xFFFFFFE0]  }
0x23e: {  	s2 =	sadd.s32 $0x40, s2;
	p1 =	slt.u32 s14, $0xD80;
	v10 =	vld [tilespmem:s15+$0xFFFFFFF0]  }
0x23f: {  	v11 =	vld [tilespmem:s2+$0x0]  }
0x240: {  	v12 =	vld [tilespmem:s15+$0xFFFFFFD0]  }
0x241: {  	v13 =	vld [tilespmem:s2+$0xFFFFFFD0]  }
0x242: {  	v14 =	vld [tilespmem:s2+$0xFFFFFFE0];
	v15 =	vadd.s32 $0x240, v7;
	v16 =	vadd.s32 $0x480, v7;
	v17 =	vadd.s32 $0x6C0, v7  }
0x243: {  	v18 =	vld [tilespmem:s2+$0xFFFFFFF0];
	v19 =	vadd.s32 $0x240, v10;
	v20 =	vadd.s32 $0x480, v10;
	v21 =	vadd.s32 $0x6C0, v10  }
0x244: {  	s12 =	sadd.s32 $0x40, s12;
	[tilespmem:v8+s29+$0x0] =	vst.idx.add.f32.msk $0xffff, v11  }
0x245: {  	v23 =	vadd.s32 $0x240, v8;
	v11 =	vadd.s32 $0x240, v12;
	v22 =	vadd.s32 $0x480, v12;
	v24 =	vld [tilespmem:s12+$0x0]  }
0x246: {  	v25 =	vadd.s32 $0x6C0, v12;
	[tilespmem:v2+s29+$0x0] =	vst.idx.add.f32.msk $0xffff, v6;
	v2 =	vmov v16  }
0x247: {  	[tilespmem:v7+s29+$0x0] =	vst.idx.add.f32.msk $0xffff, v14  }
0x248: {  	[tilespmem:v12+s29+$0x0] =	vst.idx.add.f32.msk $0xffff, v13  }
0x249: {  	[tilespmem:v10+s29+$0x0] =	vst.idx.add.f32.msk $0xffff, v18  }
0x24a: {  	s13 =	sadd.s32 $0x40, s13;
	[tilespmem:v23+s29+$0x0] =	vst.idx.add.f32.msk $0xffff, v24  }
0x24b: {  	v7 =	vadd.s32 $0x480, v8;
	v6 =	vld [tilespmem:s13+$0x0]  }
0x24c: {  	v8 =	vadd.s32 $0x6C0, v8;
	v10 =	vld [tilespmem:s12+$0xFFFFFFD0]  }
0x24d: {  	v12 =	vld [tilespmem:s12+$0xFFFFFFE0]  }
0x24e: {  	v13 =	vld [tilespmem:s12+$0xFFFFFFF0]  }
0x24f: {  	[tilespmem:v3+s29+$0x0] =	vst.idx.add.f32.msk $0xffff, v56;
	v3 =	vmov v17  }
0x250: {  	[tilespmem:v7+s29+$0x0] =	vst.idx.add.f32.msk $0xffff, v6  }
0x251: {  	[tilespmem:v8+s29+$0x0] =	vst.idx.add.f32.msk $0xffff, v56  }
0x252: {  	[tilespmem:v11+s29+$0x0] =	vst.idx.add.f32.msk $0xffff, v10  }
0x253: {  	[tilespmem:v15+s29+$0x0] =	vst.idx.add.f32.msk $0xffff, v12  }
0x254: {  	[tilespmem:v19+s29+$0x0] =	vst.idx.add.f32.msk $0xffff, v13  }
0x255: {  	v8 =	vld [tilespmem:s13+$0xFFFFFFD0]  }
0x256: {  	v6 =	vld [tilespmem:s13+$0xFFFFFFE0]  }
.Ltmp10:
0x257: {  	v7 =	vld [tilespmem:s13+$0xFFFFFFF0];
	(pc) =	sbr.rel @p1 .LBB2_7-.Ltmp10, $4  }
0x258: {  	[tilespmem:v4+s29+$0x0] =	vst.idx.add.f32.msk $0xffff, v9;
	v4 =	vmov v20  }
0x259: {  	[tilespmem:v5+s29+$0x0] =	vst.idx.add.f32.msk $0xffff, v56;
	v5 =	vmov v21  }
0x25a: {  	[tilespmem:v22+s29+$0x0] =	vst.idx.add.f32.msk $0xffff, v8  }
0x25b: {  	s15 =	sadd.s32 $0x40, s15;
	[tilespmem:v25+s29+$0x0] =	vst.idx.add.f32.msk $0xffff, v56  }
0x25c: {  	_ =	sdelay $0x3  }
0x25d: {  	[tilespmem:v2+s29+$0x0] =	vst.idx.add.f32.msk $0xffff, v6  }
0x25e: {  	[tilespmem:v4+s29+$0x0] =	vst.idx.add.f32.msk $0xffff, v7  }
0x25f: {  	[tilespmem:v3+s29+$0x0] =	vst.idx.add.f32.msk $0xffff, v56  }
0x260: {  	[tilespmem:v5+s29+$0x0] =	vst.idx.add.f32.msk $0xffff, v56  }
0x261: {  	_ =	swait.ge [sflag:s28], $0xAC0  }
0x262: {  	[sflag:s28] =	ssyncset.done $0x0  }
0x263: {  	[sflag:s28] =	ssyncadd.s32 $0xFFFFF540  }
0x264: {  	_ =	swait.ge [sflag:s28], $0xAC0  }
0x265: {  	[sflag:s28] =	ssyncset.done $0x0  }
0x266: {  	[sflag:s28] =	ssyncadd.s32 $0xFFFFF540  }
0x267: {  	_ =	swait.ge [sflag:s28], $0xAC0  }
0x268: {  	[sflag:s28] =	ssyncset.done $0x0  }
0x269: {  	[sflag:s28] =	ssyncadd.s32 $0xFFFFF540  }
0x26a: {  	_ =	swait.ge [sflag:s28], $0xAC0  }
0x26b: {  	[sflag:s28] =	ssyncset.done $0x0  }
0x26c: {  	s12 =	simm.s32 $0x5770;
	[sflag:s28] =	ssyncadd.s32 $0xFFFFF540  }
0x26d: {  	v2 =	vld [tilespmem:s12+$0x0]  }
0x26e: {  	s2 =	simm.s32 $0xDF0;
	v3 =	vld [tilespmem:s12+$0xFFFFFFE0]  }
0x26f: {  	v4 =	vld [tilespmem:s2+$0x0]  }
0x270: {  	v5 =	vld [tilespmem:s12+$0xFFFFFFF0]  }
0x271: {  	v6 =	vld [tilespmem:s12+$0xFFFFFFD0]  }
0x272: {  	v8 =	vld [tilespmem:s2+$0xFFFFFFE0];
	_ =	sdelay $0x1  }
0x273: {  	v7 =	vld [tilespmem:s2+$0xFFFFFFD0]  }
0x274: {  	v10 =	vld [tilespmem:s2+$0xFFFFFFF0]  }
0x275: {  	[tilespmem:v2+s29+$0x0] =	vst.idx.add.f32.msk $0xffff, v4  }
0x276: {  	s12 =	simm.s32 $0x2670;
	[tilespmem:v3+s29+$0x0] =	vst.idx.add.f32.msk $0xffff, v8  }
0x277: {  	v4 =	vadd.s32 $0x240, v2;
	v9 =	vld [tilespmem:s12+$0x0]  }
0x278: {  	[tilespmem:v6+s29+$0x0] =	vst.idx.add.f32.msk $0xffff, v7  }
0x279: {  	[tilespmem:v5+s29+$0x0] =	vst.idx.add.f32.msk $0xffff, v10  }
0x27a: {  	v8 =	vadd.s32 $0x240, v6;
	v61 =	vld [tilespmem:s12+$0xFFFFFFD0]  }
0x27b: {  	v11 =	vadd.s32 $0x240, v3;
	v62 =	vld [tilespmem:s12+$0xFFFFFFE0]  }
0x27c: {  	s13 =	simm.s32 $0x3EF0;
	[tilespmem:v4+s29+$0x0] =	vst.idx.add.f32.msk $0xffff, v9  }
0x27d: {  	v7 =	vadd.s32 $0x480, v2;
	v4 =	vld [tilespmem:s13+$0x0]  }
0x27e: {  	v13 =	vadd.s32 $0x240, v5;
	v12 =	vld [tilespmem:s12+$0xFFFFFFF0]  }
0x27f: {  	[tilespmem:v8+s29+$0x0] =	vst.idx.add.f32.msk $0xffff, v61  }
0x280: {  	[tilespmem:v11+s29+$0x0] =	vst.idx.add.f32.msk $0xffff, v62  }
0x281: {  	v2 =	vadd.s32 $0x6C0, v2;
	v8 =	vld [tilespmem:s13+$0xFFFFFFD0]  }
0x282: {  	[tilespmem:v7+s29+$0x0] =	vst.idx.add.f32.msk $0xffff, v4;
	v4 =	vadd.s32 $0x480, v6  }
0x283: {  	v63 =	vadd.s32 $0x6C0, v6;
	[tilespmem:v13+s29+$0x0] =	vst.idx.add.f32.msk $0xffff, v12  }
0x284: {  	v7 =	vld [tilespmem:s13+$0xFFFFFFF0]  }
0x285: {  	v6 =	vld [tilespmem:s13+$0xFFFFFFE0]  }
0x286: {  	[tilespmem:v2+s29+$0x0] =	vst.idx.add.f32.msk $0xffff, v56  }
0x287: {  	v2 =	vadd.s32 $0x480, v3;
	[tilespmem:v4+s29+$0x0] =	vst.idx.add.f32.msk $0xffff, v8  }
0x288: {  	s14 =	simm.s32 $0xDC0;
	s15 =	simm.s32 $0x57B0;
	v3 =	vadd.s32 $0x6C0, v3;
	v4 =	vadd.s32 $0x480, v5;
	v5 =	vadd.s32 $0x6C0, v5;
	[tilespmem:v63+s29+$0x0] =	vst.idx.add.f32.msk $0xffff, v56  }
.LBB2_9:
0x289: {  	v8 =	vld [tilespmem:s15+$0x0];
	v9 =	vmov v7  }
0x28a: {  	s14 =	sadd.s32 $0x40, s14;
	v7 =	vld [tilespmem:s15+$0xFFFFFFE0]  }
0x28b: {  	s2 =	sadd.s32 $0x40, s2;
	p1 =	slt.u32 s14, $0x1840;
	v10 =	vld [tilespmem:s15+$0xFFFFFFF0]  }
0x28c: {  	v11 =	vld [tilespmem:s2+$0x0]  }
0x28d: {  	v12 =	vld [tilespmem:s15+$0xFFFFFFD0]  }
0x28e: {  	v13 =	vld [tilespmem:s2+$0xFFFFFFD0]  }
0x28f: {  	v14 =	vld [tilespmem:s2+$0xFFFFFFE0];
	v15 =	vadd.s32 $0x240, v7;
	v16 =	vadd.s32 $0x480, v7;
	v17 =	vadd.s32 $0x6C0, v7  }
0x290: {  	v18 =	vld [tilespmem:s2+$0xFFFFFFF0];
	v19 =	vadd.s32 $0x240, v10;
	v20 =	vadd.s32 $0x480, v10;
	v21 =	vadd.s32 $0x6C0, v10  }
0x291: {  	s12 =	sadd.s32 $0x40, s12;
	[tilespmem:v8+s29+$0x0] =	vst.idx.add.f32.msk $0xffff, v11  }
0x292: {  	v23 =	vadd.s32 $0x240, v8;
	v11 =	vadd.s32 $0x240, v12;
	v22 =	vadd.s32 $0x480, v12;
	v24 =	vld [tilespmem:s12+$0x0]  }
0x293: {  	v25 =	vadd.s32 $0x6C0, v12;
	[tilespmem:v2+s29+$0x0] =	vst.idx.add.f32.msk $0xffff, v6;
	v2 =	vmov v16  }
0x294: {  	[tilespmem:v7+s29+$0x0] =	vst.idx.add.f32.msk $0xffff, v14  }
0x295: {  	[tilespmem:v12+s29+$0x0] =	vst.idx.add.f32.msk $0xffff, v13  }
0x296: {  	[tilespmem:v10+s29+$0x0] =	vst.idx.add.f32.msk $0xffff, v18  }
0x297: {  	s13 =	sadd.s32 $0x40, s13;
	[tilespmem:v23+s29+$0x0] =	vst.idx.add.f32.msk $0xffff, v24  }
0x298: {  	v7 =	vadd.s32 $0x480, v8;
	v6 =	vld [tilespmem:s13+$0x0]  }
0x299: {  	v8 =	vadd.s32 $0x6C0, v8;
	v10 =	vld [tilespmem:s12+$0xFFFFFFD0]  }
0x29a: {  	v12 =	vld [tilespmem:s12+$0xFFFFFFE0]  }
0x29b: {  	v13 =	vld [tilespmem:s12+$0xFFFFFFF0]  }
0x29c: {  	[tilespmem:v3+s29+$0x0] =	vst.idx.add.f32.msk $0xffff, v56;
	v3 =	vmov v17  }
0x29d: {  	[tilespmem:v7+s29+$0x0] =	vst.idx.add.f32.msk $0xffff, v6  }
0x29e: {  	[tilespmem:v8+s29+$0x0] =	vst.idx.add.f32.msk $0xffff, v56  }
0x29f: {  	[tilespmem:v11+s29+$0x0] =	vst.idx.add.f32.msk $0xffff, v10  }
0x2a0: {  	[tilespmem:v15+s29+$0x0] =	vst.idx.add.f32.msk $0xffff, v12  }
0x2a1: {  	[tilespmem:v19+s29+$0x0] =	vst.idx.add.f32.msk $0xffff, v13  }
0x2a2: {  	v8 =	vld [tilespmem:s13+$0xFFFFFFD0]  }
0x2a3: {  	v6 =	vld [tilespmem:s13+$0xFFFFFFE0]  }
.Ltmp11:
0x2a4: {  	v7 =	vld [tilespmem:s13+$0xFFFFFFF0];
	(pc) =	sbr.rel @p1 .LBB2_9-.Ltmp11, $4  }
0x2a5: {  	[tilespmem:v4+s29+$0x0] =	vst.idx.add.f32.msk $0xffff, v9;
	v4 =	vmov v20  }
0x2a6: {  	[tilespmem:v5+s29+$0x0] =	vst.idx.add.f32.msk $0xffff, v56;
	v5 =	vmov v21  }
0x2a7: {  	[tilespmem:v22+s29+$0x0] =	vst.idx.add.f32.msk $0xffff, v8  }
0x2a8: {  	s15 =	sadd.s32 $0x40, s15;
	[tilespmem:v25+s29+$0x0] =	vst.idx.add.f32.msk $0xffff, v56  }
0x2a9: {  	_ =	sdelay $0x3  }
0x2aa: {  	[tilespmem:v2+s29+$0x0] =	vst.idx.add.f32.msk $0xffff, v6  }
0x2ab: {  	[tilespmem:v4+s29+$0x0] =	vst.idx.add.f32.msk $0xffff, v7  }
0x2ac: {  	[tilespmem:v3+s29+$0x0] =	vst.idx.add.f32.msk $0xffff, v56  }
0x2ad: {  	[tilespmem:v5+s29+$0x0] =	vst.idx.add.f32.msk $0xffff, v56  }
.LBB2_19:
0x2ae: {  	_ =	strace $0x90000048  }
0x2af: {  	_ =	strace $0x80000049  }
0x2b0: {  	[spmem:s20] =	stream.linear.scatter [tilespmem:s29], [sflag:$0x3], $0x900, $0x200038;
	[tilespmem:$0x8B10] =	vst v63  }
0x2b1: {  	_ =	swait.ge [sflag:s30], $0x900  }
0x2b2: {  	[sflag:s30] =	ssyncset.done $0x0  }
0x2b3: {  	[sflag:s30] =	ssyncadd.s32 $0xFFFFF700  }
0x2b4: {  	s2 =	simm.s32 $0x6B00;
	[bflag:$0x0] =	sbarrier.arrive $0xFFFF  }
0x2b5: {  	[tilespmem:s2], [sflag:$0x1] =	stream.linear.gather [spmem:s31], $0x90, $0x200038;
	[tilespmem:$0x8B10] =	vst v63  }
0x2b6: {  	s17 =	simm.s32 $0x6B90  }
0x2b7: {  	[tilespmem:s17], [sflag:$0x1] =	stream.linear.gather [spmem:s23], $0x90, $0x200038;
	[tilespmem:$0x8B10] =	vst v63  }
0x2b8: {  	s18 =	simm.s32 $0x6C20  }
0x2b9: {  	[tilespmem:s18], [sflag:$0x1] =	stream.linear.gather [spmem:s24], $0x90, $0x200038;
	[tilespmem:$0x8B10] =	vst v63  }
0x2ba: {  	s8 =	simm.s32 $0x6CB0  }
0x2bb: {  	[tilespmem:s8], [sflag:$0x1] =	stream.linear.gather [spmem:s25], $0x90, $0x200038;
	[tilespmem:$0x8B10] =	vst v63  }
0x2bc: {  	s12 =	simm.s32 $0x6D40  }
0x2bd: {  	[tilespmem:s12], [sflag:$0x1] =	stream.linear.gather [spmem:s26], $0x90, $0x200038;
	[tilespmem:$0x8B10] =	vst v63  }
0x2be: {  	s13 =	simm.s32 $0x6DD0  }
0x2bf: {  	[tilespmem:s13], [sflag:$0x1] =	stream.linear.gather [spmem:s4], $0x90, $0x200038;
	[tilespmem:$0x8B10] =	vst v63  }
0x2c0: {  	s14 =	simm.s32 $0x6E60  }
0x2c1: {  	[tilespmem:s14], [sflag:$0x1] =	stream.linear.gather [spmem:s5], $0x90, $0x200038;
	[tilespmem:$0x8B10] =	vst v63  }
0x2c2: {  	s15 =	simm.s32 $0x6EF0  }
0x2c3: {  	[tilespmem:s15], [sflag:$0x1] =	stream.linear.gather [spmem:s6], $0x90, $0x200038;
	[tilespmem:$0x8B10] =	vst v63  }
0x2c4: {  	s16 =	simm.s32 $0x6F80;
	s17 =	sld [smem:$0x7F7]  }
0x2c5: {  	[tilespmem:s16], [sflag:$0x1] =	stream.linear.gather [spmem:s7], $0x90, $0x200038;
	[tilespmem:$0x8B10] =	vst v63  }
0x2c6: {  	s18 =	sld [smem:$0x7F8];
	s12 =	simm.s32 $0x7010  }
0x2c7: {  	[tilespmem:s12], [sflag:$0x1] =	stream.linear.gather [spmem:s17], $0x90, $0x200038;
	[tilespmem:$0x8B10] =	vst v63  }
0x2c8: {  	s8 =	simm.s32 $0x70A0;
	s13 =	sld [smem:$0x7F9]  }
0x2c9: {  	[tilespmem:s8], [sflag:$0x1] =	stream.linear.gather [spmem:s18], $0x90, $0x200038;
	[tilespmem:$0x8B10] =	vst v63  }
0x2ca: {  	s14 =	simm.s32 $0x7130;
	s15 =	sld [smem:$0x7FA]  }
0x2cb: {  	[tilespmem:s14], [sflag:$0x1] =	stream.linear.gather [spmem:s13], $0x90, $0x200038;
	[tilespmem:$0x8B10] =	vst v63  }
0x2cc: {  	s16 =	simm.s32 $0x71C0;
	s17 =	sld [smem:$0x7FB]  }
0x2cd: {  	[tilespmem:s16], [sflag:$0x1] =	stream.linear.gather [spmem:s15], $0x90, $0x200038;
	[tilespmem:$0x8B10] =	vst v63  }
0x2ce: {  	s18 =	simm.s32 $0x7250;
	s13 =	sld [smem:$0x7FC]  }
0x2cf: {  	[tilespmem:s18], [sflag:$0x1] =	stream.linear.gather [spmem:s17], $0x90, $0x200038;
	[tilespmem:$0x8B10] =	vst v63  }
0x2d0: {  	s14 =	simm.s32 $0x72E0;
	s15 =	sld [smem:$0x7FD]  }
0x2d1: {  	[tilespmem:s14], [sflag:$0x1] =	stream.linear.gather [spmem:s13], $0x90, $0x200038;
	[tilespmem:$0x8B10] =	vst v63  }
0x2d2: {  	s16 =	simm.s32 $0x7370  }
0x2d3: {  	[tilespmem:s16], [sflag:$0x1] =	stream.linear.gather [spmem:s15], $0x90, $0x200038;
	[tilespmem:$0x8B10] =	vst v63  }
0x2d4: {  	_ =	swait.ge [sflag:s28], $0x90  }
0x2d5: {  	[sflag:s28] =	ssyncset.done $0x0  }
0x2d6: {  	[sflag:s28] =	ssyncadd.s32 $0xFFFFFF70  }
0x2d7: {  	_ =	swait.ge [sflag:s28], $0x90  }
0x2d8: {  	[sflag:s28] =	ssyncset.done $0x0  }
0x2d9: {  	[sflag:s28] =	ssyncadd.s32 $0xFFFFFF70  }
0x2da: {  	_ =	swait.ge [sflag:s28], $0x90  }
0x2db: {  	[sflag:s28] =	ssyncset.done $0x0  }
0x2dc: {  	[sflag:s28] =	ssyncadd.s32 $0xFFFFFF70  }
0x2dd: {  	_ =	swait.ge [sflag:s28], $0x90  }
0x2de: {  	[sflag:s28] =	ssyncset.done $0x0  }
0x2df: {  	[sflag:s28] =	ssyncadd.s32 $0xFFFFFF70  }
0x2e0: {  	_ =	swait.ge [sflag:s28], $0x90  }
0x2e1: {  	[sflag:s28] =	ssyncset.done $0x0  }
0x2e2: {  	[sflag:s28] =	ssyncadd.s32 $0xFFFFFF70  }
0x2e3: {  	_ =	swait.ge [sflag:s28], $0x90  }
0x2e4: {  	[sflag:s28] =	ssyncset.done $0x0  }
0x2e5: {  	[sflag:s28] =	ssyncadd.s32 $0xFFFFFF70  }
0x2e6: {  	_ =	swait.ge [sflag:s28], $0x90  }
0x2e7: {  	[sflag:s28] =	ssyncset.done $0x0  }
0x2e8: {  	[sflag:s28] =	ssyncadd.s32 $0xFFFFFF70  }
0x2e9: {  	_ =	swait.ge [sflag:s28], $0x90  }
0x2ea: {  	[sflag:s28] =	ssyncset.done $0x0  }
0x2eb: {  	[sflag:s28] =	ssyncadd.s32 $0xFFFFFF70  }
0x2ec: {  	_ =	swait.ge [sflag:s28], $0x90  }
0x2ed: {  	[sflag:s28] =	ssyncset.done $0x0  }
0x2ee: {  	[sflag:s28] =	ssyncadd.s32 $0xFFFFFF70  }
0x2ef: {  	_ =	swait.ge [sflag:s28], $0x90  }
0x2f0: {  	[sflag:s28] =	ssyncset.done $0x0  }
0x2f1: {  	[sflag:s28] =	ssyncadd.s32 $0xFFFFFF70  }
0x2f2: {  	_ =	swait.ge [sflag:s28], $0x90  }
0x2f3: {  	[sflag:s28] =	ssyncset.done $0x0  }
0x2f4: {  	[sflag:s28] =	ssyncadd.s32 $0xFFFFFF70  }
0x2f5: {  	_ =	swait.ge [sflag:s28], $0x90  }
0x2f6: {  	[sflag:s28] =	ssyncset.done $0x0  }
0x2f7: {  	[sflag:s28] =	ssyncadd.s32 $0xFFFFFF70  }
0x2f8: {  	_ =	swait.ge [sflag:s28], $0x90  }
0x2f9: {  	[sflag:s28] =	ssyncset.done $0x0  }
0x2fa: {  	[sflag:s28] =	ssyncadd.s32 $0xFFFFFF70  }
0x2fb: {  	_ =	swait.ge [sflag:s28], $0x90  }
0x2fc: {  	[sflag:s28] =	ssyncset.done $0x0  }
0x2fd: {  	[sflag:s28] =	ssyncadd.s32 $0xFFFFFF70  }
0x2fe: {  	_ =	swait.ge [sflag:s28], $0x90  }
0x2ff: {  	[sflag:s28] =	ssyncset.done $0x0  }
0x300: {  	[sflag:s28] =	ssyncadd.s32 $0xFFFFFF70  }
0x301: {  	_ =	swait.ge [sflag:s28], $0x90  }
0x302: {  	[sflag:s28] =	ssyncset.done $0x0  }
0x303: {  	[sflag:s28] =	ssyncadd.s32 $0xFFFFFF70  }
0x304: {  	v2 =	vld [tilespmem:s12+$0xFFFFFB80]  }
0x305: {  	v3 =	vld [tilespmem:s12+$0xFFFFFAF0];
	_ =	sdelay $0x1  }
0x306: {  	v4 =	vld [tilespmem:s12+$0xFFFFFC10];
	_ =	sdelay $0x1  }
0x307: {  	v5 =	vld [tilespmem:s12+$0xFFFFFCA0]  }
0x308: {  	v2 =	vadd.f32 v2, v3  }
0x309: {  	v3 =	vld [tilespmem:s12+$0xFFFFFD30]  }
0x30a: {  	v2 =	vadd.f32 v4, v2  }
0x30b: {  	v4 =	vld [tilespmem:s12+$0xFFFFFDC0]  }
0x30c: {  	v2 =	vadd.f32 v5, v2  }
0x30d: {  	v5 =	vld [tilespmem:s12+$0xFFFFFE50]  }
0x30e: {  	v2 =	vadd.f32 v3, v2  }
0x30f: {  	s17 =	simm.s32 $0x0;
	v3 =	vld [tilespmem:s12+$0xFFFFFEE0]  }
0x310: {  	s2 =	sand.u32 $0xF0, s17;
	v6 =	vld [tilespmem:s12+$0x0];
	v2 =	vadd.f32 v4, v2  }
0x311: {  	v4 =	vld [tilespmem:s2+$0x6F80];
	s2 =	simm.s32 $0x7020  }
0x312: {  	v7 =	vld [tilespmem:s2+$0xFFFFFB80];
	v2 =	vadd.f32 v5, v2  }
0x313: {  	v5 =	vld [tilespmem:s2+$0xFFFFFAF0]  }
0x314: {  	v8 =	vld [tilespmem:s12+$0x90];
	v2 =	vadd.f32 v3, v2  }
0x315: {  	v3 =	vld [tilespmem:s2+$0xFFFFFC10]  }
0x316: {  	v9 =	vld [tilespmem:s12+$0x120];
	v2 =	vadd.f32 v4, v2  }
0x317: {  	v4 =	vld [tilespmem:s2+$0xFFFFFCA0]  }
0x318: {  	v10 =	vld [tilespmem:s12+$0x1B0];
	v5 =	vadd.f32 v7, v5;
	v2 =	vadd.f32 v6, v2  }
0x319: {  	v6 =	vld [tilespmem:s2+$0xFFFFFD30]  }
0x31a: {  	v7 =	vld [tilespmem:s12+$0x240];
	v3 =	vadd.f32 v3, v5;
	v2 =	vadd.f32 v8, v2  }
0x31b: {  	v5 =	vld [tilespmem:s2+$0xFFFFFDC0]  }
0x31c: {  	v8 =	vld [tilespmem:s12+$0x2D0];
	v3 =	vadd.f32 v4, v3;
	v2 =	vadd.f32 v9, v2  }
0x31d: {  	v4 =	vld [tilespmem:s2+$0xFFFFFE50]  }
0x31e: {  	v9 =	vld [tilespmem:s12+$0x360];
	v3 =	vadd.f32 v6, v3;
	v6 =	vadd.f32 v10, v2  }
0x31f: {  	s18 =	simm.s32 $0x10;
	v10 =	vld [tilespmem:s2+$0xFFFFFEE0]  }
0x320: {  	s12 =	sand.u32 $0xF0, s18;
	v2 =	vld [tilespmem:s2+$0x0];
	v3 =	vadd.f32 v5, v3;
	v7 =	vadd.f32 v7, v6  }
0x321: {  	s13 =	simm.s32 $0x7030;
	v5 =	vld [tilespmem:s12+$0x6F80]  }
0x322: {  	v6 =	vld [tilespmem:s13+$0xFFFFFB80];
	v3 =	vadd.f32 v4, v3;
	v11 =	vadd.f32 v8, v7  }
0x323: {  	v8 =	vld [tilespmem:s13+$0xFFFFFAF0]  }
0x324: {  	v4 =	vld [tilespmem:s2+$0x90];
	v7 =	vadd.f32 v10, v3;
	v3 =	vadd.f32 v9, v11  }
0x325: {  	s14 =	simm.s32 $0x20;
	s15 =	simm.s32 $0x20;
	s12 =	simm.s32 $0x7400;
	v9 =	vld [tilespmem:s13+$0xFFFFFC10]  }
.LBB2_20:
0x326: {  	s15 =	sadd.s32 $0x10, s15;
	v5 =	vadd.f32 v5, v7;
	v7 =	vld [tilespmem:s2+$0x120];
	[tilespmem:s12+$0x0] =	vst v3;
	s12 =	sadd.s32 $0x10, s12  }
0x327: {  	p1 =	slt.u32 s15, $0x80;
	v3 =	vld [tilespmem:s13+$0xFFFFFCA0]  }
0x328: {  	v6 =	vadd.f32 v6, v8;
	v2 =	vadd.f32 v2, v5;
	v5 =	vld [tilespmem:s2+$0x1B0]  }
0x329: {  	v8 =	vld [tilespmem:s13+$0xFFFFFD30]  }
0x32a: {  	v6 =	vadd.f32 v9, v6;
	v2 =	vadd.f32 v4, v2;
	v4 =	vld [tilespmem:s2+$0x240]  }
0x32b: {  	v9 =	vld [tilespmem:s13+$0xFFFFFDC0]  }
0x32c: {  	v3 =	vadd.f32 v3, v6;
	v2 =	vadd.f32 v7, v2;
	v7 =	vld [tilespmem:s2+$0x2D0]  }
0x32d: {  	v10 =	vld [tilespmem:s13+$0xFFFFFE50]  }
0x32e: {  	v3 =	vadd.f32 v8, v3;
	v5 =	vadd.f32 v5, v2;
	v11 =	vld [tilespmem:s2+$0x360];
	s2 =	smov.u32 s13  }
0x32f: {  	v12 =	vld [tilespmem:s13+$0xFFFFFEE0]  }
0x330: {  	s16 =	sand.u32 $0xF0, s14;
	s14 =	smov.u32 s15;
	v3 =	vadd.f32 v9, v3;
	v2 =	vld [tilespmem:s13+$0x0];
	v4 =	vadd.f32 v4, v5  }
.Ltmp12:
0x331: {  	s13 =	sadd.s32 $0x10, s13;
	v5 =	vld [tilespmem:s16+$0x6F80];
	(pc) =	sbr.rel @p1 .LBB2_20-.Ltmp12, $4  }
0x332: {  	v6 =	vld [tilespmem:s13+$0xFFFFFB80];
	v3 =	vadd.f32 v10, v3;
	v9 =	vadd.f32 v7, v4  }
0x333: {  	v8 =	vld [tilespmem:s13+$0xFFFFFAF0]  }
0x334: {  	v7 =	vadd.f32 v12, v3;
	v4 =	vld [tilespmem:s2+$0x90];
	v3 =	vadd.f32 v11, v9  }
0x335: {  	v9 =	vld [tilespmem:s13+$0xFFFFFC10]  }
0x336: {  	_ = 	snop  }
0x337: {  	v10 =	vld [tilespmem:s13+$0xFFFFFCA0]  }
0x338: {  	v6 =	vadd.f32 v6, v8  }
0x339: {  	v8 =	vld [tilespmem:s13+$0xFFFFFD30]  }
0x33a: {  	v6 =	vadd.f32 v9, v6  }
0x33b: {  	v9 =	vld [tilespmem:s13+$0xFFFFFDC0]  }
0x33c: {  	v6 =	vadd.f32 v10, v6  }
0x33d: {  	v10 =	vld [tilespmem:s13+$0xFFFFFE50]  }
0x33e: {  	v6 =	vadd.f32 v8, v6  }
0x33f: {  	v8 =	vld [tilespmem:s13+$0xFFFFFEE0]  }
0x340: {  	s14 =	sand.u32 $0xF0, s14;
	v6 =	vadd.f32 v9, v6  }
0x341: {  	v9 =	vld [tilespmem:s14+$0x6F80]  }
0x342: {  	v6 =	vadd.f32 v10, v6  }
0x343: {  	v10 =	vld [tilespmem:s13+$0x0]  }
0x344: {  	v6 =	vadd.f32 v8, v6  }
0x345: {  	v5 =	vadd.f32 v5, v7;
	v7 =	vld [tilespmem:s13+$0x90]  }
0x346: {  	v8 =	vld [tilespmem:s2+$0x120];
	v6 =	vadd.f32 v9, v6  }
0x347: {  	v2 =	vadd.f32 v2, v5;
	v5 =	vld [tilespmem:s13+$0x120]  }
0x348: {  	v9 =	vld [tilespmem:s2+$0x1B0];
	v6 =	vadd.f32 v10, v6  }
0x349: {  	v2 =	vadd.f32 v4, v2;
	v4 =	vld [tilespmem:s13+$0x1B0]  }
0x34a: {  	v10 =	vld [tilespmem:s2+$0x240];
	v6 =	vadd.f32 v7, v6  }
0x34b: {  	v2 =	vadd.f32 v8, v2;
	v7 =	vld [tilespmem:s13+$0x240]  }
0x34c: {  	v8 =	vld [tilespmem:s2+$0x2D0];
	v5 =	vadd.f32 v5, v6  }
0x34d: {  	v2 =	vadd.f32 v9, v2;
	v6 =	vld [tilespmem:s13+$0x2D0]  }
0x34e: {  	v9 =	vld [tilespmem:s2+$0x360];
	v4 =	vadd.f32 v4, v5  }
0x34f: {  	v2 =	vadd.f32 v10, v2;
	v5 =	vld [tilespmem:s13+$0x360]  }
0x350: {  	v4 =	vadd.f32 v7, v4  }
0x351: {  	v2 =	vadd.f32 v8, v2  }
0x352: {  	v4 =	vadd.f32 v6, v4  }
0x353: {  	v2 =	vadd.f32 v9, v2  }
0x354: {  	[tilespmem:s12+$0x0] =	vst v3;
	s16 =	sadd.s32 $0x10, s12;
	v3 =	vadd.f32 v5, v4  }
0x355: {  	s2 =	sadd.s32 $0x10, s16;
	[tilespmem:s16+$0x0] =	vst v2  }
0x356: {  	s17 =	simm.s32 $0x7400;
	[tilespmem:s2+$0x0] =	vst v3  }
0x357: {  	[spmem:s21] =	stream.linear.scatter [tilespmem:s17], [sflag:$0x3], $0x90, $0x200038;
	[tilespmem:$0x8B10] =	vst v63  }
0x358: {  	_ =	swait.ge [sflag:s30], $0x90  }
0x359: {  	[sflag:s30] =	ssyncset.done $0x0  }
0x35a: {  	[sflag:s30] =	ssyncadd.s32 $0xFFFFFF70  }
0x35b: {  	s2 =	simm.s32 $0x6200;
	[bflag:$0x0] =	sbarrier.arrive $0xFFFF  }
0x35c: {  	[tilespmem:s2], [sflag:$0x3] =	stream.linear.gather [spmem:s19], $0x900, $0x200038;
	[tilespmem:$0x8B10] =	vst v63  }
0x35d: {  	_ =	swait.ge [sflag:s30], $0x900  }
0x35e: {  	[sflag:s30] =	ssyncset.done $0x0  }
0x35f: {  	[sflag:s30] =	ssyncadd.s32 $0xFFFFF700  }
0x360: {  	_ =	strace $0x90000049  }
0x361: {  	v2 =	vld [tilespmem:s2+$0x6C0];
	_ =	sdelay $0x4  }
0x362: {  	v2 =	vmax.f32 v2, $1.000000000e+00  }
0x363: {  	v3 =	vld [tilespmem:s2+$0x6F0];
	(erf) = vrcp.f32 v2  }
0x364: {  	v4 =	vld [tilespmem:s2+$0x6E0]  }
0x365: {  	v5 =	vld [tilespmem:s2+$0x6D0]  }
0x366: {  	v6 =	vld [tilespmem:s2+$0x240]  }
0x367: {  	v7 =	vld [tilespmem:s2+$0x0]  }
0x368: {  	v10 =	vld [tilespmem:s2+$0x490];
	v3 =	vmax.f32 v3, $1.000000000e+00  }
0x369: {  	s12 =	simm.s32 $0x6240;
	v12 =	vld [tilespmem:s2+$0x270];
	v4 =	vmax.f32 v4, $1.000000000e+00;
	(erf) = vrcp.f32 v3  }
0x36a: {  	v8 =	vld [tilespmem:s12+$0x6C0];
	v3 =	vmax.f32 v5, $1.000000000e+00;
	(erf) = vrcp.f32 v4  }
0x36b: {  	v13 =	vld [tilespmem:s2+$0x4A0];
	(erf) = vrcp.f32 v3  }
0x36c: {  	v15 =	vld [tilespmem:s2+$0x250];
	v17 =	vpop (erf)  }
0x36d: {  	v9 =	vld [tilespmem:s12+$0x6F0];
	v4 =	vmul.f32 v6, v17  }
0x36e: {  	v3 =	vld [tilespmem:s2+$0x4B0];
	v6 =	vmul.f32 v17, v7  }
0x36f: {  	s18 =	simm.s32 $0x0;
	v5 =	vld [tilespmem:s2+$0x260];
	[tilespmem:s2+$0x240] =	vst v4  }
0x370: {  	s14 =	sand.u32 $0x3C0, s18;
	v7 =	vmax.f32 v8, $1.000000000e+00;
	[tilespmem:s2+$0x0] =	vst v6;
	v4 =	vld [tilespmem:s2+$0x10]  }
0x371: {  	v18 =	vld [tilespmem:s14+$0x6680]  }
0x372: {  	v8 =	vpop (erf);
	v6 =	vld [tilespmem:s2+$0x30]  }
0x373: {  	v2 =	vld [tilespmem:s2+$0x20];
	(erf) = vrcp.f32 v7;
	v3 =	vmul.f32 v3, v8;
	v7 =	vpop (erf)  }
0x374: {  	v11 =	vld [tilespmem:s12+$0x6E0];
	v19 =	vmul.f32 v12, v8;
	v16 =	vmul.f32 v13, v7;
	v12 =	vpop (erf)  }
0x375: {  	v14 =	vld [tilespmem:s12+$0x6D0];
	[tilespmem:s2+$0x4B0] =	vst v3;
	v13 =	vmul.f32 v5, v7;
	v15 =	vmul.f32 v15, v12  }
0x376: {  	s15 =	simm.s32 $0x40;
	s13 =	simm.s32 $0x6240;
	s16 =	simm.s32 $0x40;
	v3 =	vld [tilespmem:s12+$0x20];
	[tilespmem:s2+$0x270] =	vst v19;
	v10 =	vmul.f32 v10, v12;
	v5 =	vmul.f32 v18, v17  }
.LBB2_22:
0x377: {  	s16 =	sadd.s32 $0x40, s16;
	v17 =	vld [tilespmem:s12+$0x240];
	v4 =	vmul.f32 v12, v4;
	[tilespmem:s2+$0x4A0] =	vst v16;
	v6 =	vmul.f32 v8, v6  }
0x378: {  	v7 =	vmul.f32 v7, v2;
	p1 =	slt.u32 s16, $0x200;
	v8 =	vld [tilespmem:s12+$0x0];
	v9 =	vmax.f32 v9, $1.000000000e+00;
	[tilespmem:s2+$0x250] =	vst v15  }
0x379: {  	v18 =	vld [tilespmem:s12+$0x490];
	v0 =	vmax.f32 v11, $1.000000000e+00;
	(erf) = vrcp.f32 v9;
	[tilespmem:s2+$0x260] =	vst v13  }
0x37a: {  	v9 =	vmax.f32 v14, $1.000000000e+00;
	v13 =	vld [tilespmem:s12+$0x260];
	(erf) = vrcp.f32 v0;
	[tilespmem:s2+$0x30] =	vst v6  }
0x37b: {  	v12 =	vld [tilespmem:s12+$0x270];
	(erf) = vrcp.f32 v9;
	[tilespmem:s2+$0x490] =	vst v10;
	v2 =	vmov v3  }
0x37c: {  	s12 =	sadd.s32 $0x40, s12;
	v3 =	vld [tilespmem:s13+$0x4B0];
	v10 =	vpop (erf);
	[tilespmem:s2+$0x20] =	vst v7  }
0x37d: {  	v6 =	vld [tilespmem:s12+$0x6C0];
	v7 =	vmul.f32 v10, v8;
	v8 =	vmul.f32 v17, v10;
	[tilespmem:s14+$0x6680] =	vst v5  }
0x37e: {  	v5 =	vld [tilespmem:s13+$0x4A0];
	[tilespmem:s2+$0x10] =	vst v4;
	s2 =	smov.u32 s13;
	s13 =	smov.u32 s12  }
0x37f: {  	[tilespmem:s2+$0x240] =	vst v8;
	v15 =	vld [tilespmem:s2+$0x250]  }
0x380: {  	s14 =	sand.u32 $0x3C0, s15;
	s15 =	smov.u32 s16;
	[tilespmem:s2+$0x0] =	vst v7;
	v4 =	vld [tilespmem:s2+$0x10]  }
0x381: {  	v17 =	vld [tilespmem:s14+$0x6680]  }
.Ltmp13:
0x382: {  	v0 =	vmax.f32 v6, $1.000000000e+00;
	v6 =	vld [tilespmem:s2+$0x30];
	v8 =	vpop (erf);
	(pc) =	sbr.rel @p1 .LBB2_22-.Ltmp13, $4  }
0x383: {  	v9 =	vld [tilespmem:s12+$0x6F0];
	(erf) = vrcp.f32 v0;
	v3 =	vmul.f32 v3, v8;
	v7 =	vpop (erf)  }
0x384: {  	v19 =	vmul.f32 v12, v8;
	v11 =	vld [tilespmem:s12+$0x6E0];
	v16 =	vmul.f32 v5, v7;
	v12 =	vpop (erf)  }
0x385: {  	v13 =	vmul.f32 v13, v7;
	v14 =	vld [tilespmem:s12+$0x6D0];
	v15 =	vmul.f32 v15, v12;
	[tilespmem:s2+$0x4B0] =	vst v3  }
0x386: {  	v3 =	vld [tilespmem:s12+$0x20];
	v5 =	vmul.f32 v17, v10;
	v10 =	vmul.f32 v18, v12;
	[tilespmem:s2+$0x270] =	vst v19  }
0x387: {  	_ = 	snop  }
0x388: {  	v9 =	vmax.f32 v9, $1.000000000e+00  }
0x389: {  	(erf) = vrcp.f32 v9;
	_ =	sdelay $0x1  }
0x38a: {  	[tilespmem:s2+$0x4A0] =	vst v16;
	v41 =	vmax.f32 v11, $1.000000000e+00  }
0x38b: {  	v43 =	vld [tilespmem:s12+$0x240];
	[tilespmem:s2+$0x250] =	vst v15;
	(erf) = vrcp.f32 v41  }
0x38c: {  	v44 =	vld [tilespmem:s12+$0x0];
	[tilespmem:s2+$0x260] =	vst v13  }
0x38d: {  	v6 =	vmul.f32 v8, v6;
	v45 =	vld [tilespmem:s13+$0x4B0];
	[tilespmem:s2+$0x490] =	vst v10;
	v42 =	vmax.f32 v14, $1.000000000e+00  }
0x38e: {  	v2 =	vmul.f32 v7, v2;
	v46 =	vld [tilespmem:s12+$0x270];
	[tilespmem:s14+$0x6680] =	vst v5;
	(erf) = vrcp.f32 v42  }
0x38f: {  	v4 =	vmul.f32 v12, v4;
	v52 =	vld [tilespmem:s13+$0x30];
	[tilespmem:s2+$0x30] =	vst v6;
	v47 =	vpop (erf)  }
0x390: {  	v48 =	vld [tilespmem:s13+$0x4A0];
	[tilespmem:s2+$0x20] =	vst v2;
	v9 =	vmul.f32 v43, v47  }
0x391: {  	v50 =	vld [tilespmem:s12+$0x260];
	[tilespmem:s2+$0x10] =	vst v4;
	v8 =	vmul.f32 v47, v44;
	v51 =	vpop (erf)  }
0x392: {  	[tilespmem:s13+$0x240] =	vst v9;
	v6 =	vmul.f32 v45, v51  }
0x393: {  	v49 =	vld [tilespmem:s13+$0x250];
	[tilespmem:s13+$0x0] =	vst v8;
	v7 =	vmul.f32 v46, v51  }
0x394: {  	v53 =	vld [tilespmem:s12+$0x490];
	s18 =	sand.u32 $0x3C0, s15;
	v54 =	vpop (erf);
	v60 =	vmul.f32 v51, v52;
	[tilespmem:s13+$0x4B0] =	vst v6  }
0x395: {  	v58 =	vld [tilespmem:s18+$0x6680];
	v2 =	vmul.f32 v48, v54;
	[tilespmem:s13+$0x270] =	vst v7  }
0x396: {  	v59 =	vld [tilespmem:s13+$0x10];
	v11 =	vmul.f32 v50, v54;
	[tilespmem:s13+$0x30] =	vst v60  }
0x397: {  	v57 =	vpop (erf);
	v3 =	vmul.f32 v54, v3;
	[tilespmem:s13+$0x4A0] =	vst v2  }
0x398: {  	v5 =	vmul.f32 v49, v57;
	[tilespmem:s13+$0x260] =	vst v11  }
0x399: {  	v61 =	vmul.f32 v53, v57;
	[tilespmem:s13+$0x20] =	vst v3  }
.Ltmp14:
0x39a: {  	v62 =	vmul.f32 v58, v47;
	[tilespmem:s13+$0x250] =	vst v5;
	(pc) =	sbr.rel @!p0 .LBB2_24-.Ltmp14, $4  }
0x39b: {  	v63 =	vmul.f32 v57, v59;
	[tilespmem:s13+$0x490] =	vst v61  }
0x39c: {  	[tilespmem:s18+$0x6680] =	vst v62  }
0x39d: {  	[tilespmem:s13+$0x10] =	vst v63  }
0x39e: {  	s2 =	simm.s32 $0x7520;
	_ =	strace $0x8000004A  }
0x39f: {  	v0 =	vld [tilespmem:s9+$0xFFFFFFF0]  }
0x3a0: {  	v1 =	vld [tilespmem:s10+$0x0]  }
0x3a1: {  	v5 =	vld [tilespmem:s11+$0x20]  }
0x3a2: {  	v2 =	vld [tilespmem:s10+$0xFFFFFFE0]  }
0x3a3: {  	v3 =	vld [tilespmem:s11+$0x10]  }
0x3a4: {  	v7 =	vld [tilespmem:s10+$0xFFFFFFF0]  }
0x3a5: {  	v8 =	vld [tilespmem:s11+$0xFFFFFFF0]  }
0x3a6: {  	v13 =	vld [tilespmem:s9+$0x10]  }
0x3a7: {  	v15 =	vld [tilespmem:s9+$0xFFFFFFE0]  }
0x3a8: {  	v16 =	vld [tilespmem:s9+$0x0]  }
0x3a9: {  	v17 =	vld [tilespmem:s9+$0x20]  }
0x3aa: {  	v18 =	vld [tilespmem:s11+$0xFFFFFFE0]  }
0x3ab: {  	v27 =	vld [tilespmem:s10+$0x10]  }
0x3ac: {  	v29 =	vld [tilespmem:s10+$0x20];
	s12 =	sadd.s32 $0x50, s9  }
0x3ad: {  	v30 =	vld [tilespmem:s12+$0x10]  }
0x3ae: {  	v32 =	vld [tilespmem:s12+$0x0]  }
0x3af: {  	s14 =	sadd.s32 $0x50, s11;
	v50 =	vld [tilespmem:s12+$0x20]  }
0x3b0: {  	s8 =	sld [smem:$0x7F6];
	v59 =	vld [tilespmem:s14+$0xFFFFFFE0];
	s15 =	sadd.s32 $0x50, s12  }
0x3b1: {  	v41 =	vld [tilespmem:s15+$0xFFFFFFE0]  }
0x3b2: {  	v44 =	vld [tilespmem:s15+$0x0]  }
0x3b3: {  	v6 =	vld [tilespmem:s8+$0x20]  }
0x3b4: {  	v4 =	vld [tilespmem:s8+$0xFFFFFFF0]  }
0x3b5: {  	v9 =	vld [tilespmem:s8+$0xFFFFFFE0]  }
0x3b6: {  	v10 =	vld [tilespmem:s8+$0x10]  }
0x3b7: {  	v11 =	vld [tilespmem:s8+$0x0];
	v25 =	vadd.s32 $0x240, v13  }
0x3b8: {  	v12 =	vadd.s32 $0x480, v0;
	v14 =	vadd.s32 $0x240, v0;
	v22 =	vadd.s32 $0x240, v15;
	v0 =	vld.idx.msk [tilespmem:v0+s29+$0x0], $0xffff  }
0x3b9: {  	v21 =	vld.idx.msk [tilespmem:v13+s29+$0x0], $0xffff;
	v13 =	vadd.s32 $0x480, v13  }
0x3ba: {  	v20 =	vadd.s32 $0x480, v15;
	v15 =	vld.idx.msk [tilespmem:v15+s29+$0x0], $0xffff  }
0x3bb: {  	v23 =	vld.idx.msk [tilespmem:v16+s29+$0x0], $0xffff  }
0x3bc: {  	v19 =	vadd.s32 $0x240, v16;
	v25 =	vld.idx.msk [tilespmem:v25+s29+$0x0], $0xffff  }
0x3bd: {  	v22 =	vld.idx.msk [tilespmem:v22+s29+$0x0], $0xffff  }
0x3be: {  	v16 =	vadd.s32 $0x480, v16;
	v13 =	vld.idx.msk [tilespmem:v13+s29+$0x0], $0xffff  }
0x3bf: {  	v24 =	vadd.s32 $0x480, v17;
	v37 =	vadd.s32 $0x240, v30;
	v54 =	vadd.s32 $0x240, v32;
	v20 =	vld.idx.msk [tilespmem:v20+s29+$0x0], $0xffff  }
0x3c0: {  	v47 =	vadd.s32 $0x240, v41;
	v26 =	vld.idx.msk [tilespmem:v17+s29+$0x0], $0xffff;
	v0 =	vsub.f32 v4, v0;
	v4 =	vsub.f32 v10, v21  }
0x3c1: {  	v49 =	vadd.s32 $0x240, v44;
	v19 =	vld.idx.msk [tilespmem:v19+s29+$0x0], $0xffff;
	v9 =	vsub.f32 v9, v15;
	v10 =	vsub.f32 v27, v25  }
0x3c2: {  	v17 =	vadd.s32 $0x240, v17;
	v14 =	vld.idx.msk [tilespmem:v14+s29+$0x0], $0xffff;
	v11 =	vsub.f32 v11, v23;
	v15 =	vsub.f32 v2, v22  }
0x3c3: {  	v28 =	vld.idx.msk [tilespmem:v16+s29+$0x0], $0xffff;
	v16 =	vmul.f32 v4, v4;
	v10 =	vmul.f32 v10, v10;
	v3 =	vsub.f32 v3, v13  }
0x3c4: {  	v12 =	vld.idx.msk [tilespmem:v12+s29+$0x0], $0xffff;
	v9 =	vmul.f32 v9, v9;
	v15 =	vmul.f32 v15, v15;
	v13 =	vsub.f32 v18, v20  }
0x3c5: {  	s16 =	sadd.s32 $0x50, s8;
	v21 =	vld [tilespmem:s11+$0x0];
	v6 =	vsub.f32 v6, v26;
	v10 =	vadd.f32 v10, v16;
	v3 =	vmul.f32 v3, v3  }
0x3c6: {  	v34 =	vld [tilespmem:s16+$0x0];
	v1 =	vsub.f32 v1, v19;
	v9 =	vadd.f32 v15, v9;
	v13 =	vmul.f32 v13, v13  }
0x3c7: {  	v40 =	vld.idx.msk [tilespmem:v32+s29+$0x0], $0xffff;
	v32 =	vadd.s32 $0x480, v32;
	v7 =	vsub.f32 v7, v14;
	v14 =	vadd.f32 v3, v10  }
0x3c8: {  	v57 =	vld.idx.msk [tilespmem:v50+s29+$0x0], $0xffff;
	v0 =	vmul.f32 v0, v0;
	v1 =	vmul.f32 v1, v1;
	v16 =	vadd.f32 v13, v9  }
0x3c9: {  	v22 =	vld [tilespmem:s12+$0xFFFFFFF0];
	v3 =	vsub.f32 v8, v12;
	v9 =	vmul.f32 v11, v11;
	v11 =	vmax.f32 v14, $1.000000000e-30  }
0x3ca: {  	v24 =	vld.idx.msk [tilespmem:v24+s29+$0x0], $0xffff;
	v13 =	vsub.f32 v21, v28;
	v19 =	vmax.f32 v16, $1.000000000e-30;
	v15 =	vshrl.u32 v11, $0x1  }
0x3cb: {  	v17 =	vld.idx.msk [tilespmem:v17+s29+$0x0], $0xffff;
	v23 =	vmul.f32 $5.000000000e-01, v11;
	v25 =	vshrl.u32 v19, $0x1;
	v11 =	vmul.f32 $5.000000000e-01, v19  }
0x3cc: {  	v10 =	vld [tilespmem:s16+$0x20];
	v1 =	vadd.f32 v1, v9;
	v9 =	vmul.f32 v13, v13;
	v13 =	vsub.s32 $0x5F3759DF, v25  }
0x3cd: {  	s13 =	sadd.s32 $0x50, s10;
	v8 =	vld [tilespmem:s16+$0xFFFFFFF0];
	v27 =	vmul.f32 v3, v3;
	v28 =	vsub.s32 $0x5F3759DF, v15;
	v15 =	vmul.f32 v13, v11  }
0x3ce: {  	v12 =	vld [tilespmem:s13+$0xFFFFFFF0];
	v3 =	vadd.f32 v9, v1;
	v1 =	vadd.s32 $0x480, v22;
	v31 =	vmul.f32 v28, v23  }
0x3cf: {  	v6 =	vmul.f32 v6, v6;
	v26 =	vadd.s32 $0x240, v22;
	v9 =	vld [tilespmem:s12+$0xFFFFFFE0];
	v15 =	vmul.f32 v13, v15  }
0x3d0: {  	v5 =	vsub.f32 v5, v24;
	v7 =	vmul.f32 v7, v7;
	v21 =	vld [tilespmem:s14+$0xFFFFFFF0];
	v31 =	vmul.f32 v28, v31  }
0x3d1: {  	v17 =	vsub.f32 v29, v17;
	v22 =	vld.idx.msk [tilespmem:v22+s29+$0x0], $0xffff;
	v33 =	vmax.f32 v3, $1.000000000e-30;
	v36 =	vsub.f32 $1.500000000e+00, v15  }
0x3d2: {  	v25 =	vld [tilespmem:s16+$0x10];
	v35 =	vshrl.u32 v33, $0x1;
	v15 =	vmul.f32 $5.000000000e-01, v33;
	v24 =	vsub.f32 $1.500000000e+00, v31  }
0x3d3: {  	v10 =	vsub.f32 v10, v57;
	v31 =	vsub.s32 $0x5F3759DF, v35;
	v1 =	vld.idx.msk [tilespmem:v1+s29+$0x0], $0xffff;
	v51 =	vmul.f32 v13, v36  }
0x3d4: {  	v0 =	vadd.f32 v7, v0;
	v52 =	vmul.f32 v31, v15;
	v7 =	vmul.f32 v28, v24;
	v24 =	vld.idx.msk [tilespmem:v26+s29+$0x0], $0xffff  }
0x3d5: {  	v10 =	vmul.f32 v10, v10;
	v39 =	vadd.s32 $0x240, v9;
	v13 =	vmul.f32 v5, v5;
	v28 =	vld.idx.msk [tilespmem:v30+s29+$0x0], $0xffff  }
0x3d6: {  	v19 =	vld [tilespmem:s16+$0xFFFFFFE0];
	v8 =	vsub.f32 v8, v22;
	v5 =	vmul.f32 v51, v11;
	v26 =	vmul.f32 v31, v52  }
0x3d7: {  	v30 =	vadd.s32 $0x480, v30;
	v53 =	vld.idx.msk [tilespmem:v9+s29+$0x0], $0xffff;
	v9 =	vadd.s32 $0x480, v9;
	v29 =	vmul.f32 v7, v23  }
0x3d8: {  	v18 =	vld [tilespmem:s13+$0xFFFFFFE0];
	v1 =	vsub.f32 v21, v1;
	v38 =	vmul.f32 v5, v51;
	v26 =	vsub.f32 $1.500000000e+00, v26  }
0x3d9: {  	v5 =	vadd.f32 v27, v0;
	v0 =	vmul.f32 v17, v17;
	v17 =	vmul.f32 v29, v7;
	v27 =	vld.idx.msk [tilespmem:v37+s29+$0x0], $0xffff  }
0x3da: {  	v12 =	vsub.f32 v12, v24;
	v22 =	vsub.f32 v25, v28;
	v26 =	vmul.f32 v31, v26;
	v31 =	vld [tilespmem:s13+$0x10]  }
0x3db: {  	v20 =	vld [tilespmem:s14+$0x10];
	v33 =	vadd.s32 $0x240, v50;
	v29 =	vsub.f32 $1.500000000e+00, v38;
	v0 =	vadd.f32 v0, v6  }
0x3dc: {  	v30 =	vld.idx.msk [tilespmem:v30+s29+$0x0], $0xffff;
	v1 =	vmul.f32 v1, v1;
	v6 =	vsub.f32 $1.500000000e+00, v17;
	v19 =	vsub.f32 v19, v53  }
0x3dd: {  	v24 =	vld.idx.msk [tilespmem:v39+s29+$0x0], $0xffff;
	v42 =	vmax.f32 v5, $1.000000000e-30;
	v12 =	vmul.f32 v12, v12;
	v22 =	vmul.f32 v22, v22  }
0x3de: {  	v2 =	vld [tilespmem:s13+$0x0];
	v17 =	vmul.f32 v29, v51;
	v29 =	vadd.s32 $0x480, v50;
	v58 =	vmul.f32 v26, v15  }
0x3df: {  	v9 =	vld.idx.msk [tilespmem:v9+s29+$0x0], $0xffff;
	v28 =	vmul.f32 v6, v7;
	v6 =	vsub.f32 v34, v40;
	v25 =	vsub.f32 v31, v27  }
0x3e0: {  	v19 =	vmul.f32 v19, v19;
	v13 =	vadd.f32 v13, v0;
	v51 =	vadd.s32 $0x480, v41;
	v27 =	vld.idx.msk [tilespmem:v54+s29+$0x0], $0xffff  }
0x3e1: {  	v21 =	vmul.f32 v58, v26;
	v20 =	vsub.f32 v20, v30;
	v25 =	vmul.f32 v25, v25  }
0x3e2: {  	v4 =	vld [tilespmem:s14+$0x20];
	v18 =	vsub.f32 v18, v24;
	v23 =	vmul.f32 v28, v23;
	v30 =	vmul.f32 v8, v8  }
0x3e3: {  	v58 =	vmul.f32 v17, v11;
	v20 =	vmul.f32 v20, v20;
	v7 =	vld.idx.msk [tilespmem:v29+s29+$0x0], $0xffff;
	v22 =	vadd.f32 v25, v22  }
0x3e4: {  	v9 =	vsub.f32 v59, v9;
	v18 =	vmul.f32 v18, v18;
	v21 =	vsub.f32 $1.500000000e+00, v21;
	v29 =	vld.idx.msk [tilespmem:v33+s29+$0x0], $0xffff  }
0x3e5: {  	v23 =	vmul.f32 v23, v28;
	v25 =	vld [tilespmem:s13+$0x20];
	v8 =	vsub.f32 v2, v27;
	v2 =	vadd.f32 v20, v22  }
0x3e6: {  	v24 =	vld.idx.msk [tilespmem:v32+s29+$0x0], $0xffff;
	v20 =	vmul.f32 v6, v6;
	v6 =	vmul.f32 v9, v9;
	v9 =	vadd.f32 v18, v19  }
0x3e7: {  	v12 =	vadd.f32 v12, v30;
	v37 =	vmul.f32 v21, v26;
	v23 =	vsub.f32 $1.500000000e+00, v23;
	v27 =	vld [tilespmem:s14+$0x0]  }
0x3e8: {  	s12 =	sadd.s32 $0x50, s13;
	v4 =	vsub.f32 v4, v7;
	v7 =	vmax.f32 v2, $1.000000000e-30;
	v6 =	vadd.f32 v6, v9  }
0x3e9: {  	v62 =	vld [tilespmem:s12+$0xFFFFFFF0];
	v15 =	vmul.f32 v37, v15;
	v8 =	vmul.f32 v8, v8;
	v18 =	vshrl.u32 v7, $0x1  }
0x3ea: {  	v54 =	vld [tilespmem:s15+$0x10];
	v9 =	vmul.f32 v4, v4;
	v4 =	vsub.f32 v25, v29;
	v25 =	vmax.f32 v6, $1.000000000e-30  }
0x3eb: {  	v41 =	vld.idx.msk [tilespmem:v41+s29+$0x0], $0xffff;
	v20 =	vadd.f32 v8, v20;
	v29 =	vshrl.u32 v25, $0x1;
	v8 =	vmul.f32 $5.000000000e-01, v25  }
0x3ec: {  	v30 =	vld [tilespmem:s12+$0xFFFFFFE0];
	v19 =	vmul.f32 $5.000000000e-01, v7;
	v7 =	vsub.f32 v27, v24;
	v29 =	vsub.s32 $0x5F3759DF, v29  }
0x3ed: {  	s13 =	sadd.s32 $0x50, s14;
	v40 =	vmul.f32 v23, v28;
	v18 =	vsub.s32 $0x5F3759DF, v18;
	v24 =	vld [tilespmem:s15+$0xFFFFFFF0];
	v31 =	vmul.f32 v29, v8  }
0x3ee: {  	v50 =	vadd.s32 $0x480, v44;
	v63 =	vld [tilespmem:s13+$0xFFFFFFF0];
	v22 =	vmul.f32 v18, v19;
	v7 =	vmul.f32 v7, v7  }
0x3ef: {  	v23 =	vld [tilespmem:s15+$0x20];
	v45 =	vadd.s32 $0x240, v54;
	v46 =	vadd.s32 $0x480, v54;
	v31 =	vmul.f32 v29, v31  }
0x3f0: {  	s14 =	sadd.s32 $0x50, s16;
	v48 =	vld [tilespmem:s13+$0xFFFFFFE0];
	v60 =	vmul.f32 v4, v4;
	v22 =	vmul.f32 v18, v22;
	v7 =	vadd.f32 v7, v20  }
0x3f1: {  	v35 =	vld [tilespmem:s14+$0xFFFFFFE0];
	v43 =	vmul.f32 v15, v37;
	v4 =	vadd.f32 v1, v12;
	v31 =	vsub.f32 $1.500000000e+00, v31  }
0x3f2: {  	v26 =	vld [tilespmem:s14+$0x10];
	v12 =	vadd.f32 v60, v10;
	v22 =	vsub.f32 $1.500000000e+00, v22;
	v61 =	vmax.f32 v7, $1.000000000e-30  }
0x3f3: {  	v39 =	vld.idx.msk [tilespmem:v54+s29+$0x0], $0xffff;
	v10 =	vmul.f32 $5.000000000e-01, v61;
	v32 =	vshrl.u32 v61, $0x1;
	v29 =	vmul.f32 v29, v31  }
0x3f4: {  	v33 =	vsub.f32 $1.500000000e+00, v43;
	v1 =	vld [tilespmem:s14+$0xFFFFFFF0];
	v18 =	vmul.f32 v18, v22;
	v21 =	vsub.s32 $0x5F3759DF, v32  }
0x3f5: {  	v22 =	vadd.s32 $0x240, v24;
	v0 =	vld.idx.msk [tilespmem:v24+s29+$0x0], $0xffff;
	v53 =	vmul.f32 v21, v10;
	v57 =	vmul.f32 v29, v8  }
0x3f6: {  	v27 =	vld [tilespmem:s12+$0x0];
	v33 =	vmul.f32 v33, v37;
	v52 =	vmul.f32 v18, v19;
	v31 =	vadd.s32 $0x480, v24  }
0x3f7: {  	v25 =	vld [tilespmem:s13+$0x20];
	v24 =	vshrl.u32 v42, $0x1;
	v38 =	vmul.f32 v21, v53;
	v15 =	vmul.f32 v57, v29  }
0x3f8: {  	v39 =	vsub.f32 v26, v39;
	v20 =	vld [tilespmem:s14+$0x20];
	v42 =	vmul.f32 $5.000000000e-01, v42;
	v24 =	vsub.s32 $0x5F3759DF, v24  }
0x3f9: {  	v32 =	vld [tilespmem:s14+$0x0];
	v36 =	vmul.f32 v52, v18;
	v28 =	vsub.f32 $1.500000000e+00, v38;
	v11 =	vsub.f32 $1.500000000e+00, v15  }
0x3fa: {  	v22 =	vld.idx.msk [tilespmem:v22+s29+$0x0], $0xffff;
	v38 =	vmul.f32 v58, v17;
	v0 =	vsub.f32 v1, v0;
	v15 =	vmax.f32 v13, $1.000000000e-30  }
0x3fb: {  	v31 =	vld.idx.msk [tilespmem:v31+s29+$0x0], $0xffff;
	v53 =	vmul.f32 $5.000000000e-01, v15;
	v11 =	vmul.f32 v11, v29;
	v29 =	vshrl.u32 v15, $0x1  }
0x3fc: {  	v1 =	vld.idx.msk [tilespmem:v44+s29+$0x0], $0xffff;
	v15 =	vmul.f32 v21, v28;
	v21 =	vsub.f32 $1.500000000e+00, v38;
	v28 =	vsub.s32 $0x5F3759DF, v29  }
0x3fd: {  	v61 =	vld.idx.msk [tilespmem:v51+s29+$0x0], $0xffff;
	v52 =	vadd.s32 $0x240, v23;
	v36 =	vsub.f32 $1.500000000e+00, v36;
	v59 =	vmul.f32 v28, v53  }
0x3fe: {  	v29 =	vadd.s32 $0x480, v23;
	v23 =	vld.idx.msk [tilespmem:v23+s29+$0x0], $0xffff;
	v60 =	vmul.f32 v15, v10;
	v17 =	vmul.f32 v21, v17  }
0x3ff: {  	v0 =	vmul.f32 v0, v0;
	v21 =	vsub.f32 v62, v22;
	v22 =	vld.idx.msk [tilespmem:v49+s29+$0x0], $0xffff;
	v38 =	vmul.f32 v28, v59  }
0x400: {  	v31 =	vsub.f32 v63, v31;
	v62 =	vld.idx.msk [tilespmem:v47+s29+$0x0], $0xffff;
	v34 =	vmul.f32 v60, v15;
	v16 =	vmul.f32 v17, v16  }
0x401: {  	v51 =	vld [tilespmem:s12+$0x10];
	v1 =	vsub.f32 v32, v1;
	v63 =	vmul.f32 v21, v21;
	v21 =	vmul.f32 v24, v42  }
0x402: {  	v49 =	vld.idx.msk [tilespmem:v45+s29+$0x0], $0xffff;
	v17 =	vmul.f32 v36, v18;
	v31 =	vmul.f32 v31, v31;
	v18 =	vsub.f32 $1.500000000e+00, v38  }
0x403: {  	v59 =	vmul.f32 v39, v39;
	v29 =	vld.idx.msk [tilespmem:v29+s29+$0x0], $0xffff;
	v26 =	vmul.f32 v24, v21;
	v23 =	vsub.f32 v20, v23  }
0x404: {  	v21 =	vmul.f32 v17, v19;
	v19 =	vld [tilespmem:s13+$0x10];
	v20 =	vsub.f32 v27, v22;
	v18 =	vmul.f32 v28, v18  }
0x405: {  	v27 =	vld.idx.msk [tilespmem:v46+s29+$0x0], $0xffff;
	v30 =	vsub.f32 v30, v62;
	v22 =	vsub.f32 $1.500000000e+00, v26;
	v26 =	vmul.f32 v1, v1  }
0x406: {  	v35 =	vsub.f32 v35, v41;
	v28 =	vmul.f32 v20, v20;
	v1 =	vmul.f32 v18, v53  }
0x407: {  	v54 =	vsub.f32 v48, v61;
	v57 =	vld [tilespmem:s12+$0x20];
	v30 =	vmul.f32 v30, v30;
	v24 =	vmul.f32 v24, v22  }
0x408: {  	v60 =	vld.idx.msk [tilespmem:v50+s29+$0x0], $0xffff;
	v20 =	vsub.f32 v25, v29;
	v25 =	vsub.f32 v51, v49;
	v1 =	vmul.f32 v1, v18  }
0x409: {  	v0 =	vadd.f32 v63, v0;
	v22 =	vld.idx.msk [tilespmem:v52+s29+$0x0], $0xffff;
	v29 =	vmul.f32 v35, v35;
	v58 =	vmul.f32 v24, v42  }
0x40a: {  	v62 =	vld [tilespmem:s13+$0x0];
	v19 =	vsub.f32 v19, v27;
	v27 =	vmul.f32 v25, v25;
	v1 =	vsub.f32 $1.500000000e+00, v1  }
0x40b: {  	v25 =	vsub.f32 $1.500000000e+00, v34;
	v29 =	vadd.f32 v30, v29;
	v61 =	vmul.f32 v58, v24  }
0x40c: {  	v32 =	vmul.f32 v1, v18;
	v1 =	vadd.f32 v27, v59;
	v18 =	vmul.f32 v19, v19  }
0x40d: {  	v63 =	vmul.f32 v54, v54;
	v27 =	vsub.f32 $1.500000000e+00, v61;
	v19 =	vadd.f32 v31, v0  }
0x40e: {  	v20 =	vmul.f32 v20, v20;
	v0 =	vsub.f32 v57, v22;
	v22 =	vadd.f32 v18, v1  }
0x40f: {  	[tilespmem:s2+$0xFFFFFFE0] =	vst v16;
	v34 =	vsub.f32 v62, v60;
	v16 =	vadd.f32 v63, v29;
	v1 =	vmul.f32 v23, v23  }
0x410: {  	v31 =	vmul.f32 v27, v24;
	v24 =	vmul.f32 v32, v53;
	v18 =	vmax.f32 v22, $1.000000000e-30  }
0x411: {  	v0 =	vmul.f32 v0, v0;
	v23 =	vshrl.u32 v18, $0x1;
	v18 =	vmul.f32 $5.000000000e-01, v18  }
0x412: {  	s17 =	simm.s32 $0xA0;
	v35 =	vmul.f32 v31, v42;
	v30 =	vmul.f32 v24, v32;
	v27 =	vsub.s32 $0x5F3759DF, v23  }
0x413: {  	s18 =	sadd.s32 $0x50, s15;
	s16 =	simm.s32 $0x7570;
	s15 =	simm.s32 $0x75C0;
	v24 =	vmul.f32 v40, v14;
	v23 =	vadd.f32 v0, v1;
	v36 =	vmul.f32 v27, v18  }
.LBB2_28:
0x414: {  	v0 =	vld [tilespmem:s18+$0xFFFFFFF0];
	v1 =	vadd.f32 v28, v26;
	v29 =	vmul.f32 v34, v34;
	s14 =	sadd.s32 $0x50, s14;
	s12 =	sadd.s32 $0x50, s12;
	s13 =	sadd.s32 $0x50, s13;
	v28 =	vmul.f32 v35, v31;
	v14 =	vmovc v22  }
0x415: {  	s17 =	sadd.s32 $0x50, s17;
	v33 =	vmul.f32 v33, v3;
	v3 =	vmovc v7;
	v26 =	vld [tilespmem:s12+$0x0];
	v22 =	vmax.f32 v16, $1.000000000e-30;
	v34 =	vmul.f32 v27, v36;
	[tilespmem:s2+$0x10] =	vst v24  }
0x416: {  	p1 =	slt.u32 s17, $0xB40;
	v24 =	vld [tilespmem:s13+$0x20];
	v7 =	vshrl.u32 v22, $0x1;
	v35 =	vmul.f32 $5.000000000e-01, v22;
	v36 =	vsub.f32 $1.500000000e+00, v28  }
0x417: {  	v30 =	vsub.f32 $1.500000000e+00, v30;
	v28 =	vld [tilespmem:s12+$0xFFFFFFE0];
	v37 =	vsub.s32 $0x5F3759DF, v7;
	v34 =	vsub.f32 $1.500000000e+00, v34;
	[tilespmem:s2+$0x0] =	vst v33  }
0x418: {  	v7 =	vadd.f32 v29, v1;
	v22 =	vld [tilespmem:s13+$0x10];
	v33 =	vmul.f32 v37, v35;
	v1 =	vmul.f32 v36, v31  }
0x419: {  	v29 =	vmul.f32 v30, v32;
	v36 =	vadd.s32 $0x240, v0;
	v38 =	vadd.s32 $0x480, v0;
	v31 =	vld [tilespmem:s14+$0x20]  }
0x41a: {  	v32 =	vld [tilespmem:s14+$0xFFFFFFF0];
	v30 =	vmul.f32 v37, v33;
	v33 =	vmax.f32 v7, $1.000000000e-30;
	v1 =	vmul.f32 v1, v5;
	v5 =	vmovc v4;
	v4 =	vmovc v19  }
0x41b: {  	v34 =	vmul.f32 v27, v34;
	v13 =	vmul.f32 v29, v13;
	v19 =	vld [tilespmem:s12+$0xFFFFFFF0];
	v39 =	vshrl.u32 v33, $0x1  }
0x41c: {  	v40 =	vld [tilespmem:s13+$0xFFFFFFF0];
	v29 =	vsub.f32 $1.500000000e+00, v30;
	v39 =	vsub.s32 $0x5F3759DF, v39;
	v30 =	vmul.f32 $5.000000000e-01, v33;
	[tilespmem:s2+$0xFFFFFFF0] =	vst v1  }
0x41d: {  	v27 =	vmul.f32 v25, v15;
	v33 =	vmul.f32 v34, v18;
	v1 =	vld [tilespmem:s14+$0xFFFFFFE0];
	[tilespmem:s2+$0x20] =	vst v13;
	s2 =	smov.u32 s16;
	s16 =	smov.u32 s15  }
0x41e: {  	v13 =	vmul.f32 v21, v17;
	v25 =	vld [tilespmem:s14+$0x10];
	v15 =	vmul.f32 v37, v29  }
0x41f: {  	v29 =	vmul.f32 v39, v30;
	v37 =	vmul.f32 v27, v10;
	v10 =	vmov v30;
	v21 =	vld [tilespmem:s14+$0x0]  }
0x420: {  	v33 =	vmul.f32 v33, v34;
	v13 =	vsub.f32 $1.500000000e+00, v13;
	v41 =	vld [tilespmem:s18+$0x10];
	v30 =	vmul.f32 v15, v35  }
0x421: {  	v44 =	vmax.f32 v5, $1.000000000e-30;
	v43 =	vmul.f32 v39, v29;
	v37 =	vmul.f32 v37, v27;
	v42 =	vld [tilespmem:s18+$0xFFFFFFE0]  }
0x422: {  	v33 =	vsub.f32 $1.500000000e+00, v33;
	v29 =	vmul.f32 v13, v17;
	v45 =	vld [tilespmem:s18+$0x0];
	v30 =	vmul.f32 v30, v15  }
0x423: {  	v46 =	vmul.f32 v11, v8;
	v8 =	vmovc v35;
	v13 =	vadd.f32 v9, v12;
	v9 =	vmovc v20;
	v43 =	vsub.f32 $1.500000000e+00, v43;
	v17 =	vld [tilespmem:s18+$0x20]  }
0x424: {  	v35 =	vshrl.u32 v44, $0x1;
	v12 =	vmovc v23;
	v0 =	vld.idx.msk [tilespmem:v0+s29+$0x0], $0xffff;
	v20 =	vsub.f32 $1.500000000e+00, v30;
	v30 =	vmul.f32 $5.000000000e-01, v44  }
0x425: {  	v47 =	vmax.f32 v13, $1.000000000e-30;
	v23 =	vld.idx.msk [tilespmem:v38+s29+$0x0], $0xffff;
	v38 =	vadd.s32 $0x240, v41;
	v44 =	vadd.s32 $0x480, v41  }
0x426: {  	v49 =	vshrl.u32 v47, $0x1;
	v48 =	vadd.s32 $0x240, v42;
	v36 =	vld.idx.msk [tilespmem:v36+s29+$0x0], $0xffff;
	v20 =	vmul.f32 v20, v15  }
0x427: {  	v46 =	vmul.f32 v46, v11;
	v50 =	vld [tilespmem:s13+$0xFFFFFFE0];
	v51 =	vadd.s32 $0x240, v45;
	v52 =	vadd.s32 $0x480, v45  }
0x428: {  	v47 =	vmul.f32 $5.000000000e-01, v47;
	v53 =	vadd.s32 $0x480, v42;
	v41 =	vld.idx.msk [tilespmem:v41+s29+$0x0], $0xffff;
	v54 =	vadd.s32 $0x240, v17  }
0x429: {  	v15 =	vmul.f32 v39, v43;
	v39 =	vsub.f32 $1.500000000e+00, v46;
	v43 =	vsub.s32 $0x5F3759DF, v49;
	v42 =	vld.idx.msk [tilespmem:v42+s29+$0x0], $0xffff  }
0x42a: {  	v46 =	vmul.f32 v43, v47;
	v0 =	vsub.f32 v32, v0;
	v32 =	vld.idx.msk [tilespmem:v45+s29+$0x0], $0xffff;
	v45 =	vadd.s32 $0x480, v17  }
0x42b: {  	v39 =	vmul.f32 v39, v11;
	v23 =	vsub.f32 v40, v23;
	v40 =	vld.idx.msk [tilespmem:v17+s29+$0x0], $0xffff;
	v17 =	vmul.f32 v15, v10  }
0x42c: {  	v37 =	vsub.f32 $1.500000000e+00, v37;
	v11 =	vmovc v20;
	v46 =	vmul.f32 v43, v46;
	v19 =	vsub.f32 v19, v36;
	v36 =	vld.idx.msk [tilespmem:v51+s29+$0x0], $0xffff  }
0x42d: {  	v35 =	vsub.s32 $0x5F3759DF, v35;
	v39 =	vmul.f32 v39, v6;
	v6 =	vmovc v16;
	v20 =	vld.idx.msk [tilespmem:v53+s29+$0x0], $0xffff;
	v49 =	vmul.f32 v17, v15  }
0x42e: {  	v19 =	vmul.f32 v19, v19;
	v25 =	vsub.f32 v25, v41;
	v41 =	vmul.f32 v35, v30;
	v16 =	vld.idx.msk [tilespmem:v48+s29+$0x0], $0xffff  }
0x42f: {  	v17 =	vmul.f32 v33, v34;
	v33 =	vsub.f32 $1.500000000e+00, v46;
	v1 =	vsub.f32 v1, v42;
	v42 =	vld.idx.msk [tilespmem:v45+s29+$0x0], $0xffff;
	[tilespmem:s2+$0xFFFFFFE0] =	vst v39  }
0x430: {  	v23 =	vmul.f32 v23, v23;
	v32 =	vsub.f32 v21, v32;
	v34 =	vld.idx.msk [tilespmem:v38+s29+$0x0], $0xffff;
	v38 =	vmul.f32 v35, v41  }
0x431: {  	v21 =	vmul.f32 v17, v18;
	v18 =	vmul.f32 v43, v33;
	v31 =	vsub.f32 v31, v40;
	v39 =	vld [tilespmem:s12+$0x10]  }
0x432: {  	v0 =	vmul.f32 v0, v0;
	v33 =	vsub.f32 v26, v36;
	v36 =	vld.idx.msk [tilespmem:v44+s29+$0x0], $0xffff;
	v38 =	vsub.f32 $1.500000000e+00, v38  }
0x433: {  	v26 =	vmul.f32 v32, v32;
	v40 =	vsub.f32 v50, v20;
	v20 =	vmul.f32 v18, v47  }
0x434: {  	v16 =	vsub.f32 v28, v16;
	v28 =	vmul.f32 v33, v33;
	v41 =	vld.idx.msk [tilespmem:v52+s29+$0x0], $0xffff;
	v35 =	vmul.f32 v35, v38  }
0x435: {  	v0 =	vadd.f32 v19, v0;
	v19 =	vsub.f32 v24, v42;
	v24 =	vmul.f32 v20, v18;
	v33 =	vld.idx.msk [tilespmem:v54+s29+$0x0], $0xffff  }
0x436: {  	v1 =	vmul.f32 v1, v1;
	v32 =	vsub.f32 v39, v34;
	v34 =	vld [tilespmem:s12+$0x20];
	v38 =	vmul.f32 v35, v30  }
0x437: {  	v39 =	vmul.f32 v25, v25;
	v20 =	vmul.f32 v19, v19;
	v19 =	vsub.f32 $1.500000000e+00, v24  }
0x438: {  	v22 =	vsub.f32 v22, v36;
	v24 =	vmul.f32 v32, v32;
	v36 =	vmul.f32 v38, v35  }
0x439: {  	v16 =	vmul.f32 v16, v16;
	v25 =	vsub.f32 $1.500000000e+00, v49;
	v32 =	vmul.f32 v19, v18;
	v38 =	vld [tilespmem:s13+$0x0]  }
0x43a: {  	v22 =	vmul.f32 v22, v22;
	v18 =	vadd.f32 v24, v39;
	v24 =	vsub.f32 $1.500000000e+00, v36  }
0x43b: {  	v19 =	vadd.f32 v23, v0;
	v36 =	vmul.f32 v40, v40;
	v0 =	vsub.f32 v34, v33  }
0x43c: {  	v23 =	vmul.f32 v31, v31;
	v33 =	vmul.f32 v37, v27;
	v22 =	vadd.f32 v22, v18  }
.Ltmp15:
0x43d: {  	v1 =	vadd.f32 v16, v1;
	v31 =	vmul.f32 v24, v35;
	v0 =	vmul.f32 v0, v0;
	(pc) =	sbr.rel @p1 .LBB2_28-.Ltmp15, $4  }
0x43e: {  	v24 =	vmul.f32 v32, v47;
	v34 =	vsub.f32 v38, v41;
	v16 =	vmax.f32 v22, $1.000000000e-30  }
0x43f: {  	v35 =	vmul.f32 v31, v30;
	v27 =	vshrl.u32 v16, $0x1;
	v18 =	vmul.f32 $5.000000000e-01, v16  }
0x440: {  	v30 =	vmul.f32 v24, v32;
	v23 =	vadd.f32 v0, v23;
	v27 =	vsub.s32 $0x5F3759DF, v27  }
0x441: {  	s15 =	sadd.s32 $0x50, s15;
	s18 =	sadd.s32 $0x50, s18;
	v24 =	vmul.f32 v29, v2;
	v2 =	vmovc v14;
	v16 =	vadd.f32 v36, v1;
	v36 =	vmul.f32 v27, v18  }
0x442: {  	v0 =	vadd.f32 v28, v26;
	v1 =	vmul.f32 v35, v31;
	v14 =	vmul.f32 v34, v34  }
0x443: {  	v33 =	vmul.f32 v33, v3;
	v30 =	vsub.f32 $1.500000000e+00, v30;
	v9 =	vadd.f32 v9, v12  }
0x444: {  	v15 =	vmul.f32 v25, v15;
	v21 =	vmul.f32 v21, v17;
	v43 =	vmax.f32 v4, $1.000000000e-30  }
0x445: {  	v8 =	vmul.f32 v11, v8;
	v59 =	vmax.f32 v16, $1.000000000e-30;
	v60 =	vmul.f32 v27, v36  }
0x446: {  	v44 =	vshrl.u32 v43, $0x1;
	v29 =	vshrl.u32 v59, $0x1;
	v26 =	vmul.f32 $5.000000000e-01, v59  }
0x447: {  	v1 =	vsub.f32 $1.500000000e+00, v1;
	v3 =	vadd.f32 v14, v0;
	v32 =	vmul.f32 v30, v32  }
0x448: {  	v37 =	vmax.f32 v9, $1.000000000e-30;
	v10 =	vmul.f32 v15, v10;
	v34 =	vsub.s32 $0x5F3759DF, v44  }
0x449: {  	v8 =	vmul.f32 v8, v11;
	v21 =	vsub.f32 $1.500000000e+00, v21;
	v29 =	vsub.s32 $0x5F3759DF, v29  }
0x44a: {  	v63 =	vsub.f32 $1.500000000e+00, v60;
	v61 =	vmul.f32 v29, v26;
	v62 =	vmul.f32 v1, v31  }
0x44b: {  	v36 =	vmax.f32 v3, $1.000000000e-30;
	v10 =	vmul.f32 v10, v15;
	v46 =	vmul.f32 v21, v17  }
0x44c: {  	v38 =	vshrl.u32 v37, $0x1;
	v1 =	vmul.f32 v27, v63;
	v27 =	vmul.f32 $5.000000000e-01, v36  }
0x44d: {  	v8 =	vsub.f32 $1.500000000e+00, v8;
	v35 =	vmul.f32 v29, v61;
	v0 =	vmul.f32 v62, v5  }
0x44e: {  	v14 =	vsub.s32 $0x5F3759DF, v38;
	v5 =	vmul.f32 v32, v13;
	v13 =	vmul.f32 $5.000000000e-01, v37  }
0x44f: {  	v28 =	vshrl.u32 v36, $0x1;
	v32 =	vmul.f32 $5.000000000e-01, v43;
	v8 =	vmul.f32 v8, v11  }
0x450: {  	v28 =	vsub.s32 $0x5F3759DF, v28;
	v2 =	vmul.f32 v46, v2;
	v40 =	vmul.f32 v14, v13  }
0x451: {  	v39 =	vmul.f32 v1, v18;
	v41 =	vmul.f32 v28, v27;
	v12 =	vsub.f32 $1.500000000e+00, v35  }
0x452: {  	v10 =	vsub.f32 $1.500000000e+00, v10;
	v45 =	vmul.f32 v34, v32;
	v25 =	vmul.f32 v14, v40  }
0x453: {  	v6 =	vmul.f32 v8, v6;
	v12 =	vmul.f32 v29, v12  }
0x454: {  	v8 =	vadd.f32 v20, v23;
	v10 =	vmul.f32 v10, v15;
	v25 =	vsub.f32 $1.500000000e+00, v25  }
0x455: {  	v52 =	vmax.f32 v19, $1.000000000e-30;
	v30 =	vmul.f32 v39, v1;
	v42 =	vmul.f32 v12, v26  }
0x456: {  	v29 =	vmul.f32 v28, v41;
	v54 =	vmax.f32 v8, $1.000000000e-30;
	v14 =	vmul.f32 v14, v25  }
0x457: {  	v49 =	vsub.f32 $1.500000000e+00, v30;
	v31 =	vmul.f32 v42, v12;
	v25 =	vmul.f32 v34, v45  }
0x458: {  	v30 =	vmul.f32 $5.000000000e-01, v54;
	v29 =	vsub.f32 $1.500000000e+00, v29;
	v48 =	vmul.f32 v14, v13  }
0x459: {  	v1 =	vmul.f32 v49, v1;
	v31 =	vsub.f32 $1.500000000e+00, v31;
	v47 =	vsub.f32 $1.500000000e+00, v25  }
0x45a: {  	v53 =	vshrl.u32 v52, $0x1;
	v28 =	vmul.f32 v28, v29;
	v25 =	vmul.f32 v48, v14  }
0x45b: {  	v57 =	vshrl.u32 v54, $0x1;
	v12 =	vmul.f32 v31, v12;
	v21 =	vmul.f32 v34, v47  }
0x45c: {  	v31 =	vsub.s32 $0x5F3759DF, v57;
	v51 =	vsub.f32 $1.500000000e+00, v25;
	v25 =	vmul.f32 $5.000000000e-01, v52  }
0x45d: {  	v29 =	vsub.s32 $0x5F3759DF, v53;
	v36 =	vmul.f32 v1, v18;
	v59 =	vmul.f32 v31, v30  }
0x45e: {  	v50 =	vmul.f32 v21, v32;
	v58 =	vmul.f32 v29, v25  }
0x45f: {  	v61 =	vmul.f32 v28, v27;
	v11 =	vmul.f32 v31, v59  }
0x460: {  	v20 =	vmul.f32 v50, v21;
	v60 =	vmul.f32 v29, v58  }
0x461: {  	v7 =	vmul.f32 v10, v7;
	v46 =	vmul.f32 v36, v1;
	v11 =	vsub.f32 $1.500000000e+00, v11  }
0x462: {  	v35 =	vmul.f32 v61, v28;
	v20 =	vsub.f32 $1.500000000e+00, v20;
	v63 =	vsub.f32 $1.500000000e+00, v60  }
0x463: {  	v14 =	vmul.f32 v51, v14;
	v11 =	vmul.f32 v31, v11  }
0x464: {  	v62 =	vmul.f32 v20, v21;
	v20 =	vmul.f32 v29, v63  }
0x465: {  	v13 =	vmul.f32 v14, v13;
	v31 =	vmul.f32 v11, v30  }
0x466: {  	v44 =	vmul.f32 v12, v26;
	v29 =	vmul.f32 v20, v25  }
0x467: {  	[tilespmem:s2+$0xFFFFFFF0] =	vst v0;
	v0 =	vsub.f32 $1.500000000e+00, v46;
	v13 =	vmul.f32 v13, v14;
	v41 =	vmul.f32 v31, v11  }
0x468: {  	v21 =	vsub.f32 $1.500000000e+00, v35;
	v37 =	vmul.f32 v62, v32;
	v39 =	vmul.f32 v29, v20  }
0x469: {  	v0 =	vmul.f32 v0, v1;
	v40 =	vsub.f32 $1.500000000e+00, v13;
	v13 =	vsub.f32 $1.500000000e+00, v41  }
0x46a: {  	v42 =	vmul.f32 v21, v28;
	v23 =	vmul.f32 v37, v62;
	v43 =	vsub.f32 $1.500000000e+00, v39  }
0x46b: {  	v10 =	vmul.f32 v40, v14;
	v11 =	vmul.f32 v13, v11  }
0x46c: {  	[tilespmem:s2+$0x10] =	vst v24;
	v45 =	vmul.f32 v42, v27;
	v20 =	vmul.f32 v43, v20  }
0x46d: {  	[tilespmem:s2+$0x0] =	vst v33;
	v14 =	vmul.f32 v44, v12;
	v49 =	vmul.f32 v11, v30  }
0x46e: {  	[tilespmem:s2+$0x20] =	vst v5;
	v38 =	vsub.f32 $1.500000000e+00, v23;
	v48 =	vmul.f32 v45, v42;
	v47 =	vmul.f32 v20, v25  }
0x46f: {  	[tilespmem:s16+$0x10] =	vst v2;
	v0 =	vmul.f32 v0, v22;
	v14 =	vsub.f32 $1.500000000e+00, v14;
	v53 =	vmul.f32 v49, v11  }
0x470: {  	[tilespmem:s16+$0xFFFFFFE0] =	vst v6;
	v15 =	vmul.f32 v38, v62;
	v5 =	vsub.f32 $1.500000000e+00, v48;
	v51 =	vmul.f32 v47, v20  }
0x471: {  	[tilespmem:s16+$0x0] =	vst v7;
	v54 =	vmul.f32 v10, v9;
	v52 =	vmul.f32 v14, v12;
	v59 =	vsub.f32 $1.500000000e+00, v53  }
0x472: {  	[tilespmem:s15+$0x10] =	vst v0;
	v50 =	vmul.f32 v15, v4;
	v58 =	vmul.f32 v5, v42;
	v57 =	vsub.f32 $1.500000000e+00, v51  }
0x473: {  	[tilespmem:s16+$0x20] =	vst v54;
	v2 =	vmul.f32 v52, v16;
	v61 =	vmul.f32 v59, v11  }
0x474: {  	[tilespmem:s16+$0xFFFFFFF0] =	vst v50;
	v60 =	vmul.f32 v58, v3;
	v1 =	vmul.f32 v57, v20  }
0x475: {  	[tilespmem:s15+$0xFFFFFFE0] =	vst v2;
	v63 =	vmul.f32 v61, v8  }
0x476: {  	[tilespmem:s15+$0x0] =	vst v60;
	v62 =	vmul.f32 v1, v19  }
0x477: {  	[tilespmem:s15+$0x20] =	vst v63  }
0x478: {  	[tilespmem:s15+$0xFFFFFFF0] =	vst v62  }
.Ltmp16:
0x479: {  	s8 =	simm.s32 $0x7500;
	s2 =	rddreg [dreg:$0x1f];
	(pc) =	sbr.rel .LBB2_30-.Ltmp16, $4  }
0x47a: {  	[hbm4b:s2+s3] =	stream.linear.scatter [tilespmem:s8], [sflag:$0x3], $0xB90, $0x200038;
	[tilespmem:$0x8B10] =	vst v63  }
0x47b: {  	_ =	swait.ge [sflag:s30], $0xB90  }
0x47c: {  	[sflag:s30] =	ssyncset.done $0x0  }
0x47d: {  	[sflag:s30] =	ssyncadd.s32 $0xFFFFF470  }
.LBB2_24:
0x47e: {  	s13 =	sld [smem:$0x7F3]  }
0x47f: {  	s12 =	sld [smem:$0x7F2]  }
0x480: {  	s14 =	sld [smem:$0x7F4]  }
0x481: {  	s16 =	sld [smem:$0x7F5];
	v2 =	vld [tilespmem:s13+$0xFFFFFFE0]  }
0x482: {  	v3 =	vld [tilespmem:s12+$0xFFFFFFE0]  }
0x483: {  	v4 =	vld [tilespmem:s14+$0xFFFFFFE0]  }
0x484: {  	v5 =	vld [tilespmem:s16+$0x0]  }
0x485: {  	v6 =	vld [tilespmem:s12+$0x10]  }
0x486: {  	v8 =	vld [tilespmem:s16+$0xFFFFFFE0]  }
0x487: {  	v10 =	vld [tilespmem:s13+$0x10]  }
0x488: {  	v11 =	vld [tilespmem:s13+$0x0]  }
0x489: {  	v12 =	vld [tilespmem:s13+$0xFFFFFFF0]  }
0x48a: {  	v14 =	vld [tilespmem:s12+$0x0]  }
0x48b: {  	v17 =	vld [tilespmem:s16+$0x10]  }
0x48c: {  	v19 =	vld [tilespmem:s14+$0x10]  }
0x48d: {  	s8 =	smov.u32 s7;
	v22 =	vld [tilespmem:s14+$0x0]  }
0x48e: {  	s7 =	smov.u32 s6;
	s6 =	smov.u32 s5;
	s5 =	smov.u32 s4;
	v23 =	vld [tilespmem:s14+$0xFFFFFFF0]  }
0x48f: {  	s4 =	smov.u32 s31;
	s31 =	smov.u32 s26;
	s26 =	smov.u32 s25;
	v24 =	vld [tilespmem:s12+$0xFFFFFFF0]  }
0x490: {  	s25 =	smov.u32 s24;
	s24 =	smov.u32 s23;
	v25 =	vld [tilespmem:s16+$0xFFFFFFF0];
	s13 =	sadd.s32 $0x40, s13  }
0x491: {  	s23 =	smov.u32 s22;
	s22 =	smov.u32 s21;
	s15 =	sadd.s32 $0x40, s12;
	v26 =	vld [tilespmem:s13+$0xFFFFFFE0]  }
0x492: {  	s21 =	smov.u32 s20;
	s20 =	smov.u32 s19;
	s19 =	sadd.s32 $0x40, s16;
	v27 =	vld [tilespmem:s15+$0xFFFFFFE0]  }
0x493: {  	v29 =	vld [tilespmem:s19+$0xFFFFFFE0]  }
0x494: {  	s18 =	sadd.s32 $0x40, s14;
	v30 =	vld [tilespmem:s19+$0x10]  }
0x495: {  	v32 =	vld [tilespmem:s18+$0x0]  }
0x496: {  	v33 =	vld [tilespmem:s18+$0xFFFFFFF0];
	s12 =	sadd.s32 $0x40, s18  }
0x497: {  	v49 =	vld [tilespmem:s12+$0x0];
	v7 =	vadd.s32 $0x240, v2  }
0x498: {  	v9 =	vadd.s32 $0x480, v2;
	v2 =	vld.idx.msk [tilespmem:v2+s29+$0x0], $0xffff  }
0x499: {  	v13 =	vadd.s32 $0x240, v10;
	v15 =	vadd.s32 $0x480, v10;
	v10 =	vld.idx.msk [tilespmem:v10+s29+$0x0], $0xffff  }
0x49a: {  	v16 =	vadd.s32 $0x480, v11;
	v18 =	vadd.s32 $0x240, v11;
	v11 =	vld.idx.msk [tilespmem:v11+s29+$0x0], $0xffff  }
0x49b: {  	v20 =	vadd.s32 $0x240, v12;
	v21 =	vadd.s32 $0x480, v12;
	v12 =	vld.idx.msk [tilespmem:v12+s29+$0x0], $0xffff  }
0x49c: {  	v7 =	vld.idx.msk [tilespmem:v7+s29+$0x0], $0xffff  }
0x49d: {  	v9 =	vld.idx.msk [tilespmem:v9+s29+$0x0], $0xffff  }
0x49e: {  	v13 =	vld.idx.msk [tilespmem:v13+s29+$0x0], $0xffff  }
0x49f: {  	v15 =	vld.idx.msk [tilespmem:v15+s29+$0x0], $0xffff  }
0x4a0: {  	v16 =	vld.idx.msk [tilespmem:v16+s29+$0x0], $0xffff  }
0x4a1: {  	v18 =	vld.idx.msk [tilespmem:v18+s29+$0x0], $0xffff  }
0x4a2: {  	v20 =	vld.idx.msk [tilespmem:v20+s29+$0x0], $0xffff  }
0x4a3: {  	v21 =	vld.idx.msk [tilespmem:v21+s29+$0x0], $0xffff;
	v2 =	vsub.f32 v3, v2;
	v11 =	vsub.f32 v14, v11  }
0x4a4: {  	v14 =	vadd.s32 $0x240, v26;
	v6 =	vsub.f32 v6, v10;
	v3 =	vsub.f32 v4, v7;
	v7 =	vld [tilespmem:s18+$0xFFFFFFE0]  }
0x4a5: {  	v12 =	vsub.f32 v24, v12;
	v4 =	vsub.f32 v8, v9;
	v8 =	vld [tilespmem:s19+$0x0];
	v2 =	vmul.f32 v2, v2  }
0x4a6: {  	v9 =	vld [tilespmem:s15+$0x10];
	v18 =	vsub.f32 v22, v18;
	v5 =	vsub.f32 v5, v16;
	v10 =	vmul.f32 v11, v11  }
0x4a7: {  	v22 =	vld [tilespmem:s13+$0x10];
	v13 =	vsub.f32 v19, v13;
	v20 =	vsub.f32 v23, v20;
	v3 =	vmul.f32 v3, v3  }
0x4a8: {  	v11 =	vld [tilespmem:s13+$0x0];
	v15 =	vsub.f32 v17, v15;
	v21 =	vsub.f32 v25, v21;
	v25 =	vmul.f32 v12, v12  }
0x4a9: {  	v17 =	vld [tilespmem:s15+$0x0];
	v4 =	vmul.f32 v4, v4;
	v16 =	vmul.f32 v18, v18;
	v2 =	vadd.f32 v3, v2  }
0x4aa: {  	v5 =	vmul.f32 v5, v5;
	v13 =	vmul.f32 v13, v13;
	v14 =	vld.idx.msk [tilespmem:v14+s29+$0x0], $0xffff;
	v3 =	vadd.s32 $0x480, v26  }
0x4ab: {  	v18 =	vld.idx.msk [tilespmem:v26+s29+$0x0], $0xffff;
	v10 =	vadd.f32 v16, v10;
	v2 =	vadd.f32 v4, v2;
	v4 =	vmul.f32 v6, v6  }
0x4ac: {  	v15 =	vmul.f32 v15, v15;
	v23 =	vadd.s32 $0x240, v22;
	v24 =	vadd.s32 $0x480, v22;
	v6 =	vld [tilespmem:s13+$0xFFFFFFF0];
	s13 =	sadd.s32 $0x40, s13  }
0x4ad: {  	v5 =	vadd.f32 v5, v10;
	v60 =	vld [tilespmem:s13+$0x0];
	v16 =	vmax.f32 v2, $1.000000000e-30;
	v4 =	vadd.f32 v13, v4  }
0x4ae: {  	v36 =	vld [tilespmem:s13+$0xFFFFFFF0];
	v13 =	vmul.f32 v20, v20;
	v20 =	vadd.s32 $0x480, v11;
	v19 =	vshrl.u32 v16, $0x1  }
0x4af: {  	v22 =	vld.idx.msk [tilespmem:v22+s29+$0x0], $0xffff;
	v7 =	vsub.f32 v7, v14;
	v28 =	vmul.f32 $5.000000000e-01, v16;
	v12 =	vsub.s32 $0x5F3759DF, v19  }
0x4b0: {  	v3 =	vld.idx.msk [tilespmem:v3+s29+$0x0], $0xffff;
	v13 =	vadd.f32 v13, v25;
	v25 =	vmul.f32 v21, v21;
	v21 =	vadd.f32 v15, v4  }
0x4b1: {  	v16 =	vadd.s32 $0x240, v11;
	v11 =	vld.idx.msk [tilespmem:v11+s29+$0x0], $0xffff;
	v7 =	vmul.f32 v7, v7;
	v31 =	vmul.f32 v12, v28  }
0x4b2: {  	v19 =	vld [tilespmem:s18+$0x10];
	v4 =	vadd.f32 v25, v13;
	v10 =	vmax.f32 v21, $1.000000000e-30;
	v25 =	vadd.s32 $0x240, v6  }
0x4b3: {  	v23 =	vld.idx.msk [tilespmem:v23+s29+$0x0], $0xffff;
	v39 =	vadd.s32 $0x240, v60;
	v45 =	vadd.s32 $0x240, v36;
	v46 =	vadd.s32 $0x480, v36  }
0x4b4: {  	v13 =	vld.idx.msk [tilespmem:v20+s29+$0x0], $0xffff;
	v20 =	vshrl.u32 v10, $0x1;
	v15 =	vmul.f32 $5.000000000e-01, v10;
	v10 =	vsub.f32 v27, v18  }
0x4b5: {  	v24 =	vld.idx.msk [tilespmem:v24+s29+$0x0], $0xffff;
	v27 =	vadd.s32 $0x480, v6;
	v9 =	vsub.f32 v9, v22;
	v26 =	vmax.f32 v4, $1.000000000e-30  }
0x4b6: {  	v16 =	vld.idx.msk [tilespmem:v16+s29+$0x0], $0xffff;
	v20 =	vsub.s32 $0x5F3759DF, v20;
	v3 =	vsub.f32 v29, v3;
	v11 =	vsub.f32 v17, v11  }
0x4b7: {  	v6 =	vld.idx.msk [tilespmem:v6+s29+$0x0], $0xffff;
	v18 =	vshrl.u32 v26, $0x1;
	v14 =	vmul.f32 v10, v10;
	v26 =	vmul.f32 $5.000000000e-01, v26  }
0x4b8: {  	v29 =	vmul.f32 v20, v15;
	v17 =	vmul.f32 v11, v11;
	v11 =	vsub.f32 v19, v23;
	v19 =	vld [tilespmem:s13+$0xFFFFFFE0]  }
0x4b9: {  	v9 =	vmul.f32 v9, v9;
	v10 =	vsub.s32 $0x5F3759DF, v18;
	v18 =	vmul.f32 v12, v31;
	v22 =	vld.idx.msk [tilespmem:v25+s29+$0x0], $0xffff  }
0x4ba: {  	v3 =	vmul.f32 v3, v3;
	v7 =	vadd.f32 v7, v14;
	v14 =	vmul.f32 v20, v29;
	v39 =	vld.idx.msk [tilespmem:v39+s29+$0x0], $0xffff  }
0x4bb: {  	v25 =	vld.idx.msk [tilespmem:v27+s29+$0x0], $0xffff;
	v8 =	vsub.f32 v8, v13;
	v27 =	vmul.f32 v11, v11;
	v16 =	vsub.f32 v32, v16  }
0x4bc: {  	v31 =	vmax.f32 v5, $1.000000000e-30;
	v13 =	vld [tilespmem:s15+$0xFFFFFFF0];
	v3 =	vadd.f32 v3, v7;
	v14 =	vsub.f32 $1.500000000e+00, v14  }
0x4bd: {  	v18 =	vsub.f32 $1.500000000e+00, v18;
	v7 =	vld [tilespmem:s19+$0xFFFFFFF0];
	v8 =	vmul.f32 v8, v8;
	v9 =	vadd.f32 v27, v9  }
0x4be: {  	s14 =	sadd.s32 $0x40, s19;
	v34 =	vld [tilespmem:s12+$0xFFFFFFE0];
	v16 =	vmul.f32 v16, v16;
	v23 =	vmax.f32 v3, $1.000000000e-30;
	v20 =	vmul.f32 v20, v14  }
0x4bf: {  	v55 =	vld [tilespmem:s14+$0x10];
	s15 =	sadd.s32 $0x40, s15;
	v27 =	vadd.s32 $0x240, v19;
	v14 =	vshrl.u32 v23, $0x1;
	v22 =	vsub.f32 v33, v22  }
0x4c0: {  	v29 =	vld [tilespmem:s15+$0xFFFFFFE0];
	v11 =	vmul.f32 $5.000000000e-01, v23;
	v23 =	vsub.f32 v30, v24;
	v58 =	vsub.f32 v49, v39  }
0x4c1: {  	v40 =	vld [tilespmem:s15+$0x0];
	v6 =	vsub.f32 v13, v6;
	v14 =	vsub.s32 $0x5F3759DF, v14;
	v61 =	vmul.f32 v20, v15  }
0x4c2: {  	v30 =	vld [tilespmem:s13+$0x10];
	v22 =	vmul.f32 v22, v22;
	v7 =	vsub.f32 v7, v25;
	v23 =	vmul.f32 v23, v23  }
0x4c3: {  	v24 =	vld [tilespmem:s15+$0x10];
	v16 =	vadd.f32 v16, v17;
	v17 =	vmul.f32 v14, v11;
	v6 =	vmul.f32 v6, v6  }
0x4c4: {  	v33 =	vld.idx.msk [tilespmem:v60+s29+$0x0], $0xffff;
	v25 =	vadd.s32 $0x480, v19;
	v37 =	vmul.f32 v61, v20;
	v35 =	vmul.f32 v7, v7  }
0x4c5: {  	v19 =	vld.idx.msk [tilespmem:v19+s29+$0x0], $0xffff;
	v9 =	vadd.f32 v23, v9;
	v7 =	vadd.f32 v8, v16;
	v23 =	vmul.f32 v10, v26  }
0x4c6: {  	v16 =	vshrl.u32 v31, $0x1;
	v62 =	vld.idx.msk [tilespmem:v27+s29+$0x0], $0xffff;
	v27 =	vmul.f32 $5.000000000e-01, v31;
	v31 =	vadd.s32 $0x480, v60  }
0x4c7: {  	v13 =	vld [tilespmem:s14+$0x0];
	v17 =	vmul.f32 v14, v17;
	v6 =	vadd.f32 v22, v6;
	v38 =	vsub.s32 $0x5F3759DF, v16  }
0x4c8: {  	v22 =	vld [tilespmem:s14+$0xFFFFFFE0];
	v63 =	vadd.s32 $0x240, v30;
	v43 =	vadd.s32 $0x480, v30;
	v47 =	vmul.f32 v38, v27  }
0x4c9: {  	v51 =	vmax.f32 v7, $1.000000000e-30;
	v8 =	vadd.f32 v35, v6;
	v6 =	vmax.f32 v9, $1.000000000e-30;
	v25 =	vld.idx.msk [tilespmem:v25+s29+$0x0], $0xffff  }
0x4ca: {  	v23 =	vmul.f32 v10, v23;
	v16 =	vshrl.u32 v6, $0x1;
	v32 =	vmul.f32 $5.000000000e-01, v6;
	v42 =	vld.idx.msk [tilespmem:v30+s29+$0x0], $0xffff  }
0x4cb: {  	v6 =	vsub.f32 $1.500000000e+00, v37;
	v44 =	vsub.s32 $0x5F3759DF, v16;
	v16 =	vsub.f32 v29, v19;
	v29 =	vld [tilespmem:s12+$0x10]  }
0x4cc: {  	v56 =	vmul.f32 v38, v47;
	v23 =	vsub.f32 $1.500000000e+00, v23;
	v41 =	vmax.f32 v8, $1.000000000e-30;
	v31 =	vld.idx.msk [tilespmem:v31+s29+$0x0], $0xffff  }
0x4cd: {  	v37 =	vmul.f32 v58, v58;
	v19 =	vshrl.u32 v41, $0x1;
	v50 =	vmul.f32 v6, v20;
	v20 =	vld.idx.msk [tilespmem:v63+s29+$0x0], $0xffff  }
0x4ce: {  	s13 =	sadd.s32 $0x40, s13;
	v54 =	vmul.f32 v44, v32;
	v6 =	vsub.f32 v34, v62;
	v59 =	vld.idx.msk [tilespmem:v43+s29+$0x0], $0xffff;
	v48 =	vmul.f32 v16, v16  }
0x4cf: {  	v63 =	vld [tilespmem:s13+$0x10];
	v16 =	vmul.f32 $5.000000000e-01, v41;
	v30 =	vsub.s32 $0x5F3759DF, v19;
	v19 =	vsub.f32 $1.500000000e+00, v17  }
0x4d0: {  	v43 =	vld [tilespmem:s13+$0x0];
	v17 =	vsub.f32 v22, v25;
	v6 =	vmul.f32 v6, v6;
	v25 =	vsub.f32 v40, v33  }
0x4d1: {  	v40 =	vmul.f32 v10, v23;
	v33 =	vmul.f32 v12, v18;
	v24 =	vsub.f32 v24, v42  }
0x4d2: {  	v60 =	vld [tilespmem:s14+$0xFFFFFFF0];
	v17 =	vmul.f32 v17, v17;
	v6 =	vadd.f32 v6, v48;
	v25 =	vmul.f32 v25, v25  }
0x4d3: {  	v23 =	vld.idx.msk [tilespmem:v46+s29+$0x0], $0xffff;
	v13 =	vsub.f32 v13, v31;
	v61 =	vmul.f32 v40, v26;
	v22 =	vmul.f32 v24, v24  }
0x4d4: {  	v57 =	vld [tilespmem:s12+$0xFFFFFFF0];
	v24 =	vmul.f32 v44, v54;
	v20 =	vsub.f32 v29, v20;
	v18 =	vsub.f32 v55, v59  }
0x4d5: {  	v31 =	vld.idx.msk [tilespmem:v45+s29+$0x0], $0xffff;
	v59 =	vshrl.u32 v51, $0x1;
	v48 =	vadd.s32 $0x240, v63;
	v53 =	vadd.s32 $0x240, v43  }
0x4d6: {  	v36 =	vld.idx.msk [tilespmem:v36+s29+$0x0], $0xffff;
	v54 =	vadd.s32 $0x480, v63;
	v6 =	vadd.f32 v17, v6;
	v10 =	vmul.f32 v13, v13  }
0x4d7: {  	v29 =	vld [tilespmem:s15+$0xFFFFFFF0];
	v62 =	vmul.f32 v61, v40;
	v17 =	vsub.f32 $1.500000000e+00, v24;
	v20 =	vmul.f32 v20, v20  }
0x4d8: {  	v24 =	vadd.f32 v37, v25;
	v23 =	vsub.f32 v60, v23;
	v13 =	vmax.f32 v6, $1.000000000e-30  }
0x4d9: {  	v45 =	vld [tilespmem:s13+$0xFFFFFFF0];
	v25 =	vmul.f32 v44, v17;
	v17 =	vshrl.u32 v13, $0x1;
	v20 =	vadd.f32 v20, v22  }
0x4da: {  	v13 =	vmul.f32 $5.000000000e-01, v13;
	v22 =	vld [tilespmem:s13+$0xFFFFFFE0];
	v31 =	vsub.f32 v57, v31;
	v10 =	vadd.f32 v10, v24  }
0x4db: {  	v24 =	vmul.f32 v50, v15;
	v23 =	vmul.f32 v23, v23;
	v17 =	vsub.s32 $0x5F3759DF, v17  }
0x4dc: {  	v29 =	vsub.f32 v29, v36;
	v42 =	vmul.f32 v17, v13;
	v12 =	vmul.f32 v31, v31  }
0x4dd: {  	v35 =	vsub.f32 $1.500000000e+00, v62;
	v31 =	vmul.f32 v30, v16;
	v24 =	vmul.f32 v24, v50  }
0x4de: {  	s16 =	sadd.s32 $0x40, s12;
	v57 =	vadd.s32 $0x480, v45;
	v58 =	vmul.f32 v25, v32;
	v15 =	vmul.f32 v29, v29  }
0x4df: {  	v39 =	vld [tilespmem:s16+$0xFFFFFFE0];
	v29 =	vsub.f32 $1.500000000e+00, v56;
	v44 =	vsub.f32 $1.500000000e+00, v24;
	v42 =	vmul.f32 v17, v42  }
0x4e0: {  	s17 =	sadd.s32 $0x40, s14;
	v37 =	vld.idx.msk [tilespmem:v63+s29+$0x0], $0xffff;
	v63 =	vmul.f32 v30, v31;
	v12 =	vadd.f32 v12, v15;
	v36 =	vadd.s32 $0x480, v22  }
0x4e1: {  	v47 =	vld [tilespmem:s17+$0x0];
	v15 =	vmul.f32 v18, v18;
	v18 =	vadd.s32 $0x240, v22;
	v38 =	vmul.f32 v38, v29  }
0x4e2: {  	s15 =	sadd.s32 $0x40, s15;
	v29 =	vadd.s32 $0x480, v43;
	v31 =	vsub.f32 $1.500000000e+00, v42;
	v60 =	vld.idx.msk [tilespmem:v22+s29+$0x0], $0xffff;
	v22 =	vmul.f32 v58, v25  }
0x4e3: {  	v52 =	vld [tilespmem:s15+$0x10];
	v15 =	vadd.f32 v15, v20;
	v12 =	vadd.f32 v23, v12;
	v62 =	vmul.f32 v38, v27  }
0x4e4: {  	v34 =	vld [tilespmem:s15+$0xFFFFFFE0];
	v23 =	vsub.s32 $0x5F3759DF, v59;
	v46 =	vsub.f32 $1.500000000e+00, v22;
	v22 =	vmul.f32 $5.000000000e-01, v51  }
0x4e5: {  	v20 =	vmax.f32 v15, $1.000000000e-30;
	v41 =	vmul.f32 v62, v38;
	v59 =	vld.idx.msk [tilespmem:v36+s29+$0x0], $0xffff;
	v36 =	vmul.f32 v33, v28  }
0x4e6: {  	v61 =	vshrl.u32 v20, $0x1;
	v20 =	vmul.f32 $5.000000000e-01, v20;
	v51 =	vld [tilespmem:s17+$0xFFFFFFE0];
	v58 =	vmul.f32 v23, v22  }
0x4e7: {  	v49 =	vmax.f32 v12, $1.000000000e-30;
	v56 =	vld.idx.msk [tilespmem:v18+s29+$0x0], $0xffff;
	v25 =	vmul.f32 v46, v25;
	v46 =	vmul.f32 v36, v33  }
0x4e8: {  	v36 =	vsub.f32 $1.500000000e+00, v41;
	v41 =	vld.idx.msk [tilespmem:v43+s29+$0x0], $0xffff;
	v43 =	vmul.f32 v44, v50;
	v50 =	vsub.f32 v52, v37  }
0x4e9: {  	v62 =	vld.idx.msk [tilespmem:v29+s29+$0x0], $0xffff;
	v55 =	vsub.s32 $0x5F3759DF, v61;
	v52 =	vsub.f32 $1.500000000e+00, v63;
	v18 =	vsub.f32 v34, v60  }
0x4ea: {  	v48 =	vld.idx.msk [tilespmem:v48+s29+$0x0], $0xffff;
	v36 =	vmul.f32 v36, v38;
	v37 =	vmul.f32 v23, v58;
	v42 =	vsub.f32 $1.500000000e+00, v46  }
0x4eb: {  	v61 =	vld [tilespmem:s15+$0x0];
	v50 =	vmul.f32 v50, v50;
	v60 =	vmul.f32 v18, v18;
	v18 =	vshrl.u32 v49, $0x1  }
0x4ec: {  	v44 =	vld.idx.msk [tilespmem:v53+s29+$0x0], $0xffff;
	v51 =	vsub.f32 v51, v59;
	v53 =	vsub.f32 v39, v56;
	v39 =	vmul.f32 v35, v40  }
0x4ed: {  	v38 =	vld [tilespmem:s16+$0x0];
	v24 =	vsub.s32 $0x5F3759DF, v18;
	v18 =	vmul.f32 $5.000000000e-01, v49;
	v49 =	vmul.f32 v55, v20  }
0x4ee: {  	v46 =	vld [tilespmem:s16+$0x10];
	v47 =	vsub.f32 v47, v62;
	v63 =	vmul.f32 v36, v27;
	v27 =	vmul.f32 v30, v52  }
0x4ef: {  	v34 =	vadd.s32 $0x240, v45;
	v51 =	vmul.f32 v51, v51;
	v58 =	vmul.f32 v53, v53  }
0x4f0: {  	v59 =	vsub.f32 v61, v41;
	v41 =	vmul.f32 v42, v33;
	v47 =	vmul.f32 v47, v47  }
0x4f1: {  	v29 =	vmax.f32 v10, $1.000000000e-30;
	v49 =	vmul.f32 v55, v49;
	v52 =	vmul.f32 v63, v36  }
0x4f2: {  	v33 =	vld [tilespmem:s17+$0x10];
	v63 =	vmul.f32 v39, v26;
	v42 =	vmul.f32 v27, v16;
	v38 =	vsub.f32 v38, v44  }
0x4f3: {  	v53 =	vld [tilespmem:s16+$0xFFFFFFF0];
	v30 =	vadd.f32 v58, v60;
	v61 =	vmul.f32 v59, v59;
	v62 =	vsub.f32 v46, v48  }
0x4f4: {  	v28 =	vmul.f32 v41, v28;
	v46 =	vld.idx.msk [tilespmem:v45+s29+$0x0], $0xffff;
	v49 =	vsub.f32 $1.500000000e+00, v49;
	v38 =	vmul.f32 v38, v38  }
0x4f5: {  	v45 =	vmul.f32 v25, v32;
	v48 =	vmul.f32 v63, v39;
	v26 =	vadd.f32 v51, v30;
	v51 =	vld.idx.msk [tilespmem:v34+s29+$0x0], $0xffff  }
0x4f6: {  	v40 =	vmul.f32 v62, v62;
	v30 =	vmul.f32 v55, v49;
	v49 =	vld [tilespmem:s15+$0xFFFFFFF0];
	v56 =	vadd.f32 v38, v61  }
0x4f7: {  	v44 =	vld.idx.msk [tilespmem:v57+s29+$0x0], $0xffff;
	v63 =	vmul.f32 v28, v41;
	v60 =	vmax.f32 v26, $1.000000000e-30;
	v61 =	vmul.f32 v43, v21  }
0x4f8: {  	v62 =	vshrl.u32 v60, $0x1;
	v21 =	vmul.f32 $5.000000000e-01, v60;
	v28 =	vadd.f32 v47, v56;
	v47 =	vld [tilespmem:s17+$0xFFFFFFF0]  }
0x4f9: {  	s18 =	simm.s32 $0xC0;
	s19 =	sadd.s32 $0x40, s13;
	v38 =	vld.idx.msk [tilespmem:v54+s29+$0x0], $0xffff;
	v43 =	vadd.f32 v40, v50;
	v50 =	vsub.f32 $1.500000000e+00, v52;
	v35 =	vsub.s32 $0x5F3759DF, v62  }
0x4fa: {  	s14 =	simm.s32 $0x7560;
	s12 =	simm.s32 $0x75A0;
	s13 =	simm.s32 $0x75E0;
	[tilespmem:s2+$0x10] =	vst v61;
	v34 =	vmul.f32 v35, v21;
	v52 =	vsub.f32 v53, v51;
	v51 =	vsub.f32 $1.500000000e+00, v63  }
.LBB2_25:
0x4fb: {  	v40 =	vld [tilespmem:s19+$0xFFFFFFE0];
	v46 =	vsub.f32 v49, v46;
	s15 =	sadd.s32 $0x40, s15;
	s16 =	sadd.s32 $0x40, s16;
	s17 =	sadd.s32 $0x40, s17;
	v32 =	vmul.f32 v14, v19;
	v48 =	vsub.f32 $1.500000000e+00, v48;
	v19 =	vmovc v31;
	v14 =	vmovc v17  }
0x4fc: {  	s18 =	sadd.s32 $0x40, s18;
	v49 =	vmul.f32 v52, v52;
	v37 =	vsub.f32 $1.500000000e+00, v37;
	v36 =	vmul.f32 v50, v36;
	v17 =	vmovc v35;
	v31 =	vld [tilespmem:s15+$0xFFFFFFE0]  }
0x4fd: {  	v44 =	vsub.f32 v47, v44;
	v41 =	vmul.f32 v51, v41;
	p1 =	slt.u32 s18, $0xC00;
	v35 =	vld [tilespmem:s16+$0xFFFFFFE0];
	v46 =	vmul.f32 v46, v46  }
0x4fe: {  	v33 =	vsub.f32 v33, v38;
	v50 =	vmul.f32 v24, v18;
	v36 =	vmul.f32 v36, v5;
	v5 =	vmovc v7;
	v47 =	vld [tilespmem:s17+$0x0]  }
0x4ff: {  	v42 =	vmul.f32 v42, v27;
	v39 =	vmul.f32 v48, v39;
	v7 =	vmovc v10;
	v51 =	vld [tilespmem:s15+$0x10];
	v38 =	vadd.f32 v49, v46  }
0x500: {  	v33 =	vmul.f32 v33, v33;
	v10 =	vmovc v28;
	v46 =	vadd.s32 $0x240, v40;
	v48 =	vld [tilespmem:s17+$0xFFFFFFE0];
	v49 =	vadd.s32 $0x480, v40;
	[tilespmem:s2+$0x0] =	vst v36  }
0x501: {  	v52 =	vshrl.u32 v29, $0x1;
	v53 =	vmul.f32 v30, v20;
	v41 =	vmul.f32 v41, v2;
	v2 =	vmovc v3;
	v3 =	vmovc v6;
	v36 =	vld [tilespmem:s19+$0x10]  }
0x502: {  	v0 =	vmul.f32 v44, v44;
	v28 =	vadd.f32 v33, v43;
	v33 =	vmul.f32 v39, v4;
	v4 =	vmovc v8;
	v54 =	vld [tilespmem:s19+$0x0]  }
0x503: {  	v42 =	vsub.f32 $1.500000000e+00, v42;
	v44 =	vmul.f32 v45, v25;
	v43 =	vmul.f32 v53, v30;
	v39 =	vld.idx.msk [tilespmem:v40+s29+$0x0], $0xffff;
	[tilespmem:s2+$0xFFFFFFE0] =	vst v41  }
0x504: {  	v6 =	vmovc v26;
	v8 =	vmovc v12;
	v12 =	vadd.f32 v0, v38;
	v40 =	vmax.f32 v28, $1.000000000e-30;
	v41 =	vsub.s32 $0x5F3759DF, v52;
	v45 =	vld [tilespmem:s19+$0xFFFFFFF0];
	[tilespmem:s2+$0xFFFFFFF0] =	vst v33;
	s2 =	smov.u32 s14;
	s14 =	smov.u32 s12;
	s12 =	smov.u32 s13  }
0x505: {  	v43 =	vsub.f32 $1.500000000e+00, v43;
	v38 =	vshrl.u32 v40, $0x1;
	v40 =	vmul.f32 $5.000000000e-01, v40;
	v26 =	vld.idx.msk [tilespmem:v46+s29+$0x0], $0xffff  }
0x506: {  	v37 =	vmul.f32 v23, v37;
	v52 =	vmax.f32 v12, $1.000000000e-30;
	v23 =	vmovc v41;
	v46 =	vld.idx.msk [tilespmem:v49+s29+$0x0], $0xffff;
	v49 =	vadd.s32 $0x240, v36  }
0x507: {  	v56 =	vmul.f32 $5.000000000e-01, v29;
	v55 =	vadd.s32 $0x480, v36;
	v41 =	vld [tilespmem:s15+$0x0];
	v53 =	vadd.s32 $0x240, v54  }
0x508: {  	v57 =	vsub.s32 $0x5F3759DF, v38;
	v38 =	vmul.f32 v37, v22;
	v29 =	vadd.s32 $0x480, v54;
	v33 =	vld [tilespmem:s17+$0x10]  }
0x509: {  	v31 =	vsub.f32 v31, v39;
	v39 =	vsub.f32 $1.500000000e+00, v44;
	v58 =	vadd.s32 $0x240, v45;
	v36 =	vld.idx.msk [tilespmem:v36+s29+$0x0], $0xffff  }
0x50a: {  	v60 =	vmul.f32 v23, v56;
	v61 =	vmul.f32 v38, v37;
	v44 =	vadd.s32 $0x480, v45;
	v59 =	vld [tilespmem:s16+$0x10]  }
0x50b: {  	v63 =	vmul.f32 v32, v11;
	v62 =	vmul.f32 v31, v31;
	v31 =	vshrl.u32 v52, $0x1;
	v49 =	vld.idx.msk [tilespmem:v49+s29+$0x0], $0xffff  }
0x50c: {  	v0 =	vmul.f32 v57, v40;
	v52 =	vmul.f32 $5.000000000e-01, v52;
	v38 =	vld.idx.msk [tilespmem:v55+s29+$0x0], $0xffff;
	v55 =	vsub.s32 $0x5F3759DF, v31  }
0x50d: {  	v30 =	vmul.f32 v43, v30;
	v43 =	vmul.f32 v63, v32;
	v31 =	vsub.f32 $1.500000000e+00, v61;
	v1 =	vld.idx.msk [tilespmem:v29+s29+$0x0], $0xffff  }
0x50e: {  	v34 =	vmul.f32 v17, v34;
	v61 =	vmul.f32 v39, v25;
	v29 =	vmax.f32 v10, $1.000000000e-30;
	v54 =	vld.idx.msk [tilespmem:v54+s29+$0x0], $0xffff  }
0x50f: {  	v50 =	vmul.f32 v24, v50;
	v39 =	vsub.f32 v51, v36;
	v36 =	vmul.f32 v31, v37;
	v53 =	vld.idx.msk [tilespmem:v53+s29+$0x0], $0xffff  }
0x510: {  	v25 =	vmovc v30;
	v31 =	vsub.f32 $1.500000000e+00, v34;
	v37 =	vmul.f32 v23, v60;
	v34 =	vsub.f32 $1.500000000e+00, v43;
	v51 =	vld [tilespmem:s16+$0x0]  }
0x511: {  	v0 =	vmul.f32 v57, v0;
	v30 =	vsub.f32 v48, v46;
	v43 =	vmul.f32 v39, v39  }
0x512: {  	v26 =	vsub.f32 v35, v26;
	v35 =	vsub.f32 $1.500000000e+00, v50;
	v46 =	vmul.f32 v36, v22;
	v22 =	vmovc v56  }
0x513: {  	v30 =	vmul.f32 v30, v30;
	v39 =	vmul.f32 v42, v27;
	v1 =	vsub.f32 v47, v1  }
0x514: {  	v0 =	vsub.f32 $1.500000000e+00, v0;
	v26 =	vmul.f32 v26, v26;
	v41 =	vsub.f32 v41, v54  }
0x515: {  	v27 =	vmul.f32 v24, v35;
	v24 =	vmovc v55;
	v50 =	vmul.f32 v46, v36;
	v42 =	vsub.f32 v51, v53  }
0x516: {  	v26 =	vadd.f32 v26, v62;
	v35 =	vmul.f32 v41, v41;
	v41 =	vmul.f32 v34, v32;
	v51 =	vld [tilespmem:s16+$0xFFFFFFF0]  }
0x517: {  	v16 =	vmul.f32 v39, v16;
	v34 =	vsub.f32 v59, v49;
	v46 =	vld.idx.msk [tilespmem:v45+s29+$0x0], $0xffff;
	v32 =	vmul.f32 v42, v42  }
0x518: {  	v26 =	vadd.f32 v30, v26;
	v1 =	vmul.f32 v1, v1;
	v11 =	vmul.f32 v41, v11;
	v45 =	vld.idx.msk [tilespmem:v58+s29+$0x0], $0xffff  }
0x519: {  	v30 =	vmul.f32 v57, v0;
	v42 =	vmul.f32 v27, v18;
	v44 =	vld.idx.msk [tilespmem:v44+s29+$0x0], $0xffff;
	v32 =	vadd.f32 v32, v35  }
.Ltmp17:
0x51a: {  	v0 =	vmax.f32 v26, $1.000000000e-30;
	v53 =	vmul.f32 v61, v9;
	v9 =	vmovc v15;
	v15 =	vmovc v28;
	v34 =	vmul.f32 v34, v34;
	v49 =	vld [tilespmem:s15+$0xFFFFFFF0];
	(pc) =	sbr.rel @p1 .LBB2_25-.Ltmp17, $4  }
0x51b: {  	v48 =	vmul.f32 v16, v39;
	v28 =	vshrl.u32 v0, $0x1;
	v0 =	vmul.f32 $5.000000000e-01, v0;
	v16 =	vmovc v18;
	v18 =	vmovc v52  }
0x51c: {  	v35 =	vsub.s32 $0x5F3759DF, v28;
	v43 =	vadd.f32 v34, v43;
	v54 =	vmul.f32 v11, v41;
	v11 =	vmovc v13;
	v47 =	vld [tilespmem:s17+$0xFFFFFFF0];
	[tilespmem:s2+$0x10] =	vst v53  }
0x51d: {  	v50 =	vsub.f32 $1.500000000e+00, v50;
	v34 =	vmul.f32 v35, v0;
	v28 =	vadd.f32 v1, v32;
	v13 =	vmovc v21;
	v21 =	vmovc v0  }
0x51e: {  	s19 =	sadd.s32 $0x40, s19;
	s13 =	sadd.s32 $0x40, s13;
	v52 =	vsub.f32 v51, v45;
	v45 =	vmul.f32 v25, v20;
	v51 =	vsub.f32 $1.500000000e+00, v54;
	v20 =	vmovc v40  }
.Ltmp18:
0x51f: {  	_ = 	snop;
	(pc) =	sbr.rel .LBB2_26-.Ltmp18, $1  }
0x520: {  	_ =	sdelay $0x3  }
.LBB2_31:
0x521: {  	_ =	sfence.sel $0x180000  }
0x522: {  	[bflag:$0x0] =	sbarrier.arrive $0xFFFF  }
0x523: {  	_ =	strace $0x90000047  }
0x524: {  	s0 =	stileid.u32;
	[bflag:$0x2] =	sbarrier.arrive $0xFFFF  }
0x525: {  	p0 =	sne.s32 s0, $0x0;
	s0 =	rddreg [dreg:$0x5]  }
0x526: {  	s0 =	sadd.s32 @!p0 $0x100000, s0  }
0x527: {  	[sflag:s0] =	ssyncadd.tile.s32 @!p0 $0x1;
	_ =	shalt  }
.Lfunc_end2:
_tile_overlayer_lowered:
.L_overlay_start_2:
0x528: {  	(tag) =	ssettag $0x2  }
0x529: {  	s0 =	rddreg [dreg:$0x0];
	s2 =	stileid.u32  }
0x52a: {  	s1 =	rddreg [dreg:$0x1];
	p0 =	sne.s32 s2, $0x0  }
0x52b: {  	s3 =	rddreg [dreg:$0x2];
	[bflag:$0x3] =	sbarrier.arrive $0xFFFF;
	s2 =	simm.s32 @!p0 $0x1C03  }
0x52c: {  	[timem:s3], [sflag:s2] =	dma.local @!p0 [hbm:s0], s1  }
0x52d: {  	s0 =	simm.s32 @!p0 $0x3  }
0x52e: {  	_ =	swait.ge @!p0 [sflag:s0], s1  }
0x52f: {  	s1 =	ssub.s32 @!p0 $0x0, s1;
	[sflag:s0] =	ssyncset.done @!p0 $0x0  }
0x530: {  	[sflag:s0] =	ssyncadd.s32 @!p0 s1  }
0x531: {  	[bflag:$0x3] =	sbarrier.arrive $0xFFFF  }
0x532: {  	_ =	shalt  }

</sc_bundles>
